<compile_context>
chip_gen: v7x
topology: tpu7x:2x2x1
jax: 0.10.2.dev20260603
libtpu: 0.0.44.dev20260713+nightly
codegen_flags: <defaults>
</compile_context>

<pallas_src>
import functools

import jax
import jax.numpy as jnp
from jax import lax
from jax.experimental import pallas as pl
from jax.experimental.pallas import tpu as pltpu
from jax.experimental.pallas import tpu_sc as plsc

_NCLS = 10
_N = 16384
_L = 16
_NW = 16
_RPW = _N // _NW
_GROUPS = _RPW // _L
_LN2 = 0.6931471805599453
_SQRT2 = 1.4142135623730951


def _vlog(x):
    bits = plsc.bitcast(x, jnp.int32)
    e = lax.shift_right_arithmetic(bits, 23) - 127
    m = plsc.bitcast((bits & 0x007FFFFF) | 0x3F800000, jnp.float32)
    big = m >= _SQRT2
    m2 = jnp.where(big, m * 0.5, m)
    ef = e.astype(jnp.float32)
    e2 = jnp.where(big, ef + 1.0, ef)
    t = (m2 - 1.0) / (m2 + 1.0)
    t2 = t * t
    p = t * (2.0 + t2 * (2.0 / 3.0 + t2 * (2.0 / 5.0 + t2 * (2.0 / 7.0))))
    return e2 * _LN2 + p


def _body(x_hbm, lab_hbm, prior_hbm, out_hbm, pub_hbm,
          x_v, lab_v, prior_v, part_v, red_v, out_v,
          len_idx):
    w = lax.axis_index("s")
    pltpu.sync_copy(x_hbm.at[pl.ds(w * (_RPW * _NCLS), _RPW * _NCLS)], x_v)
    pltpu.sync_copy(lab_hbm.at[pl.ds(w * _RPW, _RPW)], lab_v)
    pltpu.sync_copy(prior_hbm, prior_v)

    lanes = lax.iota(jnp.int32, _L)
    zf = jnp.zeros((_L,), jnp.float32)
    one = zf + 1.0

    for r in range(_L):
        part_v[r, :] = zf

    def grp(g, carry):
        labs, pms, ums, tcs, xss, mss = [], [], [], [], [], []
        for h in range(2):
            gg = g * 2 + h
            lab = lab_v[pl.ds(gg * _L, _L)]
            pm = lab <= _NCLS - 1
            um = jnp.logical_not(pm)
            base = gg * (_L * _NCLS)
            xcs = [plsc.load_gather(x_v, [base + lanes * _NCLS + c])
                   for c in range(_NCLS)]
            mx = xcs[0]
            for c in range(1, _NCLS):
                mx = jnp.maximum(mx, xcs[c])
            es = [jnp.exp(xc - mx) for xc in xcs]
            s = es[0]
            for c in range(1, _NCLS):
                s = s + es[c]
            rinv = 1.0 / s
            ln_s = _vlog(s)
            tcs.append([-_vlog(1.01 - es[c] * rinv) for c in range(_NCLS)])
            labs.append(lab)
            pms.append(pm)
            ums.append(um)
            xss.append(xcs)
            mss.append(mx + ln_s)
        pu2 = zf
        xsel = zf
        for c in range(_NCLS):
            acc = part_v[c, :]
            for h in range(2):
                mcl = ums[h] if c < len_idx else pms[h]
                acc = acc + jnp.where(mcl, tcs[h][c], zf)
                sel = pms[h] & (labs[h] == c)
                pu2 = pu2 + jnp.where(sel, tcs[h][c] * prior_v[c, :], zf)
                xsel = xsel + jnp.where(sel, xss[h][c], zf)
            part_v[c, :] = acc
        part_v[10, :] = part_v[10, :] + pu2
        part_v[11, :] = part_v[11, :] + xsel
        part_v[12, :] = (part_v[12, :]
                         + jnp.where(pms[0], mss[0], zf)
                         + jnp.where(pms[1], mss[1], zf))
        part_v[13, :] = (part_v[13, :]
                         + jnp.where(pms[0], one, zf)
                         + jnp.where(pms[1], one, zf))
        part_v[14, :] = (part_v[14, :]
                         + jnp.where(ums[0], one, zf)
                         + jnp.where(ums[1], one, zf))
        return carry

    lax.fori_loop(0, _GROUPS // 2, grp, jnp.int32(0))

    pv = zf
    for r in range(15):
        pv = jnp.where(lanes == r + 1, zf + jnp.sum(part_v[r, :]), pv)
    part_v[0, :] = pv
    pltpu.sync_copy(part_v.at[0], pub_hbm.at[w])
    plsc.subcore_barrier()

    @pl.when(w == 0)
    def _():
        pltpu.sync_copy(pub_hbm, red_v)
        totv = red_v[0, :]
        for j in range(1, _NW):
            totv = totv + red_v[j, :]
        out_v[...] = totv
        tb = [plsc.load_gather(out_v, [lanes * 0 + (r + 1)]) for r in range(15)]
        prior0_b = prior_v[10, :]
        n_p_v = tb[13]
        n_u_v = tb[14]
        mx_p_v = jnp.maximum(n_p_v, one)
        mx_u_v = jnp.maximum(n_u_v, one)
        w_u_v = one / (mx_u_v * float(len_idx))
        w_p = prior0_b / (mx_p_v * float(_NCLS - len_idx))
        pc = zf
        for c in range(_NCLS):
            pc = pc + tb[c] * (w_u_v if c < len_idx else w_p)
        pul_v = pc - tb[10] / mx_p_v
        cl_v = (tb[12] - tb[11]) / n_p_v
        ov = jnp.where(lanes == 1, pul_v, cl_v)
        ov = jnp.where(lanes >= 3, zf, ov)
        out_v[...] = ov
        pltpu.sync_copy(out_v, out_hbm)


def kernel(outputs, labels, priorlist, indexlist):
    len_idx = int(indexlist.shape[0])
    x = outputs.astype(jnp.float32).reshape(-1)
    lab = labels.astype(jnp.int32)
    pf = priorlist.astype(jnp.float32)
    prior_bc = jnp.concatenate([pf, pf[indexlist[0]][None]])
    prior_bc = jnp.broadcast_to(prior_bc[:, None], (_NCLS + 1, _L))
    mesh = plsc.VectorSubcoreMesh(
        core_axis_name="c", subcore_axis_name="s", num_cores=1,
        num_subcores=_NW)
    out, _ = pl.kernel(
        functools.partial(_body, len_idx=len_idx),
        out_type=(jax.ShapeDtypeStruct((_L,), jnp.float32),
                  jax.ShapeDtypeStruct((_NW, _L), jnp.float32)),
        mesh=mesh,
        compiler_params=pltpu.CompilerParams(needs_layout_passes=False),
        scratch_types=[
            pltpu.VMEM((_RPW * _NCLS,), jnp.float32),
            pltpu.VMEM((_RPW,), jnp.int32),
            pltpu.VMEM((_NCLS + 1, _L), jnp.float32),
            pltpu.VMEM((_L, _L), jnp.float32),
            pltpu.VMEM((_NW, _L), jnp.float32),
            pltpu.VMEM((_L,), jnp.float32),
        ],
    )(x, lab, prior_bc)
    return (out[0], out[1:2], out[2])

# --- scband reference (transcript-rebuilt; emitter-appended) ---
"""Pipeline reference for scband-mpuloss-index-180388627001 (READ-ONLY COPY).

The authoritative reference and input builder live on the scoring server;
editing this copy changes nothing except your own understanding.
"""

import jax, jax.numpy as jnp
import numpy as np

NUM_CLASS = 10
PU_W = 1.0

def setup_inputs(seed: int = 0) -> dict:
    key = jax.random.key(seed)
    k1, k2, k3 = jax.random.split(key, 3)
    outputs = jax.random.normal(k1, (16384, NUM_CLASS), dtype=jnp.float32)
    labels = jax.random.randint(k2, (16384,), 0, 11).astype(jnp.int64)
    priorlist = jax.random.uniform(k3, (NUM_CLASS,), dtype=jnp.float32)
    indexlist = jnp.arange(3).astype(jnp.int64)
    return {"outputs": outputs, "labels": labels, "priorlist": priorlist, "indexlist": indexlist}

def reference(outputs, labels, priorlist, indexlist):
    numClass = NUM_CLASS
    outputs = outputs.astype(jnp.float32)
    outputs_soft = jax.nn.softmax(outputs, axis=1)
    P_mask = labels <= numClass - 1
    U_mask = labels > numClass - 1
    nP = jnp.sum(P_mask)
    nU = jnp.sum(U_mask)
    len_idx = int(indexlist.shape[0])
    # per-class column sums of -log(1 - p + 0.01)
    sU = jnp.sum(jnp.where(U_mask[:, None], -jnp.log(1.0 - outputs_soft + 0.01), 0.0), axis=0)
    sP = jnp.sum(jnp.where(P_mask[:, None], -jnp.log(1.0 - outputs_soft + 0.01), 0.0), axis=0)
    in_idx = jnp.isin(jnp.arange(numClass), indexlist)
    prior0 = priorlist[indexlist[0]]
    per_class = jnp.where(
        in_idx,
        sU / jnp.maximum(1, nU) / len_idx,
        sP * prior0 / jnp.maximum(1, nP) / (numClass - len_idx),
    )
    PULoss = jnp.sum(per_class)
    # pu2: gather softmax prob at the true positive label, weighted by prior
    labels_safe = jnp.where(P_mask, labels, 0)
    x = jnp.take_along_axis(outputs_soft, labels_safe[:, None], axis=1)[:, 0]
    pu2 = jnp.sum(jnp.where(P_mask, -jnp.log(1.0 - x + 0.01) * priorlist[labels_safe], 0.0))
    PULoss = PULoss - pu2 / jnp.maximum(1, nP)
    # cross entropy on positives only
    logp = jax.nn.log_softmax(outputs, axis=1)
    ce = jnp.take_along_axis(logp, labels_safe[:, None], axis=1)[:, 0]
    crossloss = -jnp.sum(jnp.where(P_mask, ce, 0.0)) / nP
    objective = crossloss
    return (objective, jnp.reshape(PULoss * PU_W, (1,)), crossloss)

if __name__ == "__main__":
    import jax
    _d = setup_inputs()
    print(jax.jit(kernel)(*tuple(_d.values())))

</pallas_src>

<mosaic_0001>
#map = affine_map<(d0, d1) -> (0)>
#map1 = affine_map<(d0, d1) -> (0, 0)>
module attributes {stable_mosaic.version = 14 : i64} {
  func.func @_body(%arg0: i32, %arg1: i32, %arg2: memref<163840xf32, #tpu.memory_space<hbm>>, %arg3: memref<16384xi32, #tpu.memory_space<hbm>>, %arg4: memref<11x16xf32, #tpu.memory_space<hbm>>, %arg5: memref<16xf32, #tpu.memory_space<hbm>>, %arg6: memref<16x16xf32, #tpu.memory_space<hbm>>, %arg7: memref<10240xf32, #tpu.memory_space<vmem>>, %arg8: memref<1024xi32, #tpu.memory_space<vmem>>, %arg9: memref<11x16xf32, #tpu.memory_space<vmem>>, %arg10: memref<16x16xf32, #tpu.memory_space<vmem>>, %arg11: memref<16x16xf32, #tpu.memory_space<vmem>>, %arg12: memref<16xf32, #tpu.memory_space<vmem>>) attributes {dimension_semantics = [#tpu.dimension_semantics<core_parallel>, #tpu.dimension_semantics<subcore_parallel>], iteration_bounds = array<i64: 1, 16>, scalar_prefetch = 0 : i64, scratch_operands = 6 : i64, tpu.core_type = #tpu.core_type<sc_vector_subcore>, window_params = [{transform_indices = #map}, {transform_indices = #map}, {transform_indices = #map1}, {transform_indices = #map}, {transform_indices = #map1}]} {
    %mul3A = arith.constant 10240 : i32
    %mul3A_0 = arith.muli %arg1, %mul3A : i32
    "tpu.region"() ({
      %run_scoped3A_287 = tpu.sem_alloc : memref<!tpu.dma_semaphore, #tpu.memory_space<semaphore_mem>>
      %dma_start3A = tpu.memref_slice %arg2[%mul3A_0] : memref<163840xf32, #tpu.memory_space<hbm>> -> memref<10240xf32, #tpu.memory_space<hbm>>
      %dma_start3A_288 = tpu.memref_slice %arg2[%mul3A_0] : memref<163840xf32, #tpu.memory_space<hbm>> -> memref<10240xf32, #tpu.memory_space<hbm>>
      tpu.enqueue_dma source(%dma_start3A_288 : memref<10240xf32, #tpu.memory_space<hbm>>) target(%arg7 : memref<10240xf32, #tpu.memory_space<vmem>>) target_semaphore(%run_scoped3A_287 : memref<!tpu.dma_semaphore, #tpu.memory_space<semaphore_mem>>)
      %dma_wait3A = tpu.memref_slice %arg2[%mul3A_0] : memref<163840xf32, #tpu.memory_space<hbm>> -> memref<10240xf32, #tpu.memory_space<hbm>>
      %dma_wait3A_289 = tpu.memref_slice %arg2[%mul3A_0] : memref<163840xf32, #tpu.memory_space<hbm>> -> memref<10240xf32, #tpu.memory_space<hbm>>
      tpu.wait_dma2 semaphore(%run_scoped3A_287 : memref<!tpu.dma_semaphore, #tpu.memory_space<semaphore_mem>>) src(%dma_wait3A_289 : memref<10240xf32, #tpu.memory_space<hbm>>) dst(%arg7 : memref<10240xf32, #tpu.memory_space<vmem>>)
      tpu.yield
    }) : () -> ()
    %mul3A_1 = arith.constant 1024 : i32
    %mul3A_2 = arith.muli %arg1, %mul3A_1 : i32
    "tpu.region"() ({
      %run_scoped3A_287 = tpu.sem_alloc : memref<!tpu.dma_semaphore, #tpu.memory_space<semaphore_mem>>
      %dma_start3A = tpu.memref_slice %arg3[%mul3A_2] : memref<16384xi32, #tpu.memory_space<hbm>> -> memref<1024xi32, #tpu.memory_space<hbm>>
      %dma_start3A_288 = tpu.memref_slice %arg3[%mul3A_2] : memref<16384xi32, #tpu.memory_space<hbm>> -> memref<1024xi32, #tpu.memory_space<hbm>>
      tpu.enqueue_dma source(%dma_start3A_288 : memref<1024xi32, #tpu.memory_space<hbm>>) target(%arg8 : memref<1024xi32, #tpu.memory_space<vmem>>) target_semaphore(%run_scoped3A_287 : memref<!tpu.dma_semaphore, #tpu.memory_space<semaphore_mem>>)
      %dma_wait3A = tpu.memref_slice %arg3[%mul3A_2] : memref<16384xi32, #tpu.memory_space<hbm>> -> memref<1024xi32, #tpu.memory_space<hbm>>
      %dma_wait3A_289 = tpu.memref_slice %arg3[%mul3A_2] : memref<16384xi32, #tpu.memory_space<hbm>> -> memref<1024xi32, #tpu.memory_space<hbm>>
      tpu.wait_dma2 semaphore(%run_scoped3A_287 : memref<!tpu.dma_semaphore, #tpu.memory_space<semaphore_mem>>) src(%dma_wait3A_289 : memref<1024xi32, #tpu.memory_space<hbm>>) dst(%arg8 : memref<1024xi32, #tpu.memory_space<vmem>>)
      tpu.yield
    }) : () -> ()
    "tpu.region"() ({
      %run_scoped3A_287 = tpu.sem_alloc : memref<!tpu.dma_semaphore, #tpu.memory_space<semaphore_mem>>
      tpu.enqueue_dma source(%arg4 : memref<11x16xf32, #tpu.memory_space<hbm>>) target(%arg9 : memref<11x16xf32, #tpu.memory_space<vmem>>) target_semaphore(%run_scoped3A_287 : memref<!tpu.dma_semaphore, #tpu.memory_space<semaphore_mem>>)
      tpu.wait_dma2 semaphore(%run_scoped3A_287 : memref<!tpu.dma_semaphore, #tpu.memory_space<semaphore_mem>>) src(%arg4 : memref<11x16xf32, #tpu.memory_space<hbm>>) dst(%arg9 : memref<11x16xf32, #tpu.memory_space<vmem>>)
      tpu.yield
    }) : () -> ()
    %iota3A = tpu.iota {dimensions = array<i32: 0>} : vector<16xi32>
    %broadcast_in_dim3A = arith.constant 0.000000e+00 : f32
    %broadcast_in_dim3A_3 = vector.broadcast %broadcast_in_dim3A : f32 to vector<16xf32>
    %add3A = arith.constant 1.000000e+00 : f32
    %add3A_4 = vector.broadcast %add3A : f32 to vector<16xf32>
    %add3A_5 = arith.addf %broadcast_in_dim3A_3, %add3A_4 : vector<16xf32>
    %swap3A = arith.constant 0 : i32
    %swap3A_6 = arith.index_cast %swap3A : i32 to index
    %swap3A_7 = arith.constant 0 : index
    %swap3A_8 = tpu.vector_load %arg10[%swap3A_6, %swap3A_7] {strides = array<i32>} : memref<16x16xf32, #tpu.memory_space<vmem>>, vector<16xf32>,
    tpu.vector_store %arg10[%swap3A_6, %swap3A_7], %broadcast_in_dim3A_3 {strides = array<i32>} : memref<16x16xf32, #tpu.memory_space<vmem>>, vector<16xf32>,
    %swap3A_9 = arith.constant 1 : i32
    %swap3A_10 = arith.index_cast %swap3A_9 : i32 to index
    %swap3A_11 = arith.constant 0 : index
    %swap3A_12 = tpu.vector_load %arg10[%swap3A_10, %swap3A_11] {strides = array<i32>} : memref<16x16xf32, #tpu.memory_space<vmem>>, vector<16xf32>,
    tpu.vector_store %arg10[%swap3A_10, %swap3A_11], %broadcast_in_dim3A_3 {strides = array<i32>} : memref<16x16xf32, #tpu.memory_space<vmem>>, vector<16xf32>,
    %swap3A_13 = arith.constant 2 : i32
    %swap3A_14 = arith.index_cast %swap3A_13 : i32 to index
    %swap3A_15 = arith.constant 0 : index
    %swap3A_16 = tpu.vector_load %arg10[%swap3A_14, %swap3A_15] {strides = array<i32>} : memref<16x16xf32, #tpu.memory_space<vmem>>, vector<16xf32>,
    tpu.vector_store %arg10[%swap3A_14, %swap3A_15], %broadcast_in_dim3A_3 {strides = array<i32>} : memref<16x16xf32, #tpu.memory_space<vmem>>, vector<16xf32>,
    %swap3A_17 = arith.constant 3 : i32
    %swap3A_18 = arith.index_cast %swap3A_17 : i32 to index
    %swap3A_19 = arith.constant 0 : index
    %swap3A_20 = tpu.vector_load %arg10[%swap3A_18, %swap3A_19] {strides = array<i32>} : memref<16x16xf32, #tpu.memory_space<vmem>>, vector<16xf32>,
    tpu.vector_store %arg10[%swap3A_18, %swap3A_19], %broadcast_in_dim3A_3 {strides = array<i32>} : memref<16x16xf32, #tpu.memory_space<vmem>>, vector<16xf32>,
    %swap3A_21 = arith.constant 4 : i32
    %swap3A_22 = arith.index_cast %swap3A_21 : i32 to index
    %swap3A_23 = arith.constant 0 : index
    %swap3A_24 = tpu.vector_load %arg10[%swap3A_22, %swap3A_23] {strides = array<i32>} : memref<16x16xf32, #tpu.memory_space<vmem>>, vector<16xf32>,
    tpu.vector_store %arg10[%swap3A_22, %swap3A_23], %broadcast_in_dim3A_3 {strides = array<i32>} : memref<16x16xf32, #tpu.memory_space<vmem>>, vector<16xf32>,
    %swap3A_25 = arith.constant 5 : i32
    %swap3A_26 = arith.index_cast %swap3A_25 : i32 to index
    %swap3A_27 = arith.constant 0 : index
    %swap3A_28 = tpu.vector_load %arg10[%swap3A_26, %swap3A_27] {strides = array<i32>} : memref<16x16xf32, #tpu.memory_space<vmem>>, vector<16xf32>,
    tpu.vector_store %arg10[%swap3A_26, %swap3A_27], %broadcast_in_dim3A_3 {strides = array<i32>} : memref<16x16xf32, #tpu.memory_space<vmem>>, vector<16xf32>,
    %swap3A_29 = arith.constant 6 : i32
    %swap3A_30 = arith.index_cast %swap3A_29 : i32 to index
    %swap3A_31 = arith.constant 0 : index
    %swap3A_32 = tpu.vector_load %arg10[%swap3A_30, %swap3A_31] {strides = array<i32>} : memref<16x16xf32, #tpu.memory_space<vmem>>, vector<16xf32>,
    tpu.vector_store %arg10[%swap3A_30, %swap3A_31], %broadcast_in_dim3A_3 {strides = array<i32>} : memref<16x16xf32, #tpu.memory_space<vmem>>, vector<16xf32>,
    %swap3A_33 = arith.constant 7 : i32
    %swap3A_34 = arith.index_cast %swap3A_33 : i32 to index
    %swap3A_35 = arith.constant 0 : index
    %swap3A_36 = tpu.vector_load %arg10[%swap3A_34, %swap3A_35] {strides = array<i32>} : memref<16x16xf32, #tpu.memory_space<vmem>>, vector<16xf32>,
    tpu.vector_store %arg10[%swap3A_34, %swap3A_35], %broadcast_in_dim3A_3 {strides = array<i32>} : memref<16x16xf32, #tpu.memory_space<vmem>>, vector<16xf32>,
    %swap3A_37 = arith.constant 8 : i32
    %swap3A_38 = arith.index_cast %swap3A_37 : i32 to index
    %swap3A_39 = arith.constant 0 : index
    %swap3A_40 = tpu.vector_load %arg10[%swap3A_38, %swap3A_39] {strides = array<i32>} : memref<16x16xf32, #tpu.memory_space<vmem>>, vector<16xf32>,
    tpu.vector_store %arg10[%swap3A_38, %swap3A_39], %broadcast_in_dim3A_3 {strides = array<i32>} : memref<16x16xf32, #tpu.memory_space<vmem>>, vector<16xf32>,
    %swap3A_41 = arith.constant 9 : i32
    %swap3A_42 = arith.index_cast %swap3A_41 : i32 to index
    %swap3A_43 = arith.constant 0 : index
    %swap3A_44 = tpu.vector_load %arg10[%swap3A_42, %swap3A_43] {strides = array<i32>} : memref<16x16xf32, #tpu.memory_space<vmem>>, vector<16xf32>,
    tpu.vector_store %arg10[%swap3A_42, %swap3A_43], %broadcast_in_dim3A_3 {strides = array<i32>} : memref<16x16xf32, #tpu.memory_space<vmem>>, vector<16xf32>,
    %swap3A_45 = arith.constant 10 : i32
    %swap3A_46 = arith.index_cast %swap3A_45 : i32 to index
    %swap3A_47 = arith.constant 0 : index
    %swap3A_48 = tpu.vector_load %arg10[%swap3A_46, %swap3A_47] {strides = array<i32>} : memref<16x16xf32, #tpu.memory_space<vmem>>, vector<16xf32>,
    tpu.vector_store %arg10[%swap3A_46, %swap3A_47], %broadcast_in_dim3A_3 {strides = array<i32>} : memref<16x16xf32, #tpu.memory_space<vmem>>, vector<16xf32>,
    %swap3A_49 = arith.constant 11 : i32
    %swap3A_50 = arith.index_cast %swap3A_49 : i32 to index
    %swap3A_51 = arith.constant 0 : index
    %swap3A_52 = tpu.vector_load %arg10[%swap3A_50, %swap3A_51] {strides = array<i32>} : memref<16x16xf32, #tpu.memory_space<vmem>>, vector<16xf32>,
    tpu.vector_store %arg10[%swap3A_50, %swap3A_51], %broadcast_in_dim3A_3 {strides = array<i32>} : memref<16x16xf32, #tpu.memory_space<vmem>>, vector<16xf32>,
    %swap3A_53 = arith.constant 12 : i32
    %swap3A_54 = arith.index_cast %swap3A_53 : i32 to index
    %swap3A_55 = arith.constant 0 : index
    %swap3A_56 = tpu.vector_load %arg10[%swap3A_54, %swap3A_55] {strides = array<i32>} : memref<16x16xf32, #tpu.memory_space<vmem>>, vector<16xf32>,
    tpu.vector_store %arg10[%swap3A_54, %swap3A_55], %broadcast_in_dim3A_3 {strides = array<i32>} : memref<16x16xf32, #tpu.memory_space<vmem>>, vector<16xf32>,
    %swap3A_57 = arith.constant 13 : i32
    %swap3A_58 = arith.index_cast %swap3A_57 : i32 to index
    %swap3A_59 = arith.constant 0 : index
    %swap3A_60 = tpu.vector_load %arg10[%swap3A_58, %swap3A_59] {strides = array<i32>} : memref<16x16xf32, #tpu.memory_space<vmem>>, vector<16xf32>,
    tpu.vector_store %arg10[%swap3A_58, %swap3A_59], %broadcast_in_dim3A_3 {strides = array<i32>} : memref<16x16xf32, #tpu.memory_space<vmem>>, vector<16xf32>,
    %swap3A_61 = arith.constant 14 : i32
    %swap3A_62 = arith.index_cast %swap3A_61 : i32 to index
    %swap3A_63 = arith.constant 0 : index
    %swap3A_64 = tpu.vector_load %arg10[%swap3A_62, %swap3A_63] {strides = array<i32>} : memref<16x16xf32, #tpu.memory_space<vmem>>, vector<16xf32>,
    tpu.vector_store %arg10[%swap3A_62, %swap3A_63], %broadcast_in_dim3A_3 {strides = array<i32>} : memref<16x16xf32, #tpu.memory_space<vmem>>, vector<16xf32>,
    %swap3A_65 = arith.constant 15 : i32
    %swap3A_66 = arith.index_cast %swap3A_65 : i32 to index
    %swap3A_67 = arith.constant 0 : index
    %swap3A_68 = tpu.vector_load %arg10[%swap3A_66, %swap3A_67] {strides = array<i32>} : memref<16x16xf32, #tpu.memory_space<vmem>>, vector<16xf32>,
    tpu.vector_store %arg10[%swap3A_66, %swap3A_67], %broadcast_in_dim3A_3 {strides = array<i32>} : memref<16x16xf32, #tpu.memory_space<vmem>>, vector<16xf32>,
    %scan3A = arith.constant 0 : i32
    %scan3A_69 = arith.constant 0 : i32
    %scan3A_70 = arith.constant 32 : i32
    %scan3A_71 = arith.addi %scan3A_69, %scan3A_70 : i32
    %scan3A_72 = arith.constant 1 : i32
    scf.for %scan3A_287 = %scan3A_69 to %scan3A_71 step %scan3A_72  : i32 {
      %mul3A_288 = arith.constant 2 : i32
      %mul3A_289 = arith.muli %scan3A_287, %mul3A_288 : i32
      %add3A_290 = arith.constant 0 : i32
      %add3A_291 = arith.addi %mul3A_289, %add3A_290 : i32
      %mul3A_292 = arith.constant 16 : i32
      %mul3A_293 = arith.muli %add3A_291, %mul3A_292 : i32
      %get3A_294 = arith.index_cast %mul3A_293 : i32 to index
      %get3A_295 = tpu.vector_load %arg8[%get3A_294] {strides = array<i32>} : memref<1024xi32, #tpu.memory_space<vmem>>, vector<16xi32>,
      %le3A = arith.constant 9 : i32
      %le3A_296 = vector.broadcast %le3A : i32 to vector<16xi32>
      %le3A_297 = arith.cmpi sle, %get3A_295, %le3A_296 : vector<16xi32>
      %not3A = arith.constant dense<true> : vector<16xi1>
      %not3A_298 = arith.xori %le3A_297, %not3A : vector<16xi1>
      %mul3A_299 = arith.constant 160 : i32
      %mul3A_300 = arith.muli %add3A_291, %mul3A_299 : i32
      %mul3A_301 = arith.constant 10 : i32
      %mul3A_302 = vector.broadcast %mul3A_301 : i32 to vector<16xi32>
      %mul3A_303 = arith.muli %iota3A, %mul3A_302 : vector<16xi32>
      %add3A_304 = vector.broadcast %mul3A_300 : i32 to vector<16xi32>
      %add3A_305 = arith.addi %add3A_304, %mul3A_303 : vector<16xi32>
      %add3A_306 = arith.constant 0 : i32
      %add3A_307 = vector.broadcast %add3A_306 : i32 to vector<16xi32>
      %add3A_308 = arith.addi %add3A_305, %add3A_307 : vector<16xi32>
      %gather3A = tpu.vector_load_idx %arg7[%add3A_308] : memref<10240xf32, #tpu.memory_space<vmem>>[vector<16xi32>], vector<16xf32>,
      %mul3A_309 = arith.constant 10 : i32
      %mul3A_310 = vector.broadcast %mul3A_309 : i32 to vector<16xi32>
      %mul3A_311 = arith.muli %iota3A, %mul3A_310 : vector<16xi32>
      %add3A_312 = vector.broadcast %mul3A_300 : i32 to vector<16xi32>
      %add3A_313 = arith.addi %add3A_312, %mul3A_311 : vector<16xi32>
      %add3A_314 = arith.constant 1 : i32
      %add3A_315 = vector.broadcast %add3A_314 : i32 to vector<16xi32>
      %add3A_316 = arith.addi %add3A_313, %add3A_315 : vector<16xi32>
      %gather3A_317 = tpu.vector_load_idx %arg7[%add3A_316] : memref<10240xf32, #tpu.memory_space<vmem>>[vector<16xi32>], vector<16xf32>,
      %mul3A_318 = arith.constant 10 : i32
      %mul3A_319 = vector.broadcast %mul3A_318 : i32 to vector<16xi32>
      %mul3A_320 = arith.muli %iota3A, %mul3A_319 : vector<16xi32>
      %add3A_321 = vector.broadcast %mul3A_300 : i32 to vector<16xi32>
      %add3A_322 = arith.addi %add3A_321, %mul3A_320 : vector<16xi32>
      %add3A_323 = arith.constant 2 : i32
      %add3A_324 = vector.broadcast %add3A_323 : i32 to vector<16xi32>
      %add3A_325 = arith.addi %add3A_322, %add3A_324 : vector<16xi32>
      %gather3A_326 = tpu.vector_load_idx %arg7[%add3A_325] : memref<10240xf32, #tpu.memory_space<vmem>>[vector<16xi32>], vector<16xf32>,
      %mul3A_327 = arith.constant 10 : i32
      %mul3A_328 = vector.broadcast %mul3A_327 : i32 to vector<16xi32>
      %mul3A_329 = arith.muli %iota3A, %mul3A_328 : vector<16xi32>
      %add3A_330 = vector.broadcast %mul3A_300 : i32 to vector<16xi32>
      %add3A_331 = arith.addi %add3A_330, %mul3A_329 : vector<16xi32>
      %add3A_332 = arith.constant 3 : i32
      %add3A_333 = vector.broadcast %add3A_332 : i32 to vector<16xi32>
      %add3A_334 = arith.addi %add3A_331, %add3A_333 : vector<16xi32>
      %gather3A_335 = tpu.vector_load_idx %arg7[%add3A_334] : memref<10240xf32, #tpu.memory_space<vmem>>[vector<16xi32>], vector<16xf32>,
      %mul3A_336 = arith.constant 10 : i32
      %mul3A_337 = vector.broadcast %mul3A_336 : i32 to vector<16xi32>
      %mul3A_338 = arith.muli %iota3A, %mul3A_337 : vector<16xi32>
      %add3A_339 = vector.broadcast %mul3A_300 : i32 to vector<16xi32>
      %add3A_340 = arith.addi %add3A_339, %mul3A_338 : vector<16xi32>
      %add3A_341 = arith.constant 4 : i32
      %add3A_342 = vector.broadcast %add3A_341 : i32 to vector<16xi32>
      %add3A_343 = arith.addi %add3A_340, %add3A_342 : vector<16xi32>
      %gather3A_344 = tpu.vector_load_idx %arg7[%add3A_343] : memref<10240xf32, #tpu.memory_space<vmem>>[vector<16xi32>], vector<16xf32>,
      %mul3A_345 = arith.constant 10 : i32
      %mul3A_346 = vector.broadcast %mul3A_345 : i32 to vector<16xi32>
      %mul3A_347 = arith.muli %iota3A, %mul3A_346 : vector<16xi32>
      %add3A_348 = vector.broadcast %mul3A_300 : i32 to vector<16xi32>
      %add3A_349 = arith.addi %add3A_348, %mul3A_347 : vector<16xi32>
      %add3A_350 = arith.constant 5 : i32
      %add3A_351 = vector.broadcast %add3A_350 : i32 to vector<16xi32>
      %add3A_352 = arith.addi %add3A_349, %add3A_351 : vector<16xi32>
      %gather3A_353 = tpu.vector_load_idx %arg7[%add3A_352] : memref<10240xf32, #tpu.memory_space<vmem>>[vector<16xi32>], vector<16xf32>,
      %mul3A_354 = arith.constant 10 : i32
      %mul3A_355 = vector.broadcast %mul3A_354 : i32 to vector<16xi32>
      %mul3A_356 = arith.muli %iota3A, %mul3A_355 : vector<16xi32>
      %add3A_357 = vector.broadcast %mul3A_300 : i32 to vector<16xi32>
      %add3A_358 = arith.addi %add3A_357, %mul3A_356 : vector<16xi32>
      %add3A_359 = arith.constant 6 : i32
      %add3A_360 = vector.broadcast %add3A_359 : i32 to vector<16xi32>
      %add3A_361 = arith.addi %add3A_358, %add3A_360 : vector<16xi32>
      %gather3A_362 = tpu.vector_load_idx %arg7[%add3A_361] : memref<10240xf32, #tpu.memory_space<vmem>>[vector<16xi32>], vector<16xf32>,
      %mul3A_363 = arith.constant 10 : i32
      %mul3A_364 = vector.broadcast %mul3A_363 : i32 to vector<16xi32>
      %mul3A_365 = arith.muli %iota3A, %mul3A_364 : vector<16xi32>
      %add3A_366 = vector.broadcast %mul3A_300 : i32 to vector<16xi32>
      %add3A_367 = arith.addi %add3A_366, %mul3A_365 : vector<16xi32>
      %add3A_368 = arith.constant 7 : i32
      %add3A_369 = vector.broadcast %add3A_368 : i32 to vector<16xi32>
      %add3A_370 = arith.addi %add3A_367, %add3A_369 : vector<16xi32>
      %gather3A_371 = tpu.vector_load_idx %arg7[%add3A_370] : memref<10240xf32, #tpu.memory_space<vmem>>[vector<16xi32>], vector<16xf32>,
      %mul3A_372 = arith.constant 10 : i32
      %mul3A_373 = vector.broadcast %mul3A_372 : i32 to vector<16xi32>
      %mul3A_374 = arith.muli %iota3A, %mul3A_373 : vector<16xi32>
      %add3A_375 = vector.broadcast %mul3A_300 : i32 to vector<16xi32>
      %add3A_376 = arith.addi %add3A_375, %mul3A_374 : vector<16xi32>
      %add3A_377 = arith.constant 8 : i32
      %add3A_378 = vector.broadcast %add3A_377 : i32 to vector<16xi32>
      %add3A_379 = arith.addi %add3A_376, %add3A_378 : vector<16xi32>
      %gather3A_380 = tpu.vector_load_idx %arg7[%add3A_379] : memref<10240xf32, #tpu.memory_space<vmem>>[vector<16xi32>], vector<16xf32>,
      %mul3A_381 = arith.constant 10 : i32
      %mul3A_382 = vector.broadcast %mul3A_381 : i32 to vector<16xi32>
      %mul3A_383 = arith.muli %iota3A, %mul3A_382 : vector<16xi32>
      %add3A_384 = vector.broadcast %mul3A_300 : i32 to vector<16xi32>
      %add3A_385 = arith.addi %add3A_384, %mul3A_383 : vector<16xi32>
      %add3A_386 = arith.constant 9 : i32
      %add3A_387 = vector.broadcast %add3A_386 : i32 to vector<16xi32>
      %add3A_388 = arith.addi %add3A_385, %add3A_387 : vector<16xi32>
      %gather3A_389 = tpu.vector_load_idx %arg7[%add3A_388] : memref<10240xf32, #tpu.memory_space<vmem>>[vector<16xi32>], vector<16xf32>,
      %max3A = arith.maximumf %gather3A, %gather3A_317 : vector<16xf32>
      %max3A_390 = arith.maximumf %max3A, %gather3A_326 : vector<16xf32>
      %max3A_391 = arith.maximumf %max3A_390, %gather3A_335 : vector<16xf32>
      %max3A_392 = arith.maximumf %max3A_391, %gather3A_344 : vector<16xf32>
      %max3A_393 = arith.maximumf %max3A_392, %gather3A_353 : vector<16xf32>
      %max3A_394 = arith.maximumf %max3A_393, %gather3A_362 : vector<16xf32>
      %max3A_395 = arith.maximumf %max3A_394, %gather3A_371 : vector<16xf32>
      %max3A_396 = arith.maximumf %max3A_395, %gather3A_380 : vector<16xf32>
      %max3A_397 = arith.maximumf %max3A_396, %gather3A_389 : vector<16xf32>
      %sub3A = arith.subf %gather3A, %max3A_397 : vector<16xf32>
      %exp3A = math.exp %sub3A : vector<16xf32>
      %sub3A_398 = arith.subf %gather3A_317, %max3A_397 : vector<16xf32>
      %exp3A_399 = math.exp %sub3A_398 : vector<16xf32>
      %sub3A_400 = arith.subf %gather3A_326, %max3A_397 : vector<16xf32>
      %exp3A_401 = math.exp %sub3A_400 : vector<16xf32>
      %sub3A_402 = arith.subf %gather3A_335, %max3A_397 : vector<16xf32>
      %exp3A_403 = math.exp %sub3A_402 : vector<16xf32>
      %sub3A_404 = arith.subf %gather3A_344, %max3A_397 : vector<16xf32>
      %exp3A_405 = math.exp %sub3A_404 : vector<16xf32>
      %sub3A_406 = arith.subf %gather3A_353, %max3A_397 : vector<16xf32>
      %exp3A_407 = math.exp %sub3A_406 : vector<16xf32>
      %sub3A_408 = arith.subf %gather3A_362, %max3A_397 : vector<16xf32>
      %exp3A_409 = math.exp %sub3A_408 : vector<16xf32>
      %sub3A_410 = arith.subf %gather3A_371, %max3A_397 : vector<16xf32>
      %exp3A_411 = math.exp %sub3A_410 : vector<16xf32>
      %sub3A_412 = arith.subf %gather3A_380, %max3A_397 : vector<16xf32>
      %exp3A_413 = math.exp %sub3A_412 : vector<16xf32>
      %sub3A_414 = arith.subf %gather3A_389, %max3A_397 : vector<16xf32>
      %exp3A_415 = math.exp %sub3A_414 : vector<16xf32>
      %add3A_416 = arith.addf %exp3A, %exp3A_399 : vector<16xf32>
      %add3A_417 = arith.addf %add3A_416, %exp3A_401 : vector<16xf32>
      %add3A_418 = arith.addf %add3A_417, %exp3A_403 : vector<16xf32>
      %add3A_419 = arith.addf %add3A_418, %exp3A_405 : vector<16xf32>
      %add3A_420 = arith.addf %add3A_419, %exp3A_407 : vector<16xf32>
      %add3A_421 = arith.addf %add3A_420, %exp3A_409 : vector<16xf32>
      %add3A_422 = arith.addf %add3A_421, %exp3A_411 : vector<16xf32>
      %add3A_423 = arith.addf %add3A_422, %exp3A_413 : vector<16xf32>
      %add3A_424 = arith.addf %add3A_423, %exp3A_415 : vector<16xf32>
      %div3A = arith.constant 1.000000e+00 : f32
      %div3A_425 = vector.broadcast %div3A : f32 to vector<16xf32>
      %div3A_426 = arith.divf %div3A_425, %add3A_424 : vector<16xf32>
      %bitcast3A = vector.bitcast %add3A_424 : vector<16xf32> to vector<16xi32>
      %shift_right_arithmetic3A = arith.constant 23 : i32
      %shift_right_arithmetic3A_427 = vector.broadcast %shift_right_arithmetic3A : i32 to vector<16xi32>
      %shift_right_arithmetic3A_428 = arith.shrsi %bitcast3A, %shift_right_arithmetic3A_427 : vector<16xi32>
      %sub3A_429 = arith.constant 127 : i32
      %sub3A_430 = vector.broadcast %sub3A_429 : i32 to vector<16xi32>
      %sub3A_431 = arith.subi %shift_right_arithmetic3A_428, %sub3A_430 : vector<16xi32>
      %and3A = arith.constant 8388607 : i32
      %and3A_432 = vector.broadcast %and3A : i32 to vector<16xi32>
      %and3A_433 = arith.andi %bitcast3A, %and3A_432 : vector<16xi32>
      %or3A = arith.constant 1065353216 : i32
      %or3A_434 = vector.broadcast %or3A : i32 to vector<16xi32>
      %or3A_435 = arith.ori %and3A_433, %or3A_434 : vector<16xi32>
      %bitcast3A_436 = vector.bitcast %or3A_435 : vector<16xi32> to vector<16xf32>
      %ge3A = arith.constant 1.41421354 : f32
      %ge3A_437 = vector.broadcast %ge3A : f32 to vector<16xf32>
      %ge3A_438 = arith.cmpf oge, %bitcast3A_436, %ge3A_437 : vector<16xf32>
      %mul3A_439 = arith.constant 5.000000e-01 : f32
      %mul3A_440 = vector.broadcast %mul3A_439 : f32 to vector<16xf32>
      %mul3A_441 = arith.mulf %bitcast3A_436, %mul3A_440 : vector<16xf32>
      %select_n3A_442 = arith.select %ge3A_438, %mul3A_441, %bitcast3A_436 : vector<16xi1>, vector<16xf32>
      %convert_element_type3A_443 = arith.sitofp %sub3A_431 : vector<16xi32> to vector<16xf32>
      %add3A_444 = arith.constant 1.000000e+00 : f32
      %add3A_445 = vector.broadcast %add3A_444 : f32 to vector<16xf32>
      %add3A_446 = arith.addf %convert_element_type3A_443, %add3A_445 : vector<16xf32>
      %select_n3A_447 = arith.select %ge3A_438, %add3A_446, %convert_element_type3A_443 : vector<16xi1>, vector<16xf32>
      %sub3A_448 = arith.constant 1.000000e+00 : f32
      %sub3A_449 = vector.broadcast %sub3A_448 : f32 to vector<16xf32>
      %sub3A_450 = arith.subf %select_n3A_442, %sub3A_449 : vector<16xf32>
      %add3A_451 = arith.constant 1.000000e+00 : f32
      %add3A_452 = vector.broadcast %add3A_451 : f32 to vector<16xf32>
      %add3A_453 = arith.addf %select_n3A_442, %add3A_452 : vector<16xf32>
      %div3A_454 = arith.divf %sub3A_450, %add3A_453 : vector<16xf32>
      %mul3A_455 = arith.mulf %div3A_454, %div3A_454 : vector<16xf32>
      %mul3A_456 = arith.constant 0.285714298 : f32
      %mul3A_457 = vector.broadcast %mul3A_456 : f32 to vector<16xf32>
      %mul3A_458 = arith.mulf %mul3A_455, %mul3A_457 : vector<16xf32>
      %add3A_459 = arith.constant 4.000000e-01 : f32
      %add3A_460 = vector.broadcast %add3A_459 : f32 to vector<16xf32>
      %add3A_461 = arith.addf %add3A_460, %mul3A_458 : vector<16xf32>
      %mul3A_462 = arith.mulf %mul3A_455, %add3A_461 : vector<16xf32>
      %add3A_463 = arith.constant 0.666666686 : f32
      %add3A_464 = vector.broadcast %add3A_463 : f32 to vector<16xf32>
      %add3A_465 = arith.addf %add3A_464, %mul3A_462 : vector<16xf32>
      %mul3A_466 = arith.mulf %mul3A_455, %add3A_465 : vector<16xf32>
      %add3A_467 = arith.constant 2.000000e+00 : f32
      %add3A_468 = vector.broadcast %add3A_467 : f32 to vector<16xf32>
      %add3A_469 = arith.addf %add3A_468, %mul3A_466 : vector<16xf32>
      %mul3A_470 = arith.mulf %div3A_454, %add3A_469 : vector<16xf32>
      %mul3A_471 = arith.constant 0.693147182 : f32
      %mul3A_472 = vector.broadcast %mul3A_471 : f32 to vector<16xf32>
      %mul3A_473 = arith.mulf %select_n3A_447, %mul3A_472 : vector<16xf32>
      %add3A_474 = arith.addf %mul3A_473, %mul3A_470 : vector<16xf32>
      %mul3A_475 = arith.mulf %exp3A, %div3A_426 : vector<16xf32>
      %sub3A_476 = arith.constant 1.010000e+00 : f32
      %sub3A_477 = vector.broadcast %sub3A_476 : f32 to vector<16xf32>
      %sub3A_478 = arith.subf %sub3A_477, %mul3A_475 : vector<16xf32>
      %bitcast3A_479 = vector.bitcast %sub3A_478 : vector<16xf32> to vector<16xi32>
      %shift_right_arithmetic3A_480 = arith.constant 23 : i32
      %shift_right_arithmetic3A_481 = vector.broadcast %shift_right_arithmetic3A_480 : i32 to vector<16xi32>
      %shift_right_arithmetic3A_482 = arith.shrsi %bitcast3A_479, %shift_right_arithmetic3A_481 : vector<16xi32>
      %sub3A_483 = arith.constant 127 : i32
      %sub3A_484 = vector.broadcast %sub3A_483 : i32 to vector<16xi32>
      %sub3A_485 = arith.subi %shift_right_arithmetic3A_482, %sub3A_484 : vector<16xi32>
      %and3A_486 = arith.constant 8388607 : i32
      %and3A_487 = vector.broadcast %and3A_486 : i32 to vector<16xi32>
      %and3A_488 = arith.andi %bitcast3A_479, %and3A_487 : vector<16xi32>
      %or3A_489 = arith.constant 1065353216 : i32
      %or3A_490 = vector.broadcast %or3A_489 : i32 to vector<16xi32>
      %or3A_491 = arith.ori %and3A_488, %or3A_490 : vector<16xi32>
      %bitcast3A_492 = vector.bitcast %or3A_491 : vector<16xi32> to vector<16xf32>
      %ge3A_493 = arith.constant 1.41421354 : f32
      %ge3A_494 = vector.broadcast %ge3A_493 : f32 to vector<16xf32>
      %ge3A_495 = arith.cmpf oge, %bitcast3A_492, %ge3A_494 : vector<16xf32>
      %mul3A_496 = arith.constant 5.000000e-01 : f32
      %mul3A_497 = vector.broadcast %mul3A_496 : f32 to vector<16xf32>
      %mul3A_498 = arith.mulf %bitcast3A_492, %mul3A_497 : vector<16xf32>
      %select_n3A_499 = arith.select %ge3A_495, %mul3A_498, %bitcast3A_492 : vector<16xi1>, vector<16xf32>
      %convert_element_type3A_500 = arith.sitofp %sub3A_485 : vector<16xi32> to vector<16xf32>
      %add3A_501 = arith.constant 1.000000e+00 : f32
      %add3A_502 = vector.broadcast %add3A_501 : f32 to vector<16xf32>
      %add3A_503 = arith.addf %convert_element_type3A_500, %add3A_502 : vector<16xf32>
      %select_n3A_504 = arith.select %ge3A_495, %add3A_503, %convert_element_type3A_500 : vector<16xi1>, vector<16xf32>
      %sub3A_505 = arith.constant 1.000000e+00 : f32
      %sub3A_506 = vector.broadcast %sub3A_505 : f32 to vector<16xf32>
      %sub3A_507 = arith.subf %select_n3A_499, %sub3A_506 : vector<16xf32>
      %add3A_508 = arith.constant 1.000000e+00 : f32
      %add3A_509 = vector.broadcast %add3A_508 : f32 to vector<16xf32>
      %add3A_510 = arith.addf %select_n3A_499, %add3A_509 : vector<16xf32>
      %div3A_511 = arith.divf %sub3A_507, %add3A_510 : vector<16xf32>
      %mul3A_512 = arith.mulf %div3A_511, %div3A_511 : vector<16xf32>
      %mul3A_513 = arith.constant 0.285714298 : f32
      %mul3A_514 = vector.broadcast %mul3A_513 : f32 to vector<16xf32>
      %mul3A_515 = arith.mulf %mul3A_512, %mul3A_514 : vector<16xf32>
      %add3A_516 = arith.constant 4.000000e-01 : f32
      %add3A_517 = vector.broadcast %add3A_516 : f32 to vector<16xf32>
      %add3A_518 = arith.addf %add3A_517, %mul3A_515 : vector<16xf32>
      %mul3A_519 = arith.mulf %mul3A_512, %add3A_518 : vector<16xf32>
      %add3A_520 = arith.constant 0.666666686 : f32
      %add3A_521 = vector.broadcast %add3A_520 : f32 to vector<16xf32>
      %add3A_522 = arith.addf %add3A_521, %mul3A_519 : vector<16xf32>
      %mul3A_523 = arith.mulf %mul3A_512, %add3A_522 : vector<16xf32>
      %add3A_524 = arith.constant 2.000000e+00 : f32
      %add3A_525 = vector.broadcast %add3A_524 : f32 to vector<16xf32>
      %add3A_526 = arith.addf %add3A_525, %mul3A_523 : vector<16xf32>
      %mul3A_527 = arith.mulf %div3A_511, %add3A_526 : vector<16xf32>
      %mul3A_528 = arith.constant 0.693147182 : f32
      %mul3A_529 = vector.broadcast %mul3A_528 : f32 to vector<16xf32>
      %mul3A_530 = arith.mulf %select_n3A_504, %mul3A_529 : vector<16xf32>
      %add3A_531 = arith.addf %mul3A_530, %mul3A_527 : vector<16xf32>
      %neg3A = arith.constant 0.000000e+00 : f32
      %neg3A_532 = vector.broadcast %neg3A : f32 to vector<16xf32>
      %neg3A_533 = arith.subf %neg3A_532, %add3A_531 : vector<16xf32>
      %mul3A_534 = arith.mulf %exp3A_399, %div3A_426 : vector<16xf32>
      %sub3A_535 = arith.constant 1.010000e+00 : f32
      %sub3A_536 = vector.broadcast %sub3A_535 : f32 to vector<16xf32>
      %sub3A_537 = arith.subf %sub3A_536, %mul3A_534 : vector<16xf32>
      %bitcast3A_538 = vector.bitcast %sub3A_537 : vector<16xf32> to vector<16xi32>
      %shift_right_arithmetic3A_539 = arith.constant 23 : i32
      %shift_right_arithmetic3A_540 = vector.broadcast %shift_right_arithmetic3A_539 : i32 to vector<16xi32>
      %shift_right_arithmetic3A_541 = arith.shrsi %bitcast3A_538, %shift_right_arithmetic3A_540 : vector<16xi32>
      %sub3A_542 = arith.constant 127 : i32
      %sub3A_543 = vector.broadcast %sub3A_542 : i32 to vector<16xi32>
      %sub3A_544 = arith.subi %shift_right_arithmetic3A_541, %sub3A_543 : vector<16xi32>
      %and3A_545 = arith.constant 8388607 : i32
      %and3A_546 = vector.broadcast %and3A_545 : i32 to vector<16xi32>
      %and3A_547 = arith.andi %bitcast3A_538, %and3A_546 : vector<16xi32>
      %or3A_548 = arith.constant 1065353216 : i32
      %or3A_549 = vector.broadcast %or3A_548 : i32 to vector<16xi32>
      %or3A_550 = arith.ori %and3A_547, %or3A_549 : vector<16xi32>
      %bitcast3A_551 = vector.bitcast %or3A_550 : vector<16xi32> to vector<16xf32>
      %ge3A_552 = arith.constant 1.41421354 : f32
      %ge3A_553 = vector.broadcast %ge3A_552 : f32 to vector<16xf32>
      %ge3A_554 = arith.cmpf oge, %bitcast3A_551, %ge3A_553 : vector<16xf32>
      %mul3A_555 = arith.constant 5.000000e-01 : f32
      %mul3A_556 = vector.broadcast %mul3A_555 : f32 to vector<16xf32>
      %mul3A_557 = arith.mulf %bitcast3A_551, %mul3A_556 : vector<16xf32>
      %select_n3A_558 = arith.select %ge3A_554, %mul3A_557, %bitcast3A_551 : vector<16xi1>, vector<16xf32>
      %convert_element_type3A_559 = arith.sitofp %sub3A_544 : vector<16xi32> to vector<16xf32>
      %add3A_560 = arith.constant 1.000000e+00 : f32
      %add3A_561 = vector.broadcast %add3A_560 : f32 to vector<16xf32>
      %add3A_562 = arith.addf %convert_element_type3A_559, %add3A_561 : vector<16xf32>
      %select_n3A_563 = arith.select %ge3A_554, %add3A_562, %convert_element_type3A_559 : vector<16xi1>, vector<16xf32>
      %sub3A_564 = arith.constant 1.000000e+00 : f32
      %sub3A_565 = vector.broadcast %sub3A_564 : f32 to vector<16xf32>
      %sub3A_566 = arith.subf %select_n3A_558, %sub3A_565 : vector<16xf32>
      %add3A_567 = arith.constant 1.000000e+00 : f32
      %add3A_568 = vector.broadcast %add3A_567 : f32 to vector<16xf32>
      %add3A_569 = arith.addf %select_n3A_558, %add3A_568 : vector<16xf32>
      %div3A_570 = arith.divf %sub3A_566, %add3A_569 : vector<16xf32>
      %mul3A_571 = arith.mulf %div3A_570, %div3A_570 : vector<16xf32>
      %mul3A_572 = arith.constant 0.285714298 : f32
      %mul3A_573 = vector.broadcast %mul3A_572 : f32 to vector<16xf32>
      %mul3A_574 = arith.mulf %mul3A_571, %mul3A_573 : vector<16xf32>
      %add3A_575 = arith.constant 4.000000e-01 : f32
      %add3A_576 = vector.broadcast %add3A_575 : f32 to vector<16xf32>
      %add3A_577 = arith.addf %add3A_576, %mul3A_574 : vector<16xf32>
      %mul3A_578 = arith.mulf %mul3A_571, %add3A_577 : vector<16xf32>
      %add3A_579 = arith.constant 0.666666686 : f32
      %add3A_580 = vector.broadcast %add3A_579 : f32 to vector<16xf32>
      %add3A_581 = arith.addf %add3A_580, %mul3A_578 : vector<16xf32>
      %mul3A_582 = arith.mulf %mul3A_571, %add3A_581 : vector<16xf32>
      %add3A_583 = arith.constant 2.000000e+00 : f32
      %add3A_584 = vector.broadcast %add3A_583 : f32 to vector<16xf32>
      %add3A_585 = arith.addf %add3A_584, %mul3A_582 : vector<16xf32>
      %mul3A_586 = arith.mulf %div3A_570, %add3A_585 : vector<16xf32>
      %mul3A_587 = arith.constant 0.693147182 : f32
      %mul3A_588 = vector.broadcast %mul3A_587 : f32 to vector<16xf32>
      %mul3A_589 = arith.mulf %select_n3A_563, %mul3A_588 : vector<16xf32>
      %add3A_590 = arith.addf %mul3A_589, %mul3A_586 : vector<16xf32>
      %neg3A_591 = arith.constant 0.000000e+00 : f32
      %neg3A_592 = vector.broadcast %neg3A_591 : f32 to vector<16xf32>
      %neg3A_593 = arith.subf %neg3A_592, %add3A_590 : vector<16xf32>
      %mul3A_594 = arith.mulf %exp3A_401, %div3A_426 : vector<16xf32>
      %sub3A_595 = arith.constant 1.010000e+00 : f32
      %sub3A_596 = vector.broadcast %sub3A_595 : f32 to vector<16xf32>
      %sub3A_597 = arith.subf %sub3A_596, %mul3A_594 : vector<16xf32>
      %bitcast3A_598 = vector.bitcast %sub3A_597 : vector<16xf32> to vector<16xi32>
      %shift_right_arithmetic3A_599 = arith.constant 23 : i32
      %shift_right_arithmetic3A_600 = vector.broadcast %shift_right_arithmetic3A_599 : i32 to vector<16xi32>
      %shift_right_arithmetic3A_601 = arith.shrsi %bitcast3A_598, %shift_right_arithmetic3A_600 : vector<16xi32>
      %sub3A_602 = arith.constant 127 : i32
      %sub3A_603 = vector.broadcast %sub3A_602 : i32 to vector<16xi32>
      %sub3A_604 = arith.subi %shift_right_arithmetic3A_601, %sub3A_603 : vector<16xi32>
      %and3A_605 = arith.constant 8388607 : i32
      %and3A_606 = vector.broadcast %and3A_605 : i32 to vector<16xi32>
      %and3A_607 = arith.andi %bitcast3A_598, %and3A_606 : vector<16xi32>
      %or3A_608 = arith.constant 1065353216 : i32
      %or3A_609 = vector.broadcast %or3A_608 : i32 to vector<16xi32>
      %or3A_610 = arith.ori %and3A_607, %or3A_609 : vector<16xi32>
      %bitcast3A_611 = vector.bitcast %or3A_610 : vector<16xi32> to vector<16xf32>
      %ge3A_612 = arith.constant 1.41421354 : f32
      %ge3A_613 = vector.broadcast %ge3A_612 : f32 to vector<16xf32>
      %ge3A_614 = arith.cmpf oge, %bitcast3A_611, %ge3A_613 : vector<16xf32>
      %mul3A_615 = arith.constant 5.000000e-01 : f32
      %mul3A_616 = vector.broadcast %mul3A_615 : f32 to vector<16xf32>
      %mul3A_617 = arith.mulf %bitcast3A_611, %mul3A_616 : vector<16xf32>
      %select_n3A_618 = arith.select %ge3A_614, %mul3A_617, %bitcast3A_611 : vector<16xi1>, vector<16xf32>
      %convert_element_type3A_619 = arith.sitofp %sub3A_604 : vector<16xi32> to vector<16xf32>
      %add3A_620 = arith.constant 1.000000e+00 : f32
      %add3A_621 = vector.broadcast %add3A_620 : f32 to vector<16xf32>
      %add3A_622 = arith.addf %convert_element_type3A_619, %add3A_621 : vector<16xf32>
      %select_n3A_623 = arith.select %ge3A_614, %add3A_622, %convert_element_type3A_619 : vector<16xi1>, vector<16xf32>
      %sub3A_624 = arith.constant 1.000000e+00 : f32
      %sub3A_625 = vector.broadcast %sub3A_624 : f32 to vector<16xf32>
      %sub3A_626 = arith.subf %select_n3A_618, %sub3A_625 : vector<16xf32>
      %add3A_627 = arith.constant 1.000000e+00 : f32
      %add3A_628 = vector.broadcast %add3A_627 : f32 to vector<16xf32>
      %add3A_629 = arith.addf %select_n3A_618, %add3A_628 : vector<16xf32>
      %div3A_630 = arith.divf %sub3A_626, %add3A_629 : vector<16xf32>
      %mul3A_631 = arith.mulf %div3A_630, %div3A_630 : vector<16xf32>
      %mul3A_632 = arith.constant 0.285714298 : f32
      %mul3A_633 = vector.broadcast %mul3A_632 : f32 to vector<16xf32>
      %mul3A_634 = arith.mulf %mul3A_631, %mul3A_633 : vector<16xf32>
      %add3A_635 = arith.constant 4.000000e-01 : f32
      %add3A_636 = vector.broadcast %add3A_635 : f32 to vector<16xf32>
      %add3A_637 = arith.addf %add3A_636, %mul3A_634 : vector<16xf32>
      %mul3A_638 = arith.mulf %mul3A_631, %add3A_637 : vector<16xf32>
      %add3A_639 = arith.constant 0.666666686 : f32
      %add3A_640 = vector.broadcast %add3A_639 : f32 to vector<16xf32>
      %add3A_641 = arith.addf %add3A_640, %mul3A_638 : vector<16xf32>
      %mul3A_642 = arith.mulf %mul3A_631, %add3A_641 : vector<16xf32>
      %add3A_643 = arith.constant 2.000000e+00 : f32
      %add3A_644 = vector.broadcast %add3A_643 : f32 to vector<16xf32>
      %add3A_645 = arith.addf %add3A_644, %mul3A_642 : vector<16xf32>
      %mul3A_646 = arith.mulf %div3A_630, %add3A_645 : vector<16xf32>
      %mul3A_647 = arith.constant 0.693147182 : f32
      %mul3A_648 = vector.broadcast %mul3A_647 : f32 to vector<16xf32>
      %mul3A_649 = arith.mulf %select_n3A_623, %mul3A_648 : vector<16xf32>
      %add3A_650 = arith.addf %mul3A_649, %mul3A_646 : vector<16xf32>
      %neg3A_651 = arith.constant 0.000000e+00 : f32
      %neg3A_652 = vector.broadcast %neg3A_651 : f32 to vector<16xf32>
      %neg3A_653 = arith.subf %neg3A_652, %add3A_650 : vector<16xf32>
      %mul3A_654 = arith.mulf %exp3A_403, %div3A_426 : vector<16xf32>
      %sub3A_655 = arith.constant 1.010000e+00 : f32
      %sub3A_656 = vector.broadcast %sub3A_655 : f32 to vector<16xf32>
      %sub3A_657 = arith.subf %sub3A_656, %mul3A_654 : vector<16xf32>
      %bitcast3A_658 = vector.bitcast %sub3A_657 : vector<16xf32> to vector<16xi32>
      %shift_right_arithmetic3A_659 = arith.constant 23 : i32
      %shift_right_arithmetic3A_660 = vector.broadcast %shift_right_arithmetic3A_659 : i32 to vector<16xi32>
      %shift_right_arithmetic3A_661 = arith.shrsi %bitcast3A_658, %shift_right_arithmetic3A_660 : vector<16xi32>
      %sub3A_662 = arith.constant 127 : i32
      %sub3A_663 = vector.broadcast %sub3A_662 : i32 to vector<16xi32>
      %sub3A_664 = arith.subi %shift_right_arithmetic3A_661, %sub3A_663 : vector<16xi32>
      %and3A_665 = arith.constant 8388607 : i32
      %and3A_666 = vector.broadcast %and3A_665 : i32 to vector<16xi32>
      %and3A_667 = arith.andi %bitcast3A_658, %and3A_666 : vector<16xi32>
      %or3A_668 = arith.constant 1065353216 : i32
      %or3A_669 = vector.broadcast %or3A_668 : i32 to vector<16xi32>
      %or3A_670 = arith.ori %and3A_667, %or3A_669 : vector<16xi32>
      %bitcast3A_671 = vector.bitcast %or3A_670 : vector<16xi32> to vector<16xf32>
      %ge3A_672 = arith.constant 1.41421354 : f32
      %ge3A_673 = vector.broadcast %ge3A_672 : f32 to vector<16xf32>
      %ge3A_674 = arith.cmpf oge, %bitcast3A_671, %ge3A_673 : vector<16xf32>
      %mul3A_675 = arith.constant 5.000000e-01 : f32
      %mul3A_676 = vector.broadcast %mul3A_675 : f32 to vector<16xf32>
      %mul3A_677 = arith.mulf %bitcast3A_671, %mul3A_676 : vector<16xf32>
      %select_n3A_678 = arith.select %ge3A_674, %mul3A_677, %bitcast3A_671 : vector<16xi1>, vector<16xf32>
      %convert_element_type3A_679 = arith.sitofp %sub3A_664 : vector<16xi32> to vector<16xf32>
      %add3A_680 = arith.constant 1.000000e+00 : f32
      %add3A_681 = vector.broadcast %add3A_680 : f32 to vector<16xf32>
      %add3A_682 = arith.addf %convert_element_type3A_679, %add3A_681 : vector<16xf32>
      %select_n3A_683 = arith.select %ge3A_674, %add3A_682, %convert_element_type3A_679 : vector<16xi1>, vector<16xf32>
      %sub3A_684 = arith.constant 1.000000e+00 : f32
      %sub3A_685 = vector.broadcast %sub3A_684 : f32 to vector<16xf32>
      %sub3A_686 = arith.subf %select_n3A_678, %sub3A_685 : vector<16xf32>
      %add3A_687 = arith.constant 1.000000e+00 : f32
      %add3A_688 = vector.broadcast %add3A_687 : f32 to vector<16xf32>
      %add3A_689 = arith.addf %select_n3A_678, %add3A_688 : vector<16xf32>
      %div3A_690 = arith.divf %sub3A_686, %add3A_689 : vector<16xf32>
      %mul3A_691 = arith.mulf %div3A_690, %div3A_690 : vector<16xf32>
      %mul3A_692 = arith.constant 0.285714298 : f32
      %mul3A_693 = vector.broadcast %mul3A_692 : f32 to vector<16xf32>
      %mul3A_694 = arith.mulf %mul3A_691, %mul3A_693 : vector<16xf32>
      %add3A_695 = arith.constant 4.000000e-01 : f32
      %add3A_696 = vector.broadcast %add3A_695 : f32 to vector<16xf32>
      %add3A_697 = arith.addf %add3A_696, %mul3A_694 : vector<16xf32>
      %mul3A_698 = arith.mulf %mul3A_691, %add3A_697 : vector<16xf32>
      %add3A_699 = arith.constant 0.666666686 : f32
      %add3A_700 = vector.broadcast %add3A_699 : f32 to vector<16xf32>
      %add3A_701 = arith.addf %add3A_700, %mul3A_698 : vector<16xf32>
      %mul3A_702 = arith.mulf %mul3A_691, %add3A_701 : vector<16xf32>
      %add3A_703 = arith.constant 2.000000e+00 : f32
      %add3A_704 = vector.broadcast %add3A_703 : f32 to vector<16xf32>
      %add3A_705 = arith.addf %add3A_704, %mul3A_702 : vector<16xf32>
      %mul3A_706 = arith.mulf %div3A_690, %add3A_705 : vector<16xf32>
      %mul3A_707 = arith.constant 0.693147182 : f32
      %mul3A_708 = vector.broadcast %mul3A_707 : f32 to vector<16xf32>
      %mul3A_709 = arith.mulf %select_n3A_683, %mul3A_708 : vector<16xf32>
      %add3A_710 = arith.addf %mul3A_709, %mul3A_706 : vector<16xf32>
      %neg3A_711 = arith.constant 0.000000e+00 : f32
      %neg3A_712 = vector.broadcast %neg3A_711 : f32 to vector<16xf32>
      %neg3A_713 = arith.subf %neg3A_712, %add3A_710 : vector<16xf32>
      %mul3A_714 = arith.mulf %exp3A_405, %div3A_426 : vector<16xf32>
      %sub3A_715 = arith.constant 1.010000e+00 : f32
      %sub3A_716 = vector.broadcast %sub3A_715 : f32 to vector<16xf32>
      %sub3A_717 = arith.subf %sub3A_716, %mul3A_714 : vector<16xf32>
      %bitcast3A_718 = vector.bitcast %sub3A_717 : vector<16xf32> to vector<16xi32>
      %shift_right_arithmetic3A_719 = arith.constant 23 : i32
      %shift_right_arithmetic3A_720 = vector.broadcast %shift_right_arithmetic3A_719 : i32 to vector<16xi32>
      %shift_right_arithmetic3A_721 = arith.shrsi %bitcast3A_718, %shift_right_arithmetic3A_720 : vector<16xi32>
      %sub3A_722 = arith.constant 127 : i32
      %sub3A_723 = vector.broadcast %sub3A_722 : i32 to vector<16xi32>
      %sub3A_724 = arith.subi %shift_right_arithmetic3A_721, %sub3A_723 : vector<16xi32>
      %and3A_725 = arith.constant 8388607 : i32
      %and3A_726 = vector.broadcast %and3A_725 : i32 to vector<16xi32>
      %and3A_727 = arith.andi %bitcast3A_718, %and3A_726 : vector<16xi32>
      %or3A_728 = arith.constant 1065353216 : i32
      %or3A_729 = vector.broadcast %or3A_728 : i32 to vector<16xi32>
      %or3A_730 = arith.ori %and3A_727, %or3A_729 : vector<16xi32>
      %bitcast3A_731 = vector.bitcast %or3A_730 : vector<16xi32> to vector<16xf32>
      %ge3A_732 = arith.constant 1.41421354 : f32
      %ge3A_733 = vector.broadcast %ge3A_732 : f32 to vector<16xf32>
      %ge3A_734 = arith.cmpf oge, %bitcast3A_731, %ge3A_733 : vector<16xf32>
      %mul3A_735 = arith.constant 5.000000e-01 : f32
      %mul3A_736 = vector.broadcast %mul3A_735 : f32 to vector<16xf32>
      %mul3A_737 = arith.mulf %bitcast3A_731, %mul3A_736 : vector<16xf32>
      %select_n3A_738 = arith.select %ge3A_734, %mul3A_737, %bitcast3A_731 : vector<16xi1>, vector<16xf32>
      %convert_element_type3A_739 = arith.sitofp %sub3A_724 : vector<16xi32> to vector<16xf32>
      %add3A_740 = arith.constant 1.000000e+00 : f32
      %add3A_741 = vector.broadcast %add3A_740 : f32 to vector<16xf32>
      %add3A_742 = arith.addf %convert_element_type3A_739, %add3A_741 : vector<16xf32>
      %select_n3A_743 = arith.select %ge3A_734, %add3A_742, %convert_element_type3A_739 : vector<16xi1>, vector<16xf32>
      %sub3A_744 = arith.constant 1.000000e+00 : f32
      %sub3A_745 = vector.broadcast %sub3A_744 : f32 to vector<16xf32>
      %sub3A_746 = arith.subf %select_n3A_738, %sub3A_745 : vector<16xf32>
      %add3A_747 = arith.constant 1.000000e+00 : f32
      %add3A_748 = vector.broadcast %add3A_747 : f32 to vector<16xf32>
      %add3A_749 = arith.addf %select_n3A_738, %add3A_748 : vector<16xf32>
      %div3A_750 = arith.divf %sub3A_746, %add3A_749 : vector<16xf32>
      %mul3A_751 = arith.mulf %div3A_750, %div3A_750 : vector<16xf32>
      %mul3A_752 = arith.constant 0.285714298 : f32
      %mul3A_753 = vector.broadcast %mul3A_752 : f32 to vector<16xf32>
      %mul3A_754 = arith.mulf %mul3A_751, %mul3A_753 : vector<16xf32>
      %add3A_755 = arith.constant 4.000000e-01 : f32
      %add3A_756 = vector.broadcast %add3A_755 : f32 to vector<16xf32>
      %add3A_757 = arith.addf %add3A_756, %mul3A_754 : vector<16xf32>
      %mul3A_758 = arith.mulf %mul3A_751, %add3A_757 : vector<16xf32>
      %add3A_759 = arith.constant 0.666666686 : f32
      %add3A_760 = vector.broadcast %add3A_759 : f32 to vector<16xf32>
      %add3A_761 = arith.addf %add3A_760, %mul3A_758 : vector<16xf32>
      %mul3A_762 = arith.mulf %mul3A_751, %add3A_761 : vector<16xf32>
      %add3A_763 = arith.constant 2.000000e+00 : f32
      %add3A_764 = vector.broadcast %add3A_763 : f32 to vector<16xf32>
      %add3A_765 = arith.addf %add3A_764, %mul3A_762 : vector<16xf32>
      %mul3A_766 = arith.mulf %div3A_750, %add3A_765 : vector<16xf32>
      %mul3A_767 = arith.constant 0.693147182 : f32
      %mul3A_768 = vector.broadcast %mul3A_767 : f32 to vector<16xf32>
      %mul3A_769 = arith.mulf %select_n3A_743, %mul3A_768 : vector<16xf32>
      %add3A_770 = arith.addf %mul3A_769, %mul3A_766 : vector<16xf32>
      %neg3A_771 = arith.constant 0.000000e+00 : f32
      %neg3A_772 = vector.broadcast %neg3A_771 : f32 to vector<16xf32>
      %neg3A_773 = arith.subf %neg3A_772, %add3A_770 : vector<16xf32>
      %mul3A_774 = arith.mulf %exp3A_407, %div3A_426 : vector<16xf32>
      %sub3A_775 = arith.constant 1.010000e+00 : f32
      %sub3A_776 = vector.broadcast %sub3A_775 : f32 to vector<16xf32>
      %sub3A_777 = arith.subf %sub3A_776, %mul3A_774 : vector<16xf32>
      %bitcast3A_778 = vector.bitcast %sub3A_777 : vector<16xf32> to vector<16xi32>
      %shift_right_arithmetic3A_779 = arith.constant 23 : i32
      %shift_right_arithmetic3A_780 = vector.broadcast %shift_right_arithmetic3A_779 : i32 to vector<16xi32>
      %shift_right_arithmetic3A_781 = arith.shrsi %bitcast3A_778, %shift_right_arithmetic3A_780 : vector<16xi32>
      %sub3A_782 = arith.constant 127 : i32
      %sub3A_783 = vector.broadcast %sub3A_782 : i32 to vector<16xi32>
      %sub3A_784 = arith.subi %shift_right_arithmetic3A_781, %sub3A_783 : vector<16xi32>
      %and3A_785 = arith.constant 8388607 : i32
      %and3A_786 = vector.broadcast %and3A_785 : i32 to vector<16xi32>
      %and3A_787 = arith.andi %bitcast3A_778, %and3A_786 : vector<16xi32>
      %or3A_788 = arith.constant 1065353216 : i32
      %or3A_789 = vector.broadcast %or3A_788 : i32 to vector<16xi32>
      %or3A_790 = arith.ori %and3A_787, %or3A_789 : vector<16xi32>
      %bitcast3A_791 = vector.bitcast %or3A_790 : vector<16xi32> to vector<16xf32>
      %ge3A_792 = arith.constant 1.41421354 : f32
      %ge3A_793 = vector.broadcast %ge3A_792 : f32 to vector<16xf32>
      %ge3A_794 = arith.cmpf oge, %bitcast3A_791, %ge3A_793 : vector<16xf32>
      %mul3A_795 = arith.constant 5.000000e-01 : f32
      %mul3A_796 = vector.broadcast %mul3A_795 : f32 to vector<16xf32>
      %mul3A_797 = arith.mulf %bitcast3A_791, %mul3A_796 : vector<16xf32>
      %select_n3A_798 = arith.select %ge3A_794, %mul3A_797, %bitcast3A_791 : vector<16xi1>, vector<16xf32>
      %convert_element_type3A_799 = arith.sitofp %sub3A_784 : vector<16xi32> to vector<16xf32>
      %add3A_800 = arith.constant 1.000000e+00 : f32
      %add3A_801 = vector.broadcast %add3A_800 : f32 to vector<16xf32>
      %add3A_802 = arith.addf %convert_element_type3A_799, %add3A_801 : vector<16xf32>
      %select_n3A_803 = arith.select %ge3A_794, %add3A_802, %convert_element_type3A_799 : vector<16xi1>, vector<16xf32>
      %sub3A_804 = arith.constant 1.000000e+00 : f32
      %sub3A_805 = vector.broadcast %sub3A_804 : f32 to vector<16xf32>
      %sub3A_806 = arith.subf %select_n3A_798, %sub3A_805 : vector<16xf32>
      %add3A_807 = arith.constant 1.000000e+00 : f32
      %add3A_808 = vector.broadcast %add3A_807 : f32 to vector<16xf32>
      %add3A_809 = arith.addf %select_n3A_798, %add3A_808 : vector<16xf32>
      %div3A_810 = arith.divf %sub3A_806, %add3A_809 : vector<16xf32>
      %mul3A_811 = arith.mulf %div3A_810, %div3A_810 : vector<16xf32>
      %mul3A_812 = arith.constant 0.285714298 : f32
      %mul3A_813 = vector.broadcast %mul3A_812 : f32 to vector<16xf32>
      %mul3A_814 = arith.mulf %mul3A_811, %mul3A_813 : vector<16xf32>
      %add3A_815 = arith.constant 4.000000e-01 : f32
      %add3A_816 = vector.broadcast %add3A_815 : f32 to vector<16xf32>
      %add3A_817 = arith.addf %add3A_816, %mul3A_814 : vector<16xf32>
      %mul3A_818 = arith.mulf %mul3A_811, %add3A_817 : vector<16xf32>
      %add3A_819 = arith.constant 0.666666686 : f32
      %add3A_820 = vector.broadcast %add3A_819 : f32 to vector<16xf32>
      %add3A_821 = arith.addf %add3A_820, %mul3A_818 : vector<16xf32>
      %mul3A_822 = arith.mulf %mul3A_811, %add3A_821 : vector<16xf32>
      %add3A_823 = arith.constant 2.000000e+00 : f32
      %add3A_824 = vector.broadcast %add3A_823 : f32 to vector<16xf32>
      %add3A_825 = arith.addf %add3A_824, %mul3A_822 : vector<16xf32>
      %mul3A_826 = arith.mulf %div3A_810, %add3A_825 : vector<16xf32>
      %mul3A_827 = arith.constant 0.693147182 : f32
      %mul3A_828 = vector.broadcast %mul3A_827 : f32 to vector<16xf32>
      %mul3A_829 = arith.mulf %select_n3A_803, %mul3A_828 : vector<16xf32>
      %add3A_830 = arith.addf %mul3A_829, %mul3A_826 : vector<16xf32>
      %neg3A_831 = arith.constant 0.000000e+00 : f32
      %neg3A_832 = vector.broadcast %neg3A_831 : f32 to vector<16xf32>
      %neg3A_833 = arith.subf %neg3A_832, %add3A_830 : vector<16xf32>
      %mul3A_834 = arith.mulf %exp3A_409, %div3A_426 : vector<16xf32>
      %sub3A_835 = arith.constant 1.010000e+00 : f32
      %sub3A_836 = vector.broadcast %sub3A_835 : f32 to vector<16xf32>
      %sub3A_837 = arith.subf %sub3A_836, %mul3A_834 : vector<16xf32>
      %bitcast3A_838 = vector.bitcast %sub3A_837 : vector<16xf32> to vector<16xi32>
      %shift_right_arithmetic3A_839 = arith.constant 23 : i32
      %shift_right_arithmetic3A_840 = vector.broadcast %shift_right_arithmetic3A_839 : i32 to vector<16xi32>
      %shift_right_arithmetic3A_841 = arith.shrsi %bitcast3A_838, %shift_right_arithmetic3A_840 : vector<16xi32>
      %sub3A_842 = arith.constant 127 : i32
      %sub3A_843 = vector.broadcast %sub3A_842 : i32 to vector<16xi32>
      %sub3A_844 = arith.subi %shift_right_arithmetic3A_841, %sub3A_843 : vector<16xi32>
      %and3A_845 = arith.constant 8388607 : i32
      %and3A_846 = vector.broadcast %and3A_845 : i32 to vector<16xi32>
      %and3A_847 = arith.andi %bitcast3A_838, %and3A_846 : vector<16xi32>
      %or3A_848 = arith.constant 1065353216 : i32
      %or3A_849 = vector.broadcast %or3A_848 : i32 to vector<16xi32>
      %or3A_850 = arith.ori %and3A_847, %or3A_849 : vector<16xi32>
      %bitcast3A_851 = vector.bitcast %or3A_850 : vector<16xi32> to vector<16xf32>
      %ge3A_852 = arith.constant 1.41421354 : f32
      %ge3A_853 = vector.broadcast %ge3A_852 : f32 to vector<16xf32>
      %ge3A_854 = arith.cmpf oge, %bitcast3A_851, %ge3A_853 : vector<16xf32>
      %mul3A_855 = arith.constant 5.000000e-01 : f32
      %mul3A_856 = vector.broadcast %mul3A_855 : f32 to vector<16xf32>
      %mul3A_857 = arith.mulf %bitcast3A_851, %mul3A_856 : vector<16xf32>
      %select_n3A_858 = arith.select %ge3A_854, %mul3A_857, %bitcast3A_851 : vector<16xi1>, vector<16xf32>
      %convert_element_type3A_859 = arith.sitofp %sub3A_844 : vector<16xi32> to vector<16xf32>
      %add3A_860 = arith.constant 1.000000e+00 : f32
      %add3A_861 = vector.broadcast %add3A_860 : f32 to vector<16xf32>
      %add3A_862 = arith.addf %convert_element_type3A_859, %add3A_861 : vector<16xf32>
      %select_n3A_863 = arith.select %ge3A_854, %add3A_862, %convert_element_type3A_859 : vector<16xi1>, vector<16xf32>
      %sub3A_864 = arith.constant 1.000000e+00 : f32
      %sub3A_865 = vector.broadcast %sub3A_864 : f32 to vector<16xf32>
      %sub3A_866 = arith.subf %select_n3A_858, %sub3A_865 : vector<16xf32>
      %add3A_867 = arith.constant 1.000000e+00 : f32
      %add3A_868 = vector.broadcast %add3A_867 : f32 to vector<16xf32>
      %add3A_869 = arith.addf %select_n3A_858, %add3A_868 : vector<16xf32>
      %div3A_870 = arith.divf %sub3A_866, %add3A_869 : vector<16xf32>
      %mul3A_871 = arith.mulf %div3A_870, %div3A_870 : vector<16xf32>
      %mul3A_872 = arith.constant 0.285714298 : f32
      %mul3A_873 = vector.broadcast %mul3A_872 : f32 to vector<16xf32>
      %mul3A_874 = arith.mulf %mul3A_871, %mul3A_873 : vector<16xf32>
      %add3A_875 = arith.constant 4.000000e-01 : f32
      %add3A_876 = vector.broadcast %add3A_875 : f32 to vector<16xf32>
      %add3A_877 = arith.addf %add3A_876, %mul3A_874 : vector<16xf32>
      %mul3A_878 = arith.mulf %mul3A_871, %add3A_877 : vector<16xf32>
      %add3A_879 = arith.constant 0.666666686 : f32
      %add3A_880 = vector.broadcast %add3A_879 : f32 to vector<16xf32>
      %add3A_881 = arith.addf %add3A_880, %mul3A_878 : vector<16xf32>
      %mul3A_882 = arith.mulf %mul3A_871, %add3A_881 : vector<16xf32>
      %add3A_883 = arith.constant 2.000000e+00 : f32
      %add3A_884 = vector.broadcast %add3A_883 : f32 to vector<16xf32>
      %add3A_885 = arith.addf %add3A_884, %mul3A_882 : vector<16xf32>
      %mul3A_886 = arith.mulf %div3A_870, %add3A_885 : vector<16xf32>
      %mul3A_887 = arith.constant 0.693147182 : f32
      %mul3A_888 = vector.broadcast %mul3A_887 : f32 to vector<16xf32>
      %mul3A_889 = arith.mulf %select_n3A_863, %mul3A_888 : vector<16xf32>
      %add3A_890 = arith.addf %mul3A_889, %mul3A_886 : vector<16xf32>
      %neg3A_891 = arith.constant 0.000000e+00 : f32
      %neg3A_892 = vector.broadcast %neg3A_891 : f32 to vector<16xf32>
      %neg3A_893 = arith.subf %neg3A_892, %add3A_890 : vector<16xf32>
      %mul3A_894 = arith.mulf %exp3A_411, %div3A_426 : vector<16xf32>
      %sub3A_895 = arith.constant 1.010000e+00 : f32
      %sub3A_896 = vector.broadcast %sub3A_895 : f32 to vector<16xf32>
      %sub3A_897 = arith.subf %sub3A_896, %mul3A_894 : vector<16xf32>
      %bitcast3A_898 = vector.bitcast %sub3A_897 : vector<16xf32> to vector<16xi32>
      %shift_right_arithmetic3A_899 = arith.constant 23 : i32
      %shift_right_arithmetic3A_900 = vector.broadcast %shift_right_arithmetic3A_899 : i32 to vector<16xi32>
      %shift_right_arithmetic3A_901 = arith.shrsi %bitcast3A_898, %shift_right_arithmetic3A_900 : vector<16xi32>
      %sub3A_902 = arith.constant 127 : i32
      %sub3A_903 = vector.broadcast %sub3A_902 : i32 to vector<16xi32>
      %sub3A_904 = arith.subi %shift_right_arithmetic3A_901, %sub3A_903 : vector<16xi32>
      %and3A_905 = arith.constant 8388607 : i32
      %and3A_906 = vector.broadcast %and3A_905 : i32 to vector<16xi32>
      %and3A_907 = arith.andi %bitcast3A_898, %and3A_906 : vector<16xi32>
      %or3A_908 = arith.constant 1065353216 : i32
      %or3A_909 = vector.broadcast %or3A_908 : i32 to vector<16xi32>
      %or3A_910 = arith.ori %and3A_907, %or3A_909 : vector<16xi32>
      %bitcast3A_911 = vector.bitcast %or3A_910 : vector<16xi32> to vector<16xf32>
      %ge3A_912 = arith.constant 1.41421354 : f32
      %ge3A_913 = vector.broadcast %ge3A_912 : f32 to vector<16xf32>
      %ge3A_914 = arith.cmpf oge, %bitcast3A_911, %ge3A_913 : vector<16xf32>
      %mul3A_915 = arith.constant 5.000000e-01 : f32
      %mul3A_916 = vector.broadcast %mul3A_915 : f32 to vector<16xf32>
      %mul3A_917 = arith.mulf %bitcast3A_911, %mul3A_916 : vector<16xf32>
      %select_n3A_918 = arith.select %ge3A_914, %mul3A_917, %bitcast3A_911 : vector<16xi1>, vector<16xf32>
      %convert_element_type3A_919 = arith.sitofp %sub3A_904 : vector<16xi32> to vector<16xf32>
      %add3A_920 = arith.constant 1.000000e+00 : f32
      %add3A_921 = vector.broadcast %add3A_920 : f32 to vector<16xf32>
      %add3A_922 = arith.addf %convert_element_type3A_919, %add3A_921 : vector<16xf32>
      %select_n3A_923 = arith.select %ge3A_914, %add3A_922, %convert_element_type3A_919 : vector<16xi1>, vector<16xf32>
      %sub3A_924 = arith.constant 1.000000e+00 : f32
      %sub3A_925 = vector.broadcast %sub3A_924 : f32 to vector<16xf32>
      %sub3A_926 = arith.subf %select_n3A_918, %sub3A_925 : vector<16xf32>
      %add3A_927 = arith.constant 1.000000e+00 : f32
      %add3A_928 = vector.broadcast %add3A_927 : f32 to vector<16xf32>
      %add3A_929 = arith.addf %select_n3A_918, %add3A_928 : vector<16xf32>
      %div3A_930 = arith.divf %sub3A_926, %add3A_929 : vector<16xf32>
      %mul3A_931 = arith.mulf %div3A_930, %div3A_930 : vector<16xf32>
      %mul3A_932 = arith.constant 0.285714298 : f32
      %mul3A_933 = vector.broadcast %mul3A_932 : f32 to vector<16xf32>
      %mul3A_934 = arith.mulf %mul3A_931, %mul3A_933 : vector<16xf32>
      %add3A_935 = arith.constant 4.000000e-01 : f32
      %add3A_936 = vector.broadcast %add3A_935 : f32 to vector<16xf32>
      %add3A_937 = arith.addf %add3A_936, %mul3A_934 : vector<16xf32>
      %mul3A_938 = arith.mulf %mul3A_931, %add3A_937 : vector<16xf32>
      %add3A_939 = arith.constant 0.666666686 : f32
      %add3A_940 = vector.broadcast %add3A_939 : f32 to vector<16xf32>
      %add3A_941 = arith.addf %add3A_940, %mul3A_938 : vector<16xf32>
      %mul3A_942 = arith.mulf %mul3A_931, %add3A_941 : vector<16xf32>
      %add3A_943 = arith.constant 2.000000e+00 : f32
      %add3A_944 = vector.broadcast %add3A_943 : f32 to vector<16xf32>
      %add3A_945 = arith.addf %add3A_944, %mul3A_942 : vector<16xf32>
      %mul3A_946 = arith.mulf %div3A_930, %add3A_945 : vector<16xf32>
      %mul3A_947 = arith.constant 0.693147182 : f32
      %mul3A_948 = vector.broadcast %mul3A_947 : f32 to vector<16xf32>
      %mul3A_949 = arith.mulf %select_n3A_923, %mul3A_948 : vector<16xf32>
      %add3A_950 = arith.addf %mul3A_949, %mul3A_946 : vector<16xf32>
      %neg3A_951 = arith.constant 0.000000e+00 : f32
      %neg3A_952 = vector.broadcast %neg3A_951 : f32 to vector<16xf32>
      %neg3A_953 = arith.subf %neg3A_952, %add3A_950 : vector<16xf32>
      %mul3A_954 = arith.mulf %exp3A_413, %div3A_426 : vector<16xf32>
      %sub3A_955 = arith.constant 1.010000e+00 : f32
      %sub3A_956 = vector.broadcast %sub3A_955 : f32 to vector<16xf32>
      %sub3A_957 = arith.subf %sub3A_956, %mul3A_954 : vector<16xf32>
      %bitcast3A_958 = vector.bitcast %sub3A_957 : vector<16xf32> to vector<16xi32>
      %shift_right_arithmetic3A_959 = arith.constant 23 : i32
      %shift_right_arithmetic3A_960 = vector.broadcast %shift_right_arithmetic3A_959 : i32 to vector<16xi32>
      %shift_right_arithmetic3A_961 = arith.shrsi %bitcast3A_958, %shift_right_arithmetic3A_960 : vector<16xi32>
      %sub3A_962 = arith.constant 127 : i32
      %sub3A_963 = vector.broadcast %sub3A_962 : i32 to vector<16xi32>
      %sub3A_964 = arith.subi %shift_right_arithmetic3A_961, %sub3A_963 : vector<16xi32>
      %and3A_965 = arith.constant 8388607 : i32
      %and3A_966 = vector.broadcast %and3A_965 : i32 to vector<16xi32>
      %and3A_967 = arith.andi %bitcast3A_958, %and3A_966 : vector<16xi32>
      %or3A_968 = arith.constant 1065353216 : i32
      %or3A_969 = vector.broadcast %or3A_968 : i32 to vector<16xi32>
      %or3A_970 = arith.ori %and3A_967, %or3A_969 : vector<16xi32>
      %bitcast3A_971 = vector.bitcast %or3A_970 : vector<16xi32> to vector<16xf32>
      %ge3A_972 = arith.constant 1.41421354 : f32
      %ge3A_973 = vector.broadcast %ge3A_972 : f32 to vector<16xf32>
      %ge3A_974 = arith.cmpf oge, %bitcast3A_971, %ge3A_973 : vector<16xf32>
      %mul3A_975 = arith.constant 5.000000e-01 : f32
      %mul3A_976 = vector.broadcast %mul3A_975 : f32 to vector<16xf32>
      %mul3A_977 = arith.mulf %bitcast3A_971, %mul3A_976 : vector<16xf32>
      %select_n3A_978 = arith.select %ge3A_974, %mul3A_977, %bitcast3A_971 : vector<16xi1>, vector<16xf32>
      %convert_element_type3A_979 = arith.sitofp %sub3A_964 : vector<16xi32> to vector<16xf32>
      %add3A_980 = arith.constant 1.000000e+00 : f32
      %add3A_981 = vector.broadcast %add3A_980 : f32 to vector<16xf32>
      %add3A_982 = arith.addf %convert_element_type3A_979, %add3A_981 : vector<16xf32>
      %select_n3A_983 = arith.select %ge3A_974, %add3A_982, %convert_element_type3A_979 : vector<16xi1>, vector<16xf32>
      %sub3A_984 = arith.constant 1.000000e+00 : f32
      %sub3A_985 = vector.broadcast %sub3A_984 : f32 to vector<16xf32>
      %sub3A_986 = arith.subf %select_n3A_978, %sub3A_985 : vector<16xf32>
      %add3A_987 = arith.constant 1.000000e+00 : f32
      %add3A_988 = vector.broadcast %add3A_987 : f32 to vector<16xf32>
      %add3A_989 = arith.addf %select_n3A_978, %add3A_988 : vector<16xf32>
      %div3A_990 = arith.divf %sub3A_986, %add3A_989 : vector<16xf32>
      %mul3A_991 = arith.mulf %div3A_990, %div3A_990 : vector<16xf32>
      %mul3A_992 = arith.constant 0.285714298 : f32
      %mul3A_993 = vector.broadcast %mul3A_992 : f32 to vector<16xf32>
      %mul3A_994 = arith.mulf %mul3A_991, %mul3A_993 : vector<16xf32>
      %add3A_995 = arith.constant 4.000000e-01 : f32
      %add3A_996 = vector.broadcast %add3A_995 : f32 to vector<16xf32>
      %add3A_997 = arith.addf %add3A_996, %mul3A_994 : vector<16xf32>
      %mul3A_998 = arith.mulf %mul3A_991, %add3A_997 : vector<16xf32>
      %add3A_999 = arith.constant 0.666666686 : f32
      %add3A_1000 = vector.broadcast %add3A_999 : f32 to vector<16xf32>
      %add3A_1001 = arith.addf %add3A_1000, %mul3A_998 : vector<16xf32>
      %mul3A_1002 = arith.mulf %mul3A_991, %add3A_1001 : vector<16xf32>
      %add3A_1003 = arith.constant 2.000000e+00 : f32
      %add3A_1004 = vector.broadcast %add3A_1003 : f32 to vector<16xf32>
      %add3A_1005 = arith.addf %add3A_1004, %mul3A_1002 : vector<16xf32>
      %mul3A_1006 = arith.mulf %div3A_990, %add3A_1005 : vector<16xf32>
      %mul3A_1007 = arith.constant 0.693147182 : f32
      %mul3A_1008 = vector.broadcast %mul3A_1007 : f32 to vector<16xf32>
      %mul3A_1009 = arith.mulf %select_n3A_983, %mul3A_1008 : vector<16xf32>
      %add3A_1010 = arith.addf %mul3A_1009, %mul3A_1006 : vector<16xf32>
      %neg3A_1011 = arith.constant 0.000000e+00 : f32
      %neg3A_1012 = vector.broadcast %neg3A_1011 : f32 to vector<16xf32>
      %neg3A_1013 = arith.subf %neg3A_1012, %add3A_1010 : vector<16xf32>
      %mul3A_1014 = arith.mulf %exp3A_415, %div3A_426 : vector<16xf32>
      %sub3A_1015 = arith.constant 1.010000e+00 : f32
      %sub3A_1016 = vector.broadcast %sub3A_1015 : f32 to vector<16xf32>
      %sub3A_1017 = arith.subf %sub3A_1016, %mul3A_1014 : vector<16xf32>
      %bitcast3A_1018 = vector.bitcast %sub3A_1017 : vector<16xf32> to vector<16xi32>
      %shift_right_arithmetic3A_1019 = arith.constant 23 : i32
      %shift_right_arithmetic3A_1020 = vector.broadcast %shift_right_arithmetic3A_1019 : i32 to vector<16xi32>
      %shift_right_arithmetic3A_1021 = arith.shrsi %bitcast3A_1018, %shift_right_arithmetic3A_1020 : vector<16xi32>
      %sub3A_1022 = arith.constant 127 : i32
      %sub3A_1023 = vector.broadcast %sub3A_1022 : i32 to vector<16xi32>
      %sub3A_1024 = arith.subi %shift_right_arithmetic3A_1021, %sub3A_1023 : vector<16xi32>
      %and3A_1025 = arith.constant 8388607 : i32
      %and3A_1026 = vector.broadcast %and3A_1025 : i32 to vector<16xi32>
      %and3A_1027 = arith.andi %bitcast3A_1018, %and3A_1026 : vector<16xi32>
      %or3A_1028 = arith.constant 1065353216 : i32
      %or3A_1029 = vector.broadcast %or3A_1028 : i32 to vector<16xi32>
      %or3A_1030 = arith.ori %and3A_1027, %or3A_1029 : vector<16xi32>
      %bitcast3A_1031 = vector.bitcast %or3A_1030 : vector<16xi32> to vector<16xf32>
      %ge3A_1032 = arith.constant 1.41421354 : f32
      %ge3A_1033 = vector.broadcast %ge3A_1032 : f32 to vector<16xf32>
      %ge3A_1034 = arith.cmpf oge, %bitcast3A_1031, %ge3A_1033 : vector<16xf32>
      %mul3A_1035 = arith.constant 5.000000e-01 : f32
      %mul3A_1036 = vector.broadcast %mul3A_1035 : f32 to vector<16xf32>
      %mul3A_1037 = arith.mulf %bitcast3A_1031, %mul3A_1036 : vector<16xf32>
      %select_n3A_1038 = arith.select %ge3A_1034, %mul3A_1037, %bitcast3A_1031 : vector<16xi1>, vector<16xf32>
      %convert_element_type3A_1039 = arith.sitofp %sub3A_1024 : vector<16xi32> to vector<16xf32>
      %add3A_1040 = arith.constant 1.000000e+00 : f32
      %add3A_1041 = vector.broadcast %add3A_1040 : f32 to vector<16xf32>
      %add3A_1042 = arith.addf %convert_element_type3A_1039, %add3A_1041 : vector<16xf32>
      %select_n3A_1043 = arith.select %ge3A_1034, %add3A_1042, %convert_element_type3A_1039 : vector<16xi1>, vector<16xf32>
      %sub3A_1044 = arith.constant 1.000000e+00 : f32
      %sub3A_1045 = vector.broadcast %sub3A_1044 : f32 to vector<16xf32>
      %sub3A_1046 = arith.subf %select_n3A_1038, %sub3A_1045 : vector<16xf32>
      %add3A_1047 = arith.constant 1.000000e+00 : f32
      %add3A_1048 = vector.broadcast %add3A_1047 : f32 to vector<16xf32>
      %add3A_1049 = arith.addf %select_n3A_1038, %add3A_1048 : vector<16xf32>
      %div3A_1050 = arith.divf %sub3A_1046, %add3A_1049 : vector<16xf32>
      %mul3A_1051 = arith.mulf %div3A_1050, %div3A_1050 : vector<16xf32>
      %mul3A_1052 = arith.constant 0.285714298 : f32
      %mul3A_1053 = vector.broadcast %mul3A_1052 : f32 to vector<16xf32>
      %mul3A_1054 = arith.mulf %mul3A_1051, %mul3A_1053 : vector<16xf32>
      %add3A_1055 = arith.constant 4.000000e-01 : f32
      %add3A_1056 = vector.broadcast %add3A_1055 : f32 to vector<16xf32>
      %add3A_1057 = arith.addf %add3A_1056, %mul3A_1054 : vector<16xf32>
      %mul3A_1058 = arith.mulf %mul3A_1051, %add3A_1057 : vector<16xf32>
      %add3A_1059 = arith.constant 0.666666686 : f32
      %add3A_1060 = vector.broadcast %add3A_1059 : f32 to vector<16xf32>
      %add3A_1061 = arith.addf %add3A_1060, %mul3A_1058 : vector<16xf32>
      %mul3A_1062 = arith.mulf %mul3A_1051, %add3A_1061 : vector<16xf32>
      %add3A_1063 = arith.constant 2.000000e+00 : f32
      %add3A_1064 = vector.broadcast %add3A_1063 : f32 to vector<16xf32>
      %add3A_1065 = arith.addf %add3A_1064, %mul3A_1062 : vector<16xf32>
      %mul3A_1066 = arith.mulf %div3A_1050, %add3A_1065 : vector<16xf32>
      %mul3A_1067 = arith.constant 0.693147182 : f32
      %mul3A_1068 = vector.broadcast %mul3A_1067 : f32 to vector<16xf32>
      %mul3A_1069 = arith.mulf %select_n3A_1043, %mul3A_1068 : vector<16xf32>
      %add3A_1070 = arith.addf %mul3A_1069, %mul3A_1066 : vector<16xf32>
      %neg3A_1071 = arith.constant 0.000000e+00 : f32
      %neg3A_1072 = vector.broadcast %neg3A_1071 : f32 to vector<16xf32>
      %neg3A_1073 = arith.subf %neg3A_1072, %add3A_1070 : vector<16xf32>
      %add3A_1074 = arith.addf %max3A_397, %add3A_474 : vector<16xf32>
      %mul3A_1075 = arith.constant 2 : i32
      %mul3A_1076 = arith.muli %scan3A_287, %mul3A_1075 : i32
      %add3A_1077 = arith.constant 1 : i32
      %add3A_1078 = arith.addi %mul3A_1076, %add3A_1077 : i32
      %mul3A_1079 = arith.constant 16 : i32
      %mul3A_1080 = arith.muli %add3A_1078, %mul3A_1079 : i32
      %get3A_1081 = arith.index_cast %mul3A_1080 : i32 to index
      %get3A_1082 = tpu.vector_load %arg8[%get3A_1081] {strides = array<i32>} : memref<1024xi32, #tpu.memory_space<vmem>>, vector<16xi32>,
      %le3A_1083 = arith.constant 9 : i32
      %le3A_1084 = vector.broadcast %le3A_1083 : i32 to vector<16xi32>
      %le3A_1085 = arith.cmpi sle, %get3A_1082, %le3A_1084 : vector<16xi32>
      %not3A_1086 = arith.constant dense<true> : vector<16xi1>
      %not3A_1087 = arith.xori %le3A_1085, %not3A_1086 : vector<16xi1>
      %mul3A_1088 = arith.constant 160 : i32
      %mul3A_1089 = arith.muli %add3A_1078, %mul3A_1088 : i32
      %mul3A_1090 = arith.constant 10 : i32
      %mul3A_1091 = vector.broadcast %mul3A_1090 : i32 to vector<16xi32>
      %mul3A_1092 = arith.muli %iota3A, %mul3A_1091 : vector<16xi32>
      %add3A_1093 = vector.broadcast %mul3A_1089 : i32 to vector<16xi32>
      %add3A_1094 = arith.addi %add3A_1093, %mul3A_1092 : vector<16xi32>
      %add3A_1095 = arith.constant 0 : i32
      %add3A_1096 = vector.broadcast %add3A_1095 : i32 to vector<16xi32>
      %add3A_1097 = arith.addi %add3A_1094, %add3A_1096 : vector<16xi32>
      %gather3A_1098 = tpu.vector_load_idx %arg7[%add3A_1097] : memref<10240xf32, #tpu.memory_space<vmem>>[vector<16xi32>], vector<16xf32>,
      %mul3A_1099 = arith.constant 10 : i32
      %mul3A_1100 = vector.broadcast %mul3A_1099 : i32 to vector<16xi32>
      %mul3A_1101 = arith.muli %iota3A, %mul3A_1100 : vector<16xi32>
      %add3A_1102 = vector.broadcast %mul3A_1089 : i32 to vector<16xi32>
      %add3A_1103 = arith.addi %add3A_1102, %mul3A_1101 : vector<16xi32>
      %add3A_1104 = arith.constant 1 : i32
      %add3A_1105 = vector.broadcast %add3A_1104 : i32 to vector<16xi32>
      %add3A_1106 = arith.addi %add3A_1103, %add3A_1105 : vector<16xi32>
      %gather3A_1107 = tpu.vector_load_idx %arg7[%add3A_1106] : memref<10240xf32, #tpu.memory_space<vmem>>[vector<16xi32>], vector<16xf32>,
      %mul3A_1108 = arith.constant 10 : i32
      %mul3A_1109 = vector.broadcast %mul3A_1108 : i32 to vector<16xi32>
      %mul3A_1110 = arith.muli %iota3A, %mul3A_1109 : vector<16xi32>
      %add3A_1111 = vector.broadcast %mul3A_1089 : i32 to vector<16xi32>
      %add3A_1112 = arith.addi %add3A_1111, %mul3A_1110 : vector<16xi32>
      %add3A_1113 = arith.constant 2 : i32
      %add3A_1114 = vector.broadcast %add3A_1113 : i32 to vector<16xi32>
      %add3A_1115 = arith.addi %add3A_1112, %add3A_1114 : vector<16xi32>
      %gather3A_1116 = tpu.vector_load_idx %arg7[%add3A_1115] : memref<10240xf32, #tpu.memory_space<vmem>>[vector<16xi32>], vector<16xf32>,
      %mul3A_1117 = arith.constant 10 : i32
      %mul3A_1118 = vector.broadcast %mul3A_1117 : i32 to vector<16xi32>
      %mul3A_1119 = arith.muli %iota3A, %mul3A_1118 : vector<16xi32>
      %add3A_1120 = vector.broadcast %mul3A_1089 : i32 to vector<16xi32>
      %add3A_1121 = arith.addi %add3A_1120, %mul3A_1119 : vector<16xi32>
      %add3A_1122 = arith.constant 3 : i32
      %add3A_1123 = vector.broadcast %add3A_1122 : i32 to vector<16xi32>
      %add3A_1124 = arith.addi %add3A_1121, %add3A_1123 : vector<16xi32>
      %gather3A_1125 = tpu.vector_load_idx %arg7[%add3A_1124] : memref<10240xf32, #tpu.memory_space<vmem>>[vector<16xi32>], vector<16xf32>,
      %mul3A_1126 = arith.constant 10 : i32
      %mul3A_1127 = vector.broadcast %mul3A_1126 : i32 to vector<16xi32>
      %mul3A_1128 = arith.muli %iota3A, %mul3A_1127 : vector<16xi32>
      %add3A_1129 = vector.broadcast %mul3A_1089 : i32 to vector<16xi32>
      %add3A_1130 = arith.addi %add3A_1129, %mul3A_1128 : vector<16xi32>
      %add3A_1131 = arith.constant 4 : i32
      %add3A_1132 = vector.broadcast %add3A_1131 : i32 to vector<16xi32>
      %add3A_1133 = arith.addi %add3A_1130, %add3A_1132 : vector<16xi32>
      %gather3A_1134 = tpu.vector_load_idx %arg7[%add3A_1133] : memref<10240xf32, #tpu.memory_space<vmem>>[vector<16xi32>], vector<16xf32>,
      %mul3A_1135 = arith.constant 10 : i32
      %mul3A_1136 = vector.broadcast %mul3A_1135 : i32 to vector<16xi32>
      %mul3A_1137 = arith.muli %iota3A, %mul3A_1136 : vector<16xi32>
      %add3A_1138 = vector.broadcast %mul3A_1089 : i32 to vector<16xi32>
      %add3A_1139 = arith.addi %add3A_1138, %mul3A_1137 : vector<16xi32>
      %add3A_1140 = arith.constant 5 : i32
      %add3A_1141 = vector.broadcast %add3A_1140 : i32 to vector<16xi32>
      %add3A_1142 = arith.addi %add3A_1139, %add3A_1141 : vector<16xi32>
      %gather3A_1143 = tpu.vector_load_idx %arg7[%add3A_1142] : memref<10240xf32, #tpu.memory_space<vmem>>[vector<16xi32>], vector<16xf32>,
      %mul3A_1144 = arith.constant 10 : i32
      %mul3A_1145 = vector.broadcast %mul3A_1144 : i32 to vector<16xi32>
      %mul3A_1146 = arith.muli %iota3A, %mul3A_1145 : vector<16xi32>
      %add3A_1147 = vector.broadcast %mul3A_1089 : i32 to vector<16xi32>
      %add3A_1148 = arith.addi %add3A_1147, %mul3A_1146 : vector<16xi32>
      %add3A_1149 = arith.constant 6 : i32
      %add3A_1150 = vector.broadcast %add3A_1149 : i32 to vector<16xi32>
      %add3A_1151 = arith.addi %add3A_1148, %add3A_1150 : vector<16xi32>
      %gather3A_1152 = tpu.vector_load_idx %arg7[%add3A_1151] : memref<10240xf32, #tpu.memory_space<vmem>>[vector<16xi32>], vector<16xf32>,
      %mul3A_1153 = arith.constant 10 : i32
      %mul3A_1154 = vector.broadcast %mul3A_1153 : i32 to vector<16xi32>
      %mul3A_1155 = arith.muli %iota3A, %mul3A_1154 : vector<16xi32>
      %add3A_1156 = vector.broadcast %mul3A_1089 : i32 to vector<16xi32>
      %add3A_1157 = arith.addi %add3A_1156, %mul3A_1155 : vector<16xi32>
      %add3A_1158 = arith.constant 7 : i32
      %add3A_1159 = vector.broadcast %add3A_1158 : i32 to vector<16xi32>
      %add3A_1160 = arith.addi %add3A_1157, %add3A_1159 : vector<16xi32>
      %gather3A_1161 = tpu.vector_load_idx %arg7[%add3A_1160] : memref<10240xf32, #tpu.memory_space<vmem>>[vector<16xi32>], vector<16xf32>,
      %mul3A_1162 = arith.constant 10 : i32
      %mul3A_1163 = vector.broadcast %mul3A_1162 : i32 to vector<16xi32>
      %mul3A_1164 = arith.muli %iota3A, %mul3A_1163 : vector<16xi32>
      %add3A_1165 = vector.broadcast %mul3A_1089 : i32 to vector<16xi32>
      %add3A_1166 = arith.addi %add3A_1165, %mul3A_1164 : vector<16xi32>
      %add3A_1167 = arith.constant 8 : i32
      %add3A_1168 = vector.broadcast %add3A_1167 : i32 to vector<16xi32>
      %add3A_1169 = arith.addi %add3A_1166, %add3A_1168 : vector<16xi32>
      %gather3A_1170 = tpu.vector_load_idx %arg7[%add3A_1169] : memref<10240xf32, #tpu.memory_space<vmem>>[vector<16xi32>], vector<16xf32>,
      %mul3A_1171 = arith.constant 10 : i32
      %mul3A_1172 = vector.broadcast %mul3A_1171 : i32 to vector<16xi32>
      %mul3A_1173 = arith.muli %iota3A, %mul3A_1172 : vector<16xi32>
      %add3A_1174 = vector.broadcast %mul3A_1089 : i32 to vector<16xi32>
      %add3A_1175 = arith.addi %add3A_1174, %mul3A_1173 : vector<16xi32>
      %add3A_1176 = arith.constant 9 : i32
      %add3A_1177 = vector.broadcast %add3A_1176 : i32 to vector<16xi32>
      %add3A_1178 = arith.addi %add3A_1175, %add3A_1177 : vector<16xi32>
      %gather3A_1179 = tpu.vector_load_idx %arg7[%add3A_1178] : memref<10240xf32, #tpu.memory_space<vmem>>[vector<16xi32>], vector<16xf32>,
      %max3A_1180 = arith.maximumf %gather3A_1098, %gather3A_1107 : vector<16xf32>
      %max3A_1181 = arith.maximumf %max3A_1180, %gather3A_1116 : vector<16xf32>
      %max3A_1182 = arith.maximumf %max3A_1181, %gather3A_1125 : vector<16xf32>
      %max3A_1183 = arith.maximumf %max3A_1182, %gather3A_1134 : vector<16xf32>
      %max3A_1184 = arith.maximumf %max3A_1183, %gather3A_1143 : vector<16xf32>
      %max3A_1185 = arith.maximumf %max3A_1184, %gather3A_1152 : vector<16xf32>
      %max3A_1186 = arith.maximumf %max3A_1185, %gather3A_1161 : vector<16xf32>
      %max3A_1187 = arith.maximumf %max3A_1186, %gather3A_1170 : vector<16xf32>
      %max3A_1188 = arith.maximumf %max3A_1187, %gather3A_1179 : vector<16xf32>
      %sub3A_1189 = arith.subf %gather3A_1098, %max3A_1188 : vector<16xf32>
      %exp3A_1190 = math.exp %sub3A_1189 : vector<16xf32>
      %sub3A_1191 = arith.subf %gather3A_1107, %max3A_1188 : vector<16xf32>
      %exp3A_1192 = math.exp %sub3A_1191 : vector<16xf32>
      %sub3A_1193 = arith.subf %gather3A_1116, %max3A_1188 : vector<16xf32>
      %exp3A_1194 = math.exp %sub3A_1193 : vector<16xf32>
      %sub3A_1195 = arith.subf %gather3A_1125, %max3A_1188 : vector<16xf32>
      %exp3A_1196 = math.exp %sub3A_1195 : vector<16xf32>
      %sub3A_1197 = arith.subf %gather3A_1134, %max3A_1188 : vector<16xf32>
      %exp3A_1198 = math.exp %sub3A_1197 : vector<16xf32>
      %sub3A_1199 = arith.subf %gather3A_1143, %max3A_1188 : vector<16xf32>
      %exp3A_1200 = math.exp %sub3A_1199 : vector<16xf32>
      %sub3A_1201 = arith.subf %gather3A_1152, %max3A_1188 : vector<16xf32>
      %exp3A_1202 = math.exp %sub3A_1201 : vector<16xf32>
      %sub3A_1203 = arith.subf %gather3A_1161, %max3A_1188 : vector<16xf32>
      %exp3A_1204 = math.exp %sub3A_1203 : vector<16xf32>
      %sub3A_1205 = arith.subf %gather3A_1170, %max3A_1188 : vector<16xf32>
      %exp3A_1206 = math.exp %sub3A_1205 : vector<16xf32>
      %sub3A_1207 = arith.subf %gather3A_1179, %max3A_1188 : vector<16xf32>
      %exp3A_1208 = math.exp %sub3A_1207 : vector<16xf32>
      %add3A_1209 = arith.addf %exp3A_1190, %exp3A_1192 : vector<16xf32>
      %add3A_1210 = arith.addf %add3A_1209, %exp3A_1194 : vector<16xf32>
      %add3A_1211 = arith.addf %add3A_1210, %exp3A_1196 : vector<16xf32>
      %add3A_1212 = arith.addf %add3A_1211, %exp3A_1198 : vector<16xf32>
      %add3A_1213 = arith.addf %add3A_1212, %exp3A_1200 : vector<16xf32>
      %add3A_1214 = arith.addf %add3A_1213, %exp3A_1202 : vector<16xf32>
      %add3A_1215 = arith.addf %add3A_1214, %exp3A_1204 : vector<16xf32>
      %add3A_1216 = arith.addf %add3A_1215, %exp3A_1206 : vector<16xf32>
      %add3A_1217 = arith.addf %add3A_1216, %exp3A_1208 : vector<16xf32>
      %div3A_1218 = arith.constant 1.000000e+00 : f32
      %div3A_1219 = vector.broadcast %div3A_1218 : f32 to vector<16xf32>
      %div3A_1220 = arith.divf %div3A_1219, %add3A_1217 : vector<16xf32>
      %bitcast3A_1221 = vector.bitcast %add3A_1217 : vector<16xf32> to vector<16xi32>
      %shift_right_arithmetic3A_1222 = arith.constant 23 : i32
      %shift_right_arithmetic3A_1223 = vector.broadcast %shift_right_arithmetic3A_1222 : i32 to vector<16xi32>
      %shift_right_arithmetic3A_1224 = arith.shrsi %bitcast3A_1221, %shift_right_arithmetic3A_1223 : vector<16xi32>
      %sub3A_1225 = arith.constant 127 : i32
      %sub3A_1226 = vector.broadcast %sub3A_1225 : i32 to vector<16xi32>
      %sub3A_1227 = arith.subi %shift_right_arithmetic3A_1224, %sub3A_1226 : vector<16xi32>
      %and3A_1228 = arith.constant 8388607 : i32
      %and3A_1229 = vector.broadcast %and3A_1228 : i32 to vector<16xi32>
      %and3A_1230 = arith.andi %bitcast3A_1221, %and3A_1229 : vector<16xi32>
      %or3A_1231 = arith.constant 1065353216 : i32
      %or3A_1232 = vector.broadcast %or3A_1231 : i32 to vector<16xi32>
      %or3A_1233 = arith.ori %and3A_1230, %or3A_1232 : vector<16xi32>
      %bitcast3A_1234 = vector.bitcast %or3A_1233 : vector<16xi32> to vector<16xf32>
      %ge3A_1235 = arith.constant 1.41421354 : f32
      %ge3A_1236 = vector.broadcast %ge3A_1235 : f32 to vector<16xf32>
      %ge3A_1237 = arith.cmpf oge, %bitcast3A_1234, %ge3A_1236 : vector<16xf32>
      %mul3A_1238 = arith.constant 5.000000e-01 : f32
      %mul3A_1239 = vector.broadcast %mul3A_1238 : f32 to vector<16xf32>
      %mul3A_1240 = arith.mulf %bitcast3A_1234, %mul3A_1239 : vector<16xf32>
      %select_n3A_1241 = arith.select %ge3A_1237, %mul3A_1240, %bitcast3A_1234 : vector<16xi1>, vector<16xf32>
      %convert_element_type3A_1242 = arith.sitofp %sub3A_1227 : vector<16xi32> to vector<16xf32>
      %add3A_1243 = arith.constant 1.000000e+00 : f32
      %add3A_1244 = vector.broadcast %add3A_1243 : f32 to vector<16xf32>
      %add3A_1245 = arith.addf %convert_element_type3A_1242, %add3A_1244 : vector<16xf32>
      %select_n3A_1246 = arith.select %ge3A_1237, %add3A_1245, %convert_element_type3A_1242 : vector<16xi1>, vector<16xf32>
      %sub3A_1247 = arith.constant 1.000000e+00 : f32
      %sub3A_1248 = vector.broadcast %sub3A_1247 : f32 to vector<16xf32>
      %sub3A_1249 = arith.subf %select_n3A_1241, %sub3A_1248 : vector<16xf32>
      %add3A_1250 = arith.constant 1.000000e+00 : f32
      %add3A_1251 = vector.broadcast %add3A_1250 : f32 to vector<16xf32>
      %add3A_1252 = arith.addf %select_n3A_1241, %add3A_1251 : vector<16xf32>
      %div3A_1253 = arith.divf %sub3A_1249, %add3A_1252 : vector<16xf32>
      %mul3A_1254 = arith.mulf %div3A_1253, %div3A_1253 : vector<16xf32>
      %mul3A_1255 = arith.constant 0.285714298 : f32
      %mul3A_1256 = vector.broadcast %mul3A_1255 : f32 to vector<16xf32>
      %mul3A_1257 = arith.mulf %mul3A_1254, %mul3A_1256 : vector<16xf32>
      %add3A_1258 = arith.constant 4.000000e-01 : f32
      %add3A_1259 = vector.broadcast %add3A_1258 : f32 to vector<16xf32>
      %add3A_1260 = arith.addf %add3A_1259, %mul3A_1257 : vector<16xf32>
      %mul3A_1261 = arith.mulf %mul3A_1254, %add3A_1260 : vector<16xf32>
      %add3A_1262 = arith.constant 0.666666686 : f32
      %add3A_1263 = vector.broadcast %add3A_1262 : f32 to vector<16xf32>
      %add3A_1264 = arith.addf %add3A_1263, %mul3A_1261 : vector<16xf32>
      %mul3A_1265 = arith.mulf %mul3A_1254, %add3A_1264 : vector<16xf32>
      %add3A_1266 = arith.constant 2.000000e+00 : f32
      %add3A_1267 = vector.broadcast %add3A_1266 : f32 to vector<16xf32>
      %add3A_1268 = arith.addf %add3A_1267, %mul3A_1265 : vector<16xf32>
      %mul3A_1269 = arith.mulf %div3A_1253, %add3A_1268 : vector<16xf32>
      %mul3A_1270 = arith.constant 0.693147182 : f32
      %mul3A_1271 = vector.broadcast %mul3A_1270 : f32 to vector<16xf32>
      %mul3A_1272 = arith.mulf %select_n3A_1246, %mul3A_1271 : vector<16xf32>
      %add3A_1273 = arith.addf %mul3A_1272, %mul3A_1269 : vector<16xf32>
      %mul3A_1274 = arith.mulf %exp3A_1190, %div3A_1220 : vector<16xf32>
      %sub3A_1275 = arith.constant 1.010000e+00 : f32
      %sub3A_1276 = vector.broadcast %sub3A_1275 : f32 to vector<16xf32>
      %sub3A_1277 = arith.subf %sub3A_1276, %mul3A_1274 : vector<16xf32>
      %bitcast3A_1278 = vector.bitcast %sub3A_1277 : vector<16xf32> to vector<16xi32>
      %shift_right_arithmetic3A_1279 = arith.constant 23 : i32
      %shift_right_arithmetic3A_1280 = vector.broadcast %shift_right_arithmetic3A_1279 : i32 to vector<16xi32>
      %shift_right_arithmetic3A_1281 = arith.shrsi %bitcast3A_1278, %shift_right_arithmetic3A_1280 : vector<16xi32>
      %sub3A_1282 = arith.constant 127 : i32
      %sub3A_1283 = vector.broadcast %sub3A_1282 : i32 to vector<16xi32>
      %sub3A_1284 = arith.subi %shift_right_arithmetic3A_1281, %sub3A_1283 : vector<16xi32>
      %and3A_1285 = arith.constant 8388607 : i32
      %and3A_1286 = vector.broadcast %and3A_1285 : i32 to vector<16xi32>
      %and3A_1287 = arith.andi %bitcast3A_1278, %and3A_1286 : vector<16xi32>
      %or3A_1288 = arith.constant 1065353216 : i32
      %or3A_1289 = vector.broadcast %or3A_1288 : i32 to vector<16xi32>
      %or3A_1290 = arith.ori %and3A_1287, %or3A_1289 : vector<16xi32>
      %bitcast3A_1291 = vector.bitcast %or3A_1290 : vector<16xi32> to vector<16xf32>
      %ge3A_1292 = arith.constant 1.41421354 : f32
      %ge3A_1293 = vector.broadcast %ge3A_1292 : f32 to vector<16xf32>
      %ge3A_1294 = arith.cmpf oge, %bitcast3A_1291, %ge3A_1293 : vector<16xf32>
      %mul3A_1295 = arith.constant 5.000000e-01 : f32
      %mul3A_1296 = vector.broadcast %mul3A_1295 : f32 to vector<16xf32>
      %mul3A_1297 = arith.mulf %bitcast3A_1291, %mul3A_1296 : vector<16xf32>
      %select_n3A_1298 = arith.select %ge3A_1294, %mul3A_1297, %bitcast3A_1291 : vector<16xi1>, vector<16xf32>
      %convert_element_type3A_1299 = arith.sitofp %sub3A_1284 : vector<16xi32> to vector<16xf32>
      %add3A_1300 = arith.constant 1.000000e+00 : f32
      %add3A_1301 = vector.broadcast %add3A_1300 : f32 to vector<16xf32>
      %add3A_1302 = arith.addf %convert_element_type3A_1299, %add3A_1301 : vector<16xf32>
      %select_n3A_1303 = arith.select %ge3A_1294, %add3A_1302, %convert_element_type3A_1299 : vector<16xi1>, vector<16xf32>
      %sub3A_1304 = arith.constant 1.000000e+00 : f32
      %sub3A_1305 = vector.broadcast %sub3A_1304 : f32 to vector<16xf32>
      %sub3A_1306 = arith.subf %select_n3A_1298, %sub3A_1305 : vector<16xf32>
      %add3A_1307 = arith.constant 1.000000e+00 : f32
      %add3A_1308 = vector.broadcast %add3A_1307 : f32 to vector<16xf32>
      %add3A_1309 = arith.addf %select_n3A_1298, %add3A_1308 : vector<16xf32>
      %div3A_1310 = arith.divf %sub3A_1306, %add3A_1309 : vector<16xf32>
      %mul3A_1311 = arith.mulf %div3A_1310, %div3A_1310 : vector<16xf32>
      %mul3A_1312 = arith.constant 0.285714298 : f32
      %mul3A_1313 = vector.broadcast %mul3A_1312 : f32 to vector<16xf32>
      %mul3A_1314 = arith.mulf %mul3A_1311, %mul3A_1313 : vector<16xf32>
      %add3A_1315 = arith.constant 4.000000e-01 : f32
      %add3A_1316 = vector.broadcast %add3A_1315 : f32 to vector<16xf32>
      %add3A_1317 = arith.addf %add3A_1316, %mul3A_1314 : vector<16xf32>
      %mul3A_1318 = arith.mulf %mul3A_1311, %add3A_1317 : vector<16xf32>
      %add3A_1319 = arith.constant 0.666666686 : f32
      %add3A_1320 = vector.broadcast %add3A_1319 : f32 to vector<16xf32>
      %add3A_1321 = arith.addf %add3A_1320, %mul3A_1318 : vector<16xf32>
      %mul3A_1322 = arith.mulf %mul3A_1311, %add3A_1321 : vector<16xf32>
      %add3A_1323 = arith.constant 2.000000e+00 : f32
      %add3A_1324 = vector.broadcast %add3A_1323 : f32 to vector<16xf32>
      %add3A_1325 = arith.addf %add3A_1324, %mul3A_1322 : vector<16xf32>
      %mul3A_1326 = arith.mulf %div3A_1310, %add3A_1325 : vector<16xf32>
      %mul3A_1327 = arith.constant 0.693147182 : f32
      %mul3A_1328 = vector.broadcast %mul3A_1327 : f32 to vector<16xf32>
      %mul3A_1329 = arith.mulf %select_n3A_1303, %mul3A_1328 : vector<16xf32>
      %add3A_1330 = arith.addf %mul3A_1329, %mul3A_1326 : vector<16xf32>
      %neg3A_1331 = arith.constant 0.000000e+00 : f32
      %neg3A_1332 = vector.broadcast %neg3A_1331 : f32 to vector<16xf32>
      %neg3A_1333 = arith.subf %neg3A_1332, %add3A_1330 : vector<16xf32>
      %mul3A_1334 = arith.mulf %exp3A_1192, %div3A_1220 : vector<16xf32>
      %sub3A_1335 = arith.constant 1.010000e+00 : f32
      %sub3A_1336 = vector.broadcast %sub3A_1335 : f32 to vector<16xf32>
      %sub3A_1337 = arith.subf %sub3A_1336, %mul3A_1334 : vector<16xf32>
      %bitcast3A_1338 = vector.bitcast %sub3A_1337 : vector<16xf32> to vector<16xi32>
      %shift_right_arithmetic3A_1339 = arith.constant 23 : i32
      %shift_right_arithmetic3A_1340 = vector.broadcast %shift_right_arithmetic3A_1339 : i32 to vector<16xi32>
      %shift_right_arithmetic3A_1341 = arith.shrsi %bitcast3A_1338, %shift_right_arithmetic3A_1340 : vector<16xi32>
      %sub3A_1342 = arith.constant 127 : i32
      %sub3A_1343 = vector.broadcast %sub3A_1342 : i32 to vector<16xi32>
      %sub3A_1344 = arith.subi %shift_right_arithmetic3A_1341, %sub3A_1343 : vector<16xi32>
      %and3A_1345 = arith.constant 8388607 : i32
      %and3A_1346 = vector.broadcast %and3A_1345 : i32 to vector<16xi32>
      %and3A_1347 = arith.andi %bitcast3A_1338, %and3A_1346 : vector<16xi32>
      %or3A_1348 = arith.constant 1065353216 : i32
      %or3A_1349 = vector.broadcast %or3A_1348 : i32 to vector<16xi32>
      %or3A_1350 = arith.ori %and3A_1347, %or3A_1349 : vector<16xi32>
      %bitcast3A_1351 = vector.bitcast %or3A_1350 : vector<16xi32> to vector<16xf32>
      %ge3A_1352 = arith.constant 1.41421354 : f32
      %ge3A_1353 = vector.broadcast %ge3A_1352 : f32 to vector<16xf32>
      %ge3A_1354 = arith.cmpf oge, %bitcast3A_1351, %ge3A_1353 : vector<16xf32>
      %mul3A_1355 = arith.constant 5.000000e-01 : f32
      %mul3A_1356 = vector.broadcast %mul3A_1355 : f32 to vector<16xf32>
      %mul3A_1357 = arith.mulf %bitcast3A_1351, %mul3A_1356 : vector<16xf32>
      %select_n3A_1358 = arith.select %ge3A_1354, %mul3A_1357, %bitcast3A_1351 : vector<16xi1>, vector<16xf32>
      %convert_element_type3A_1359 = arith.sitofp %sub3A_1344 : vector<16xi32> to vector<16xf32>
      %add3A_1360 = arith.constant 1.000000e+00 : f32
      %add3A_1361 = vector.broadcast %add3A_1360 : f32 to vector<16xf32>
      %add3A_1362 = arith.addf %convert_element_type3A_1359, %add3A_1361 : vector<16xf32>
      %select_n3A_1363 = arith.select %ge3A_1354, %add3A_1362, %convert_element_type3A_1359 : vector<16xi1>, vector<16xf32>
      %sub3A_1364 = arith.constant 1.000000e+00 : f32
      %sub3A_1365 = vector.broadcast %sub3A_1364 : f32 to vector<16xf32>
      %sub3A_1366 = arith.subf %select_n3A_1358, %sub3A_1365 : vector<16xf32>
      %add3A_1367 = arith.constant 1.000000e+00 : f32
      %add3A_1368 = vector.broadcast %add3A_1367 : f32 to vector<16xf32>
      %add3A_1369 = arith.addf %select_n3A_1358, %add3A_1368 : vector<16xf32>
      %div3A_1370 = arith.divf %sub3A_1366, %add3A_1369 : vector<16xf32>
      %mul3A_1371 = arith.mulf %div3A_1370, %div3A_1370 : vector<16xf32>
      %mul3A_1372 = arith.constant 0.285714298 : f32
      %mul3A_1373 = vector.broadcast %mul3A_1372 : f32 to vector<16xf32>
      %mul3A_1374 = arith.mulf %mul3A_1371, %mul3A_1373 : vector<16xf32>
      %add3A_1375 = arith.constant 4.000000e-01 : f32
      %add3A_1376 = vector.broadcast %add3A_1375 : f32 to vector<16xf32>
      %add3A_1377 = arith.addf %add3A_1376, %mul3A_1374 : vector<16xf32>
      %mul3A_1378 = arith.mulf %mul3A_1371, %add3A_1377 : vector<16xf32>
      %add3A_1379 = arith.constant 0.666666686 : f32
      %add3A_1380 = vector.broadcast %add3A_1379 : f32 to vector<16xf32>
      %add3A_1381 = arith.addf %add3A_1380, %mul3A_1378 : vector<16xf32>
      %mul3A_1382 = arith.mulf %mul3A_1371, %add3A_1381 : vector<16xf32>
      %add3A_1383 = arith.constant 2.000000e+00 : f32
      %add3A_1384 = vector.broadcast %add3A_1383 : f32 to vector<16xf32>
      %add3A_1385 = arith.addf %add3A_1384, %mul3A_1382 : vector<16xf32>
      %mul3A_1386 = arith.mulf %div3A_1370, %add3A_1385 : vector<16xf32>
      %mul3A_1387 = arith.constant 0.693147182 : f32
      %mul3A_1388 = vector.broadcast %mul3A_1387 : f32 to vector<16xf32>
      %mul3A_1389 = arith.mulf %select_n3A_1363, %mul3A_1388 : vector<16xf32>
      %add3A_1390 = arith.addf %mul3A_1389, %mul3A_1386 : vector<16xf32>
      %neg3A_1391 = arith.constant 0.000000e+00 : f32
      %neg3A_1392 = vector.broadcast %neg3A_1391 : f32 to vector<16xf32>
      %neg3A_1393 = arith.subf %neg3A_1392, %add3A_1390 : vector<16xf32>
      %mul3A_1394 = arith.mulf %exp3A_1194, %div3A_1220 : vector<16xf32>
      %sub3A_1395 = arith.constant 1.010000e+00 : f32
      %sub3A_1396 = vector.broadcast %sub3A_1395 : f32 to vector<16xf32>
      %sub3A_1397 = arith.subf %sub3A_1396, %mul3A_1394 : vector<16xf32>
      %bitcast3A_1398 = vector.bitcast %sub3A_1397 : vector<16xf32> to vector<16xi32>
      %shift_right_arithmetic3A_1399 = arith.constant 23 : i32
      %shift_right_arithmetic3A_1400 = vector.broadcast %shift_right_arithmetic3A_1399 : i32 to vector<16xi32>
      %shift_right_arithmetic3A_1401 = arith.shrsi %bitcast3A_1398, %shift_right_arithmetic3A_1400 : vector<16xi32>
      %sub3A_1402 = arith.constant 127 : i32
      %sub3A_1403 = vector.broadcast %sub3A_1402 : i32 to vector<16xi32>
      %sub3A_1404 = arith.subi %shift_right_arithmetic3A_1401, %sub3A_1403 : vector<16xi32>
      %and3A_1405 = arith.constant 8388607 : i32
      %and3A_1406 = vector.broadcast %and3A_1405 : i32 to vector<16xi32>
      %and3A_1407 = arith.andi %bitcast3A_1398, %and3A_1406 : vector<16xi32>
      %or3A_1408 = arith.constant 1065353216 : i32
      %or3A_1409 = vector.broadcast %or3A_1408 : i32 to vector<16xi32>
      %or3A_1410 = arith.ori %and3A_1407, %or3A_1409 : vector<16xi32>
      %bitcast3A_1411 = vector.bitcast %or3A_1410 : vector<16xi32> to vector<16xf32>
      %ge3A_1412 = arith.constant 1.41421354 : f32
      %ge3A_1413 = vector.broadcast %ge3A_1412 : f32 to vector<16xf32>
      %ge3A_1414 = arith.cmpf oge, %bitcast3A_1411, %ge3A_1413 : vector<16xf32>
      %mul3A_1415 = arith.constant 5.000000e-01 : f32
      %mul3A_1416 = vector.broadcast %mul3A_1415 : f32 to vector<16xf32>
      %mul3A_1417 = arith.mulf %bitcast3A_1411, %mul3A_1416 : vector<16xf32>
      %select_n3A_1418 = arith.select %ge3A_1414, %mul3A_1417, %bitcast3A_1411 : vector<16xi1>, vector<16xf32>
      %convert_element_type3A_1419 = arith.sitofp %sub3A_1404 : vector<16xi32> to vector<16xf32>
      %add3A_1420 = arith.constant 1.000000e+00 : f32
      %add3A_1421 = vector.broadcast %add3A_1420 : f32 to vector<16xf32>
      %add3A_1422 = arith.addf %convert_element_type3A_1419, %add3A_1421 : vector<16xf32>
      %select_n3A_1423 = arith.select %ge3A_1414, %add3A_1422, %convert_element_type3A_1419 : vector<16xi1>, vector<16xf32>
      %sub3A_1424 = arith.constant 1.000000e+00 : f32
      %sub3A_1425 = vector.broadcast %sub3A_1424 : f32 to vector<16xf32>
      %sub3A_1426 = arith.subf %select_n3A_1418, %sub3A_1425 : vector<16xf32>
      %add3A_1427 = arith.constant 1.000000e+00 : f32
      %add3A_1428 = vector.broadcast %add3A_1427 : f32 to vector<16xf32>
      %add3A_1429 = arith.addf %select_n3A_1418, %add3A_1428 : vector<16xf32>
      %div3A_1430 = arith.divf %sub3A_1426, %add3A_1429 : vector<16xf32>
      %mul3A_1431 = arith.mulf %div3A_1430, %div3A_1430 : vector<16xf32>
      %mul3A_1432 = arith.constant 0.285714298 : f32
      %mul3A_1433 = vector.broadcast %mul3A_1432 : f32 to vector<16xf32>
      %mul3A_1434 = arith.mulf %mul3A_1431, %mul3A_1433 : vector<16xf32>
      %add3A_1435 = arith.constant 4.000000e-01 : f32
      %add3A_1436 = vector.broadcast %add3A_1435 : f32 to vector<16xf32>
      %add3A_1437 = arith.addf %add3A_1436, %mul3A_1434 : vector<16xf32>
      %mul3A_1438 = arith.mulf %mul3A_1431, %add3A_1437 : vector<16xf32>
      %add3A_1439 = arith.constant 0.666666686 : f32
      %add3A_1440 = vector.broadcast %add3A_1439 : f32 to vector<16xf32>
      %add3A_1441 = arith.addf %add3A_1440, %mul3A_1438 : vector<16xf32>
      %mul3A_1442 = arith.mulf %mul3A_1431, %add3A_1441 : vector<16xf32>
      %add3A_1443 = arith.constant 2.000000e+00 : f32
      %add3A_1444 = vector.broadcast %add3A_1443 : f32 to vector<16xf32>
      %add3A_1445 = arith.addf %add3A_1444, %mul3A_1442 : vector<16xf32>
      %mul3A_1446 = arith.mulf %div3A_1430, %add3A_1445 : vector<16xf32>
      %mul3A_1447 = arith.constant 0.693147182 : f32
      %mul3A_1448 = vector.broadcast %mul3A_1447 : f32 to vector<16xf32>
      %mul3A_1449 = arith.mulf %select_n3A_1423, %mul3A_1448 : vector<16xf32>
      %add3A_1450 = arith.addf %mul3A_1449, %mul3A_1446 : vector<16xf32>
      %neg3A_1451 = arith.constant 0.000000e+00 : f32
      %neg3A_1452 = vector.broadcast %neg3A_1451 : f32 to vector<16xf32>
      %neg3A_1453 = arith.subf %neg3A_1452, %add3A_1450 : vector<16xf32>
      %mul3A_1454 = arith.mulf %exp3A_1196, %div3A_1220 : vector<16xf32>
      %sub3A_1455 = arith.constant 1.010000e+00 : f32
      %sub3A_1456 = vector.broadcast %sub3A_1455 : f32 to vector<16xf32>
      %sub3A_1457 = arith.subf %sub3A_1456, %mul3A_1454 : vector<16xf32>
      %bitcast3A_1458 = vector.bitcast %sub3A_1457 : vector<16xf32> to vector<16xi32>
      %shift_right_arithmetic3A_1459 = arith.constant 23 : i32
      %shift_right_arithmetic3A_1460 = vector.broadcast %shift_right_arithmetic3A_1459 : i32 to vector<16xi32>
      %shift_right_arithmetic3A_1461 = arith.shrsi %bitcast3A_1458, %shift_right_arithmetic3A_1460 : vector<16xi32>
      %sub3A_1462 = arith.constant 127 : i32
      %sub3A_1463 = vector.broadcast %sub3A_1462 : i32 to vector<16xi32>
      %sub3A_1464 = arith.subi %shift_right_arithmetic3A_1461, %sub3A_1463 : vector<16xi32>
      %and3A_1465 = arith.constant 8388607 : i32
      %and3A_1466 = vector.broadcast %and3A_1465 : i32 to vector<16xi32>
      %and3A_1467 = arith.andi %bitcast3A_1458, %and3A_1466 : vector<16xi32>
      %or3A_1468 = arith.constant 1065353216 : i32
      %or3A_1469 = vector.broadcast %or3A_1468 : i32 to vector<16xi32>
      %or3A_1470 = arith.ori %and3A_1467, %or3A_1469 : vector<16xi32>
      %bitcast3A_1471 = vector.bitcast %or3A_1470 : vector<16xi32> to vector<16xf32>
      %ge3A_1472 = arith.constant 1.41421354 : f32
      %ge3A_1473 = vector.broadcast %ge3A_1472 : f32 to vector<16xf32>
      %ge3A_1474 = arith.cmpf oge, %bitcast3A_1471, %ge3A_1473 : vector<16xf32>
      %mul3A_1475 = arith.constant 5.000000e-01 : f32
      %mul3A_1476 = vector.broadcast %mul3A_1475 : f32 to vector<16xf32>
      %mul3A_1477 = arith.mulf %bitcast3A_1471, %mul3A_1476 : vector<16xf32>
      %select_n3A_1478 = arith.select %ge3A_1474, %mul3A_1477, %bitcast3A_1471 : vector<16xi1>, vector<16xf32>
      %convert_element_type3A_1479 = arith.sitofp %sub3A_1464 : vector<16xi32> to vector<16xf32>
      %add3A_1480 = arith.constant 1.000000e+00 : f32
      %add3A_1481 = vector.broadcast %add3A_1480 : f32 to vector<16xf32>
      %add3A_1482 = arith.addf %convert_element_type3A_1479, %add3A_1481 : vector<16xf32>
      %select_n3A_1483 = arith.select %ge3A_1474, %add3A_1482, %convert_element_type3A_1479 : vector<16xi1>, vector<16xf32>
      %sub3A_1484 = arith.constant 1.000000e+00 : f32
      %sub3A_1485 = vector.broadcast %sub3A_1484 : f32 to vector<16xf32>
      %sub3A_1486 = arith.subf %select_n3A_1478, %sub3A_1485 : vector<16xf32>
      %add3A_1487 = arith.constant 1.000000e+00 : f32
      %add3A_1488 = vector.broadcast %add3A_1487 : f32 to vector<16xf32>
      %add3A_1489 = arith.addf %select_n3A_1478, %add3A_1488 : vector<16xf32>
      %div3A_1490 = arith.divf %sub3A_1486, %add3A_1489 : vector<16xf32>
      %mul3A_1491 = arith.mulf %div3A_1490, %div3A_1490 : vector<16xf32>
      %mul3A_1492 = arith.constant 0.285714298 : f32
      %mul3A_1493 = vector.broadcast %mul3A_1492 : f32 to vector<16xf32>
      %mul3A_1494 = arith.mulf %mul3A_1491, %mul3A_1493 : vector<16xf32>
      %add3A_1495 = arith.constant 4.000000e-01 : f32
      %add3A_1496 = vector.broadcast %add3A_1495 : f32 to vector<16xf32>
      %add3A_1497 = arith.addf %add3A_1496, %mul3A_1494 : vector<16xf32>
      %mul3A_1498 = arith.mulf %mul3A_1491, %add3A_1497 : vector<16xf32>
      %add3A_1499 = arith.constant 0.666666686 : f32
      %add3A_1500 = vector.broadcast %add3A_1499 : f32 to vector<16xf32>
      %add3A_1501 = arith.addf %add3A_1500, %mul3A_1498 : vector<16xf32>
      %mul3A_1502 = arith.mulf %mul3A_1491, %add3A_1501 : vector<16xf32>
      %add3A_1503 = arith.constant 2.000000e+00 : f32
      %add3A_1504 = vector.broadcast %add3A_1503 : f32 to vector<16xf32>
      %add3A_1505 = arith.addf %add3A_1504, %mul3A_1502 : vector<16xf32>
      %mul3A_1506 = arith.mulf %div3A_1490, %add3A_1505 : vector<16xf32>
      %mul3A_1507 = arith.constant 0.693147182 : f32
      %mul3A_1508 = vector.broadcast %mul3A_1507 : f32 to vector<16xf32>
      %mul3A_1509 = arith.mulf %select_n3A_1483, %mul3A_1508 : vector<16xf32>
      %add3A_1510 = arith.addf %mul3A_1509, %mul3A_1506 : vector<16xf32>
      %neg3A_1511 = arith.constant 0.000000e+00 : f32
      %neg3A_1512 = vector.broadcast %neg3A_1511 : f32 to vector<16xf32>
      %neg3A_1513 = arith.subf %neg3A_1512, %add3A_1510 : vector<16xf32>
      %mul3A_1514 = arith.mulf %exp3A_1198, %div3A_1220 : vector<16xf32>
      %sub3A_1515 = arith.constant 1.010000e+00 : f32
      %sub3A_1516 = vector.broadcast %sub3A_1515 : f32 to vector<16xf32>
      %sub3A_1517 = arith.subf %sub3A_1516, %mul3A_1514 : vector<16xf32>
      %bitcast3A_1518 = vector.bitcast %sub3A_1517 : vector<16xf32> to vector<16xi32>
      %shift_right_arithmetic3A_1519 = arith.constant 23 : i32
      %shift_right_arithmetic3A_1520 = vector.broadcast %shift_right_arithmetic3A_1519 : i32 to vector<16xi32>
      %shift_right_arithmetic3A_1521 = arith.shrsi %bitcast3A_1518, %shift_right_arithmetic3A_1520 : vector<16xi32>
      %sub3A_1522 = arith.constant 127 : i32
      %sub3A_1523 = vector.broadcast %sub3A_1522 : i32 to vector<16xi32>
      %sub3A_1524 = arith.subi %shift_right_arithmetic3A_1521, %sub3A_1523 : vector<16xi32>
      %and3A_1525 = arith.constant 8388607 : i32
      %and3A_1526 = vector.broadcast %and3A_1525 : i32 to vector<16xi32>
      %and3A_1527 = arith.andi %bitcast3A_1518, %and3A_1526 : vector<16xi32>
      %or3A_1528 = arith.constant 1065353216 : i32
      %or3A_1529 = vector.broadcast %or3A_1528 : i32 to vector<16xi32>
      %or3A_1530 = arith.ori %and3A_1527, %or3A_1529 : vector<16xi32>
      %bitcast3A_1531 = vector.bitcast %or3A_1530 : vector<16xi32> to vector<16xf32>
      %ge3A_1532 = arith.constant 1.41421354 : f32
      %ge3A_1533 = vector.broadcast %ge3A_1532 : f32 to vector<16xf32>
      %ge3A_1534 = arith.cmpf oge, %bitcast3A_1531, %ge3A_1533 : vector<16xf32>
      %mul3A_1535 = arith.constant 5.000000e-01 : f32
      %mul3A_1536 = vector.broadcast %mul3A_1535 : f32 to vector<16xf32>
      %mul3A_1537 = arith.mulf %bitcast3A_1531, %mul3A_1536 : vector<16xf32>
      %select_n3A_1538 = arith.select %ge3A_1534, %mul3A_1537, %bitcast3A_1531 : vector<16xi1>, vector<16xf32>
      %convert_element_type3A_1539 = arith.sitofp %sub3A_1524 : vector<16xi32> to vector<16xf32>
      %add3A_1540 = arith.constant 1.000000e+00 : f32
      %add3A_1541 = vector.broadcast %add3A_1540 : f32 to vector<16xf32>
      %add3A_1542 = arith.addf %convert_element_type3A_1539, %add3A_1541 : vector<16xf32>
      %select_n3A_1543 = arith.select %ge3A_1534, %add3A_1542, %convert_element_type3A_1539 : vector<16xi1>, vector<16xf32>
      %sub3A_1544 = arith.constant 1.000000e+00 : f32
      %sub3A_1545 = vector.broadcast %sub3A_1544 : f32 to vector<16xf32>
      %sub3A_1546 = arith.subf %select_n3A_1538, %sub3A_1545 : vector<16xf32>
      %add3A_1547 = arith.constant 1.000000e+00 : f32
      %add3A_1548 = vector.broadcast %add3A_1547 : f32 to vector<16xf32>
      %add3A_1549 = arith.addf %select_n3A_1538, %add3A_1548 : vector<16xf32>
      %div3A_1550 = arith.divf %sub3A_1546, %add3A_1549 : vector<16xf32>
      %mul3A_1551 = arith.mulf %div3A_1550, %div3A_1550 : vector<16xf32>
      %mul3A_1552 = arith.constant 0.285714298 : f32
      %mul3A_1553 = vector.broadcast %mul3A_1552 : f32 to vector<16xf32>
      %mul3A_1554 = arith.mulf %mul3A_1551, %mul3A_1553 : vector<16xf32>
      %add3A_1555 = arith.constant 4.000000e-01 : f32
      %add3A_1556 = vector.broadcast %add3A_1555 : f32 to vector<16xf32>
      %add3A_1557 = arith.addf %add3A_1556, %mul3A_1554 : vector<16xf32>
      %mul3A_1558 = arith.mulf %mul3A_1551, %add3A_1557 : vector<16xf32>
      %add3A_1559 = arith.constant 0.666666686 : f32
      %add3A_1560 = vector.broadcast %add3A_1559 : f32 to vector<16xf32>
      %add3A_1561 = arith.addf %add3A_1560, %mul3A_1558 : vector<16xf32>
      %mul3A_1562 = arith.mulf %mul3A_1551, %add3A_1561 : vector<16xf32>
      %add3A_1563 = arith.constant 2.000000e+00 : f32
      %add3A_1564 = vector.broadcast %add3A_1563 : f32 to vector<16xf32>
      %add3A_1565 = arith.addf %add3A_1564, %mul3A_1562 : vector<16xf32>
      %mul3A_1566 = arith.mulf %div3A_1550, %add3A_1565 : vector<16xf32>
      %mul3A_1567 = arith.constant 0.693147182 : f32
      %mul3A_1568 = vector.broadcast %mul3A_1567 : f32 to vector<16xf32>
      %mul3A_1569 = arith.mulf %select_n3A_1543, %mul3A_1568 : vector<16xf32>
      %add3A_1570 = arith.addf %mul3A_1569, %mul3A_1566 : vector<16xf32>
      %neg3A_1571 = arith.constant 0.000000e+00 : f32
      %neg3A_1572 = vector.broadcast %neg3A_1571 : f32 to vector<16xf32>
      %neg3A_1573 = arith.subf %neg3A_1572, %add3A_1570 : vector<16xf32>
      %mul3A_1574 = arith.mulf %exp3A_1200, %div3A_1220 : vector<16xf32>
      %sub3A_1575 = arith.constant 1.010000e+00 : f32
      %sub3A_1576 = vector.broadcast %sub3A_1575 : f32 to vector<16xf32>
      %sub3A_1577 = arith.subf %sub3A_1576, %mul3A_1574 : vector<16xf32>
      %bitcast3A_1578 = vector.bitcast %sub3A_1577 : vector<16xf32> to vector<16xi32>
      %shift_right_arithmetic3A_1579 = arith.constant 23 : i32
      %shift_right_arithmetic3A_1580 = vector.broadcast %shift_right_arithmetic3A_1579 : i32 to vector<16xi32>
      %shift_right_arithmetic3A_1581 = arith.shrsi %bitcast3A_1578, %shift_right_arithmetic3A_1580 : vector<16xi32>
      %sub3A_1582 = arith.constant 127 : i32
      %sub3A_1583 = vector.broadcast %sub3A_1582 : i32 to vector<16xi32>
      %sub3A_1584 = arith.subi %shift_right_arithmetic3A_1581, %sub3A_1583 : vector<16xi32>
      %and3A_1585 = arith.constant 8388607 : i32
      %and3A_1586 = vector.broadcast %and3A_1585 : i32 to vector<16xi32>
      %and3A_1587 = arith.andi %bitcast3A_1578, %and3A_1586 : vector<16xi32>
      %or3A_1588 = arith.constant 1065353216 : i32
      %or3A_1589 = vector.broadcast %or3A_1588 : i32 to vector<16xi32>
      %or3A_1590 = arith.ori %and3A_1587, %or3A_1589 : vector<16xi32>
      %bitcast3A_1591 = vector.bitcast %or3A_1590 : vector<16xi32> to vector<16xf32>
      %ge3A_1592 = arith.constant 1.41421354 : f32
      %ge3A_1593 = vector.broadcast %ge3A_1592 : f32 to vector<16xf32>
      %ge3A_1594 = arith.cmpf oge, %bitcast3A_1591, %ge3A_1593 : vector<16xf32>
      %mul3A_1595 = arith.constant 5.000000e-01 : f32
      %mul3A_1596 = vector.broadcast %mul3A_1595 : f32 to vector<16xf32>
      %mul3A_1597 = arith.mulf %bitcast3A_1591, %mul3A_1596 : vector<16xf32>
      %select_n3A_1598 = arith.select %ge3A_1594, %mul3A_1597, %bitcast3A_1591 : vector<16xi1>, vector<16xf32>
      %convert_element_type3A_1599 = arith.sitofp %sub3A_1584 : vector<16xi32> to vector<16xf32>
      %add3A_1600 = arith.constant 1.000000e+00 : f32
      %add3A_1601 = vector.broadcast %add3A_1600 : f32 to vector<16xf32>
      %add3A_1602 = arith.addf %convert_element_type3A_1599, %add3A_1601 : vector<16xf32>
      %select_n3A_1603 = arith.select %ge3A_1594, %add3A_1602, %convert_element_type3A_1599 : vector<16xi1>, vector<16xf32>
      %sub3A_1604 = arith.constant 1.000000e+00 : f32
      %sub3A_1605 = vector.broadcast %sub3A_1604 : f32 to vector<16xf32>
      %sub3A_1606 = arith.subf %select_n3A_1598, %sub3A_1605 : vector<16xf32>
      %add3A_1607 = arith.constant 1.000000e+00 : f32
      %add3A_1608 = vector.broadcast %add3A_1607 : f32 to vector<16xf32>
      %add3A_1609 = arith.addf %select_n3A_1598, %add3A_1608 : vector<16xf32>
      %div3A_1610 = arith.divf %sub3A_1606, %add3A_1609 : vector<16xf32>
      %mul3A_1611 = arith.mulf %div3A_1610, %div3A_1610 : vector<16xf32>
      %mul3A_1612 = arith.constant 0.285714298 : f32
      %mul3A_1613 = vector.broadcast %mul3A_1612 : f32 to vector<16xf32>
      %mul3A_1614 = arith.mulf %mul3A_1611, %mul3A_1613 : vector<16xf32>
      %add3A_1615 = arith.constant 4.000000e-01 : f32
      %add3A_1616 = vector.broadcast %add3A_1615 : f32 to vector<16xf32>
      %add3A_1617 = arith.addf %add3A_1616, %mul3A_1614 : vector<16xf32>
      %mul3A_1618 = arith.mulf %mul3A_1611, %add3A_1617 : vector<16xf32>
      %add3A_1619 = arith.constant 0.666666686 : f32
      %add3A_1620 = vector.broadcast %add3A_1619 : f32 to vector<16xf32>
      %add3A_1621 = arith.addf %add3A_1620, %mul3A_1618 : vector<16xf32>
      %mul3A_1622 = arith.mulf %mul3A_1611, %add3A_1621 : vector<16xf32>
      %add3A_1623 = arith.constant 2.000000e+00 : f32
      %add3A_1624 = vector.broadcast %add3A_1623 : f32 to vector<16xf32>
      %add3A_1625 = arith.addf %add3A_1624, %mul3A_1622 : vector<16xf32>
      %mul3A_1626 = arith.mulf %div3A_1610, %add3A_1625 : vector<16xf32>
      %mul3A_1627 = arith.constant 0.693147182 : f32
      %mul3A_1628 = vector.broadcast %mul3A_1627 : f32 to vector<16xf32>
      %mul3A_1629 = arith.mulf %select_n3A_1603, %mul3A_1628 : vector<16xf32>
      %add3A_1630 = arith.addf %mul3A_1629, %mul3A_1626 : vector<16xf32>
      %neg3A_1631 = arith.constant 0.000000e+00 : f32
      %neg3A_1632 = vector.broadcast %neg3A_1631 : f32 to vector<16xf32>
      %neg3A_1633 = arith.subf %neg3A_1632, %add3A_1630 : vector<16xf32>
      %mul3A_1634 = arith.mulf %exp3A_1202, %div3A_1220 : vector<16xf32>
      %sub3A_1635 = arith.constant 1.010000e+00 : f32
      %sub3A_1636 = vector.broadcast %sub3A_1635 : f32 to vector<16xf32>
      %sub3A_1637 = arith.subf %sub3A_1636, %mul3A_1634 : vector<16xf32>
      %bitcast3A_1638 = vector.bitcast %sub3A_1637 : vector<16xf32> to vector<16xi32>
      %shift_right_arithmetic3A_1639 = arith.constant 23 : i32
      %shift_right_arithmetic3A_1640 = vector.broadcast %shift_right_arithmetic3A_1639 : i32 to vector<16xi32>
      %shift_right_arithmetic3A_1641 = arith.shrsi %bitcast3A_1638, %shift_right_arithmetic3A_1640 : vector<16xi32>
      %sub3A_1642 = arith.constant 127 : i32
      %sub3A_1643 = vector.broadcast %sub3A_1642 : i32 to vector<16xi32>
      %sub3A_1644 = arith.subi %shift_right_arithmetic3A_1641, %sub3A_1643 : vector<16xi32>
      %and3A_1645 = arith.constant 8388607 : i32
      %and3A_1646 = vector.broadcast %and3A_1645 : i32 to vector<16xi32>
      %and3A_1647 = arith.andi %bitcast3A_1638, %and3A_1646 : vector<16xi32>
      %or3A_1648 = arith.constant 1065353216 : i32
      %or3A_1649 = vector.broadcast %or3A_1648 : i32 to vector<16xi32>
      %or3A_1650 = arith.ori %and3A_1647, %or3A_1649 : vector<16xi32>
      %bitcast3A_1651 = vector.bitcast %or3A_1650 : vector<16xi32> to vector<16xf32>
      %ge3A_1652 = arith.constant 1.41421354 : f32
      %ge3A_1653 = vector.broadcast %ge3A_1652 : f32 to vector<16xf32>
      %ge3A_1654 = arith.cmpf oge, %bitcast3A_1651, %ge3A_1653 : vector<16xf32>
      %mul3A_1655 = arith.constant 5.000000e-01 : f32
      %mul3A_1656 = vector.broadcast %mul3A_1655 : f32 to vector<16xf32>
      %mul3A_1657 = arith.mulf %bitcast3A_1651, %mul3A_1656 : vector<16xf32>
      %select_n3A_1658 = arith.select %ge3A_1654, %mul3A_1657, %bitcast3A_1651 : vector<16xi1>, vector<16xf32>
      %convert_element_type3A_1659 = arith.sitofp %sub3A_1644 : vector<16xi32> to vector<16xf32>
      %add3A_1660 = arith.constant 1.000000e+00 : f32
      %add3A_1661 = vector.broadcast %add3A_1660 : f32 to vector<16xf32>
      %add3A_1662 = arith.addf %convert_element_type3A_1659, %add3A_1661 : vector<16xf32>
      %select_n3A_1663 = arith.select %ge3A_1654, %add3A_1662, %convert_element_type3A_1659 : vector<16xi1>, vector<16xf32>
      %sub3A_1664 = arith.constant 1.000000e+00 : f32
      %sub3A_1665 = vector.broadcast %sub3A_1664 : f32 to vector<16xf32>
      %sub3A_1666 = arith.subf %select_n3A_1658, %sub3A_1665 : vector<16xf32>
      %add3A_1667 = arith.constant 1.000000e+00 : f32
      %add3A_1668 = vector.broadcast %add3A_1667 : f32 to vector<16xf32>
      %add3A_1669 = arith.addf %select_n3A_1658, %add3A_1668 : vector<16xf32>
      %div3A_1670 = arith.divf %sub3A_1666, %add3A_1669 : vector<16xf32>
      %mul3A_1671 = arith.mulf %div3A_1670, %div3A_1670 : vector<16xf32>
      %mul3A_1672 = arith.constant 0.285714298 : f32
      %mul3A_1673 = vector.broadcast %mul3A_1672 : f32 to vector<16xf32>
      %mul3A_1674 = arith.mulf %mul3A_1671, %mul3A_1673 : vector<16xf32>
      %add3A_1675 = arith.constant 4.000000e-01 : f32
      %add3A_1676 = vector.broadcast %add3A_1675 : f32 to vector<16xf32>
      %add3A_1677 = arith.addf %add3A_1676, %mul3A_1674 : vector<16xf32>
      %mul3A_1678 = arith.mulf %mul3A_1671, %add3A_1677 : vector<16xf32>
      %add3A_1679 = arith.constant 0.666666686 : f32
      %add3A_1680 = vector.broadcast %add3A_1679 : f32 to vector<16xf32>
      %add3A_1681 = arith.addf %add3A_1680, %mul3A_1678 : vector<16xf32>
      %mul3A_1682 = arith.mulf %mul3A_1671, %add3A_1681 : vector<16xf32>
      %add3A_1683 = arith.constant 2.000000e+00 : f32
      %add3A_1684 = vector.broadcast %add3A_1683 : f32 to vector<16xf32>
      %add3A_1685 = arith.addf %add3A_1684, %mul3A_1682 : vector<16xf32>
      %mul3A_1686 = arith.mulf %div3A_1670, %add3A_1685 : vector<16xf32>
      %mul3A_1687 = arith.constant 0.693147182 : f32
      %mul3A_1688 = vector.broadcast %mul3A_1687 : f32 to vector<16xf32>
      %mul3A_1689 = arith.mulf %select_n3A_1663, %mul3A_1688 : vector<16xf32>
      %add3A_1690 = arith.addf %mul3A_1689, %mul3A_1686 : vector<16xf32>
      %neg3A_1691 = arith.constant 0.000000e+00 : f32
      %neg3A_1692 = vector.broadcast %neg3A_1691 : f32 to vector<16xf32>
      %neg3A_1693 = arith.subf %neg3A_1692, %add3A_1690 : vector<16xf32>
      %mul3A_1694 = arith.mulf %exp3A_1204, %div3A_1220 : vector<16xf32>
      %sub3A_1695 = arith.constant 1.010000e+00 : f32
      %sub3A_1696 = vector.broadcast %sub3A_1695 : f32 to vector<16xf32>
      %sub3A_1697 = arith.subf %sub3A_1696, %mul3A_1694 : vector<16xf32>
      %bitcast3A_1698 = vector.bitcast %sub3A_1697 : vector<16xf32> to vector<16xi32>
      %shift_right_arithmetic3A_1699 = arith.constant 23 : i32
      %shift_right_arithmetic3A_1700 = vector.broadcast %shift_right_arithmetic3A_1699 : i32 to vector<16xi32>
      %shift_right_arithmetic3A_1701 = arith.shrsi %bitcast3A_1698, %shift_right_arithmetic3A_1700 : vector<16xi32>
      %sub3A_1702 = arith.constant 127 : i32
      %sub3A_1703 = vector.broadcast %sub3A_1702 : i32 to vector<16xi32>
      %sub3A_1704 = arith.subi %shift_right_arithmetic3A_1701, %sub3A_1703 : vector<16xi32>
      %and3A_1705 = arith.constant 8388607 : i32
      %and3A_1706 = vector.broadcast %and3A_1705 : i32 to vector<16xi32>
      %and3A_1707 = arith.andi %bitcast3A_1698, %and3A_1706 : vector<16xi32>
      %or3A_1708 = arith.constant 1065353216 : i32
      %or3A_1709 = vector.broadcast %or3A_1708 : i32 to vector<16xi32>
      %or3A_1710 = arith.ori %and3A_1707, %or3A_1709 : vector<16xi32>
      %bitcast3A_1711 = vector.bitcast %or3A_1710 : vector<16xi32> to vector<16xf32>
      %ge3A_1712 = arith.constant 1.41421354 : f32
      %ge3A_1713 = vector.broadcast %ge3A_1712 : f32 to vector<16xf32>
      %ge3A_1714 = arith.cmpf oge, %bitcast3A_1711, %ge3A_1713 : vector<16xf32>
      %mul3A_1715 = arith.constant 5.000000e-01 : f32
      %mul3A_1716 = vector.broadcast %mul3A_1715 : f32 to vector<16xf32>
      %mul3A_1717 = arith.mulf %bitcast3A_1711, %mul3A_1716 : vector<16xf32>
      %select_n3A_1718 = arith.select %ge3A_1714, %mul3A_1717, %bitcast3A_1711 : vector<16xi1>, vector<16xf32>
      %convert_element_type3A_1719 = arith.sitofp %sub3A_1704 : vector<16xi32> to vector<16xf32>
      %add3A_1720 = arith.constant 1.000000e+00 : f32
      %add3A_1721 = vector.broadcast %add3A_1720 : f32 to vector<16xf32>
      %add3A_1722 = arith.addf %convert_element_type3A_1719, %add3A_1721 : vector<16xf32>
      %select_n3A_1723 = arith.select %ge3A_1714, %add3A_1722, %convert_element_type3A_1719 : vector<16xi1>, vector<16xf32>
      %sub3A_1724 = arith.constant 1.000000e+00 : f32
      %sub3A_1725 = vector.broadcast %sub3A_1724 : f32 to vector<16xf32>
      %sub3A_1726 = arith.subf %select_n3A_1718, %sub3A_1725 : vector<16xf32>
      %add3A_1727 = arith.constant 1.000000e+00 : f32
      %add3A_1728 = vector.broadcast %add3A_1727 : f32 to vector<16xf32>
      %add3A_1729 = arith.addf %select_n3A_1718, %add3A_1728 : vector<16xf32>
      %div3A_1730 = arith.divf %sub3A_1726, %add3A_1729 : vector<16xf32>
      %mul3A_1731 = arith.mulf %div3A_1730, %div3A_1730 : vector<16xf32>
      %mul3A_1732 = arith.constant 0.285714298 : f32
      %mul3A_1733 = vector.broadcast %mul3A_1732 : f32 to vector<16xf32>
      %mul3A_1734 = arith.mulf %mul3A_1731, %mul3A_1733 : vector<16xf32>
      %add3A_1735 = arith.constant 4.000000e-01 : f32
      %add3A_1736 = vector.broadcast %add3A_1735 : f32 to vector<16xf32>
      %add3A_1737 = arith.addf %add3A_1736, %mul3A_1734 : vector<16xf32>
      %mul3A_1738 = arith.mulf %mul3A_1731, %add3A_1737 : vector<16xf32>
      %add3A_1739 = arith.constant 0.666666686 : f32
      %add3A_1740 = vector.broadcast %add3A_1739 : f32 to vector<16xf32>
      %add3A_1741 = arith.addf %add3A_1740, %mul3A_1738 : vector<16xf32>
      %mul3A_1742 = arith.mulf %mul3A_1731, %add3A_1741 : vector<16xf32>
      %add3A_1743 = arith.constant 2.000000e+00 : f32
      %add3A_1744 = vector.broadcast %add3A_1743 : f32 to vector<16xf32>
      %add3A_1745 = arith.addf %add3A_1744, %mul3A_1742 : vector<16xf32>
      %mul3A_1746 = arith.mulf %div3A_1730, %add3A_1745 : vector<16xf32>
      %mul3A_1747 = arith.constant 0.693147182 : f32
      %mul3A_1748 = vector.broadcast %mul3A_1747 : f32 to vector<16xf32>
      %mul3A_1749 = arith.mulf %select_n3A_1723, %mul3A_1748 : vector<16xf32>
      %add3A_1750 = arith.addf %mul3A_1749, %mul3A_1746 : vector<16xf32>
      %neg3A_1751 = arith.constant 0.000000e+00 : f32
      %neg3A_1752 = vector.broadcast %neg3A_1751 : f32 to vector<16xf32>
      %neg3A_1753 = arith.subf %neg3A_1752, %add3A_1750 : vector<16xf32>
      %mul3A_1754 = arith.mulf %exp3A_1206, %div3A_1220 : vector<16xf32>
      %sub3A_1755 = arith.constant 1.010000e+00 : f32
      %sub3A_1756 = vector.broadcast %sub3A_1755 : f32 to vector<16xf32>
      %sub3A_1757 = arith.subf %sub3A_1756, %mul3A_1754 : vector<16xf32>
      %bitcast3A_1758 = vector.bitcast %sub3A_1757 : vector<16xf32> to vector<16xi32>
      %shift_right_arithmetic3A_1759 = arith.constant 23 : i32
      %shift_right_arithmetic3A_1760 = vector.broadcast %shift_right_arithmetic3A_1759 : i32 to vector<16xi32>
      %shift_right_arithmetic3A_1761 = arith.shrsi %bitcast3A_1758, %shift_right_arithmetic3A_1760 : vector<16xi32>
      %sub3A_1762 = arith.constant 127 : i32
      %sub3A_1763 = vector.broadcast %sub3A_1762 : i32 to vector<16xi32>
      %sub3A_1764 = arith.subi %shift_right_arithmetic3A_1761, %sub3A_1763 : vector<16xi32>
      %and3A_1765 = arith.constant 8388607 : i32
      %and3A_1766 = vector.broadcast %and3A_1765 : i32 to vector<16xi32>
      %and3A_1767 = arith.andi %bitcast3A_1758, %and3A_1766 : vector<16xi32>
      %or3A_1768 = arith.constant 1065353216 : i32
      %or3A_1769 = vector.broadcast %or3A_1768 : i32 to vector<16xi32>
      %or3A_1770 = arith.ori %and3A_1767, %or3A_1769 : vector<16xi32>
      %bitcast3A_1771 = vector.bitcast %or3A_1770 : vector<16xi32> to vector<16xf32>
      %ge3A_1772 = arith.constant 1.41421354 : f32
      %ge3A_1773 = vector.broadcast %ge3A_1772 : f32 to vector<16xf32>
      %ge3A_1774 = arith.cmpf oge, %bitcast3A_1771, %ge3A_1773 : vector<16xf32>
      %mul3A_1775 = arith.constant 5.000000e-01 : f32
      %mul3A_1776 = vector.broadcast %mul3A_1775 : f32 to vector<16xf32>
      %mul3A_1777 = arith.mulf %bitcast3A_1771, %mul3A_1776 : vector<16xf32>
      %select_n3A_1778 = arith.select %ge3A_1774, %mul3A_1777, %bitcast3A_1771 : vector<16xi1>, vector<16xf32>
      %convert_element_type3A_1779 = arith.sitofp %sub3A_1764 : vector<16xi32> to vector<16xf32>
      %add3A_1780 = arith.constant 1.000000e+00 : f32
      %add3A_1781 = vector.broadcast %add3A_1780 : f32 to vector<16xf32>
      %add3A_1782 = arith.addf %convert_element_type3A_1779, %add3A_1781 : vector<16xf32>
      %select_n3A_1783 = arith.select %ge3A_1774, %add3A_1782, %convert_element_type3A_1779 : vector<16xi1>, vector<16xf32>
      %sub3A_1784 = arith.constant 1.000000e+00 : f32
      %sub3A_1785 = vector.broadcast %sub3A_1784 : f32 to vector<16xf32>
      %sub3A_1786 = arith.subf %select_n3A_1778, %sub3A_1785 : vector<16xf32>
      %add3A_1787 = arith.constant 1.000000e+00 : f32
      %add3A_1788 = vector.broadcast %add3A_1787 : f32 to vector<16xf32>
      %add3A_1789 = arith.addf %select_n3A_1778, %add3A_1788 : vector<16xf32>
      %div3A_1790 = arith.divf %sub3A_1786, %add3A_1789 : vector<16xf32>
      %mul3A_1791 = arith.mulf %div3A_1790, %div3A_1790 : vector<16xf32>
      %mul3A_1792 = arith.constant 0.285714298 : f32
      %mul3A_1793 = vector.broadcast %mul3A_1792 : f32 to vector<16xf32>
      %mul3A_1794 = arith.mulf %mul3A_1791, %mul3A_1793 : vector<16xf32>
      %add3A_1795 = arith.constant 4.000000e-01 : f32
      %add3A_1796 = vector.broadcast %add3A_1795 : f32 to vector<16xf32>
      %add3A_1797 = arith.addf %add3A_1796, %mul3A_1794 : vector<16xf32>
      %mul3A_1798 = arith.mulf %mul3A_1791, %add3A_1797 : vector<16xf32>
      %add3A_1799 = arith.constant 0.666666686 : f32
      %add3A_1800 = vector.broadcast %add3A_1799 : f32 to vector<16xf32>
      %add3A_1801 = arith.addf %add3A_1800, %mul3A_1798 : vector<16xf32>
      %mul3A_1802 = arith.mulf %mul3A_1791, %add3A_1801 : vector<16xf32>
      %add3A_1803 = arith.constant 2.000000e+00 : f32
      %add3A_1804 = vector.broadcast %add3A_1803 : f32 to vector<16xf32>
      %add3A_1805 = arith.addf %add3A_1804, %mul3A_1802 : vector<16xf32>
      %mul3A_1806 = arith.mulf %div3A_1790, %add3A_1805 : vector<16xf32>
      %mul3A_1807 = arith.constant 0.693147182 : f32
      %mul3A_1808 = vector.broadcast %mul3A_1807 : f32 to vector<16xf32>
      %mul3A_1809 = arith.mulf %select_n3A_1783, %mul3A_1808 : vector<16xf32>
      %add3A_1810 = arith.addf %mul3A_1809, %mul3A_1806 : vector<16xf32>
      %neg3A_1811 = arith.constant 0.000000e+00 : f32
      %neg3A_1812 = vector.broadcast %neg3A_1811 : f32 to vector<16xf32>
      %neg3A_1813 = arith.subf %neg3A_1812, %add3A_1810 : vector<16xf32>
      %mul3A_1814 = arith.mulf %exp3A_1208, %div3A_1220 : vector<16xf32>
      %sub3A_1815 = arith.constant 1.010000e+00 : f32
      %sub3A_1816 = vector.broadcast %sub3A_1815 : f32 to vector<16xf32>
      %sub3A_1817 = arith.subf %sub3A_1816, %mul3A_1814 : vector<16xf32>
      %bitcast3A_1818 = vector.bitcast %sub3A_1817 : vector<16xf32> to vector<16xi32>
      %shift_right_arithmetic3A_1819 = arith.constant 23 : i32
      %shift_right_arithmetic3A_1820 = vector.broadcast %shift_right_arithmetic3A_1819 : i32 to vector<16xi32>
      %shift_right_arithmetic3A_1821 = arith.shrsi %bitcast3A_1818, %shift_right_arithmetic3A_1820 : vector<16xi32>
      %sub3A_1822 = arith.constant 127 : i32
      %sub3A_1823 = vector.broadcast %sub3A_1822 : i32 to vector<16xi32>
      %sub3A_1824 = arith.subi %shift_right_arithmetic3A_1821, %sub3A_1823 : vector<16xi32>
      %and3A_1825 = arith.constant 8388607 : i32
      %and3A_1826 = vector.broadcast %and3A_1825 : i32 to vector<16xi32>
      %and3A_1827 = arith.andi %bitcast3A_1818, %and3A_1826 : vector<16xi32>
      %or3A_1828 = arith.constant 1065353216 : i32
      %or3A_1829 = vector.broadcast %or3A_1828 : i32 to vector<16xi32>
      %or3A_1830 = arith.ori %and3A_1827, %or3A_1829 : vector<16xi32>
      %bitcast3A_1831 = vector.bitcast %or3A_1830 : vector<16xi32> to vector<16xf32>
      %ge3A_1832 = arith.constant 1.41421354 : f32
      %ge3A_1833 = vector.broadcast %ge3A_1832 : f32 to vector<16xf32>
      %ge3A_1834 = arith.cmpf oge, %bitcast3A_1831, %ge3A_1833 : vector<16xf32>
      %mul3A_1835 = arith.constant 5.000000e-01 : f32
      %mul3A_1836 = vector.broadcast %mul3A_1835 : f32 to vector<16xf32>
      %mul3A_1837 = arith.mulf %bitcast3A_1831, %mul3A_1836 : vector<16xf32>
      %select_n3A_1838 = arith.select %ge3A_1834, %mul3A_1837, %bitcast3A_1831 : vector<16xi1>, vector<16xf32>
      %convert_element_type3A_1839 = arith.sitofp %sub3A_1824 : vector<16xi32> to vector<16xf32>
      %add3A_1840 = arith.constant 1.000000e+00 : f32
      %add3A_1841 = vector.broadcast %add3A_1840 : f32 to vector<16xf32>
      %add3A_1842 = arith.addf %convert_element_type3A_1839, %add3A_1841 : vector<16xf32>
      %select_n3A_1843 = arith.select %ge3A_1834, %add3A_1842, %convert_element_type3A_1839 : vector<16xi1>, vector<16xf32>
      %sub3A_1844 = arith.constant 1.000000e+00 : f32
      %sub3A_1845 = vector.broadcast %sub3A_1844 : f32 to vector<16xf32>
      %sub3A_1846 = arith.subf %select_n3A_1838, %sub3A_1845 : vector<16xf32>
      %add3A_1847 = arith.constant 1.000000e+00 : f32
      %add3A_1848 = vector.broadcast %add3A_1847 : f32 to vector<16xf32>
      %add3A_1849 = arith.addf %select_n3A_1838, %add3A_1848 : vector<16xf32>
      %div3A_1850 = arith.divf %sub3A_1846, %add3A_1849 : vector<16xf32>
      %mul3A_1851 = arith.mulf %div3A_1850, %div3A_1850 : vector<16xf32>
      %mul3A_1852 = arith.constant 0.285714298 : f32
      %mul3A_1853 = vector.broadcast %mul3A_1852 : f32 to vector<16xf32>
      %mul3A_1854 = arith.mulf %mul3A_1851, %mul3A_1853 : vector<16xf32>
      %add3A_1855 = arith.constant 4.000000e-01 : f32
      %add3A_1856 = vector.broadcast %add3A_1855 : f32 to vector<16xf32>
      %add3A_1857 = arith.addf %add3A_1856, %mul3A_1854 : vector<16xf32>
      %mul3A_1858 = arith.mulf %mul3A_1851, %add3A_1857 : vector<16xf32>
      %add3A_1859 = arith.constant 0.666666686 : f32
      %add3A_1860 = vector.broadcast %add3A_1859 : f32 to vector<16xf32>
      %add3A_1861 = arith.addf %add3A_1860, %mul3A_1858 : vector<16xf32>
      %mul3A_1862 = arith.mulf %mul3A_1851, %add3A_1861 : vector<16xf32>
      %add3A_1863 = arith.constant 2.000000e+00 : f32
      %add3A_1864 = vector.broadcast %add3A_1863 : f32 to vector<16xf32>
      %add3A_1865 = arith.addf %add3A_1864, %mul3A_1862 : vector<16xf32>
      %mul3A_1866 = arith.mulf %div3A_1850, %add3A_1865 : vector<16xf32>
      %mul3A_1867 = arith.constant 0.693147182 : f32
      %mul3A_1868 = vector.broadcast %mul3A_1867 : f32 to vector<16xf32>
      %mul3A_1869 = arith.mulf %select_n3A_1843, %mul3A_1868 : vector<16xf32>
      %add3A_1870 = arith.addf %mul3A_1869, %mul3A_1866 : vector<16xf32>
      %neg3A_1871 = arith.constant 0.000000e+00 : f32
      %neg3A_1872 = vector.broadcast %neg3A_1871 : f32 to vector<16xf32>
      %neg3A_1873 = arith.subf %neg3A_1872, %add3A_1870 : vector<16xf32>
      %add3A_1874 = arith.addf %max3A_1188, %add3A_1273 : vector<16xf32>
      %get3A_1875 = arith.constant 0 : i32
      %get3A_1876 = arith.index_cast %get3A_1875 : i32 to index
      %get3A_1877 = arith.constant 0 : index
      %get3A_1878 = tpu.vector_load %arg10[%get3A_1876, %get3A_1877] {strides = array<i32>} : memref<16x16xf32, #tpu.memory_space<vmem>>, vector<16xf32>,
      %select_n3A_1879 = arith.select %not3A_298, %neg3A_533, %broadcast_in_dim3A_3 : vector<16xi1>, vector<16xf32>
      %add3A_1880 = arith.addf %get3A_1878, %select_n3A_1879 : vector<16xf32>
      %eq3A_1881 = arith.constant 0 : i32
      %eq3A_1882 = vector.broadcast %eq3A_1881 : i32 to vector<16xi32>
      %eq3A_1883 = arith.cmpi eq, %get3A_295, %eq3A_1882 : vector<16xi32>
      %and3A_1884 = arith.andi %le3A_297, %eq3A_1883 : vector<16xi1>
      %get3A_1885 = arith.constant 0 : i32
      %get3A_1886 = arith.index_cast %get3A_1885 : i32 to index
      %get3A_1887 = arith.constant 0 : index
      %get3A_1888 = tpu.vector_load %arg9[%get3A_1886, %get3A_1887] {strides = array<i32>} : memref<11x16xf32, #tpu.memory_space<vmem>>, vector<16xf32>,
      %mul3A_1889 = arith.mulf %neg3A_533, %get3A_1888 : vector<16xf32>
      %select_n3A_1890 = arith.select %and3A_1884, %mul3A_1889, %broadcast_in_dim3A_3 : vector<16xi1>, vector<16xf32>
      %add3A_1891 = arith.addf %broadcast_in_dim3A_3, %select_n3A_1890 : vector<16xf32>
      %select_n3A_1892 = arith.select %and3A_1884, %gather3A, %broadcast_in_dim3A_3 : vector<16xi1>, vector<16xf32>
      %add3A_1893 = arith.addf %broadcast_in_dim3A_3, %select_n3A_1892 : vector<16xf32>
      %select_n3A_1894 = arith.select %not3A_1087, %neg3A_1333, %broadcast_in_dim3A_3 : vector<16xi1>, vector<16xf32>
      %add3A_1895 = arith.addf %add3A_1880, %select_n3A_1894 : vector<16xf32>
      %eq3A_1896 = arith.constant 0 : i32
      %eq3A_1897 = vector.broadcast %eq3A_1896 : i32 to vector<16xi32>
      %eq3A_1898 = arith.cmpi eq, %get3A_1082, %eq3A_1897 : vector<16xi32>
      %and3A_1899 = arith.andi %le3A_1085, %eq3A_1898 : vector<16xi1>
      %get3A_1900 = arith.constant 0 : i32
      %get3A_1901 = arith.index_cast %get3A_1900 : i32 to index
      %get3A_1902 = arith.constant 0 : index
      %get3A_1903 = tpu.vector_load %arg9[%get3A_1901, %get3A_1902] {strides = array<i32>} : memref<11x16xf32, #tpu.memory_space<vmem>>, vector<16xf32>,
      %mul3A_1904 = arith.mulf %neg3A_1333, %get3A_1903 : vector<16xf32>
      %select_n3A_1905 = arith.select %and3A_1899, %mul3A_1904, %broadcast_in_dim3A_3 : vector<16xi1>, vector<16xf32>
      %add3A_1906 = arith.addf %add3A_1891, %select_n3A_1905 : vector<16xf32>
      %select_n3A_1907 = arith.select %and3A_1899, %gather3A_1098, %broadcast_in_dim3A_3 : vector<16xi1>, vector<16xf32>
      %add3A_1908 = arith.addf %add3A_1893, %select_n3A_1907 : vector<16xf32>
      %swap3A_1909 = arith.constant 0 : i32
      %swap3A_1910 = arith.index_cast %swap3A_1909 : i32 to index
      %swap3A_1911 = arith.constant 0 : index
      %swap3A_1912 = tpu.vector_load %arg10[%swap3A_1910, %swap3A_1911] {strides = array<i32>} : memref<16x16xf32, #tpu.memory_space<vmem>>, vector<16xf32>,
      tpu.vector_store %arg10[%swap3A_1910, %swap3A_1911], %add3A_1895 {strides = array<i32>} : memref<16x16xf32, #tpu.memory_space<vmem>>, vector<16xf32>,
      %get3A_1913 = arith.constant 1 : i32
      %get3A_1914 = arith.index_cast %get3A_1913 : i32 to index
      %get3A_1915 = arith.constant 0 : index
      %get3A_1916 = tpu.vector_load %arg10[%get3A_1914, %get3A_1915] {strides = array<i32>} : memref<16x16xf32, #tpu.memory_space<vmem>>, vector<16xf32>,
      %select_n3A_1917 = arith.select %not3A_298, %neg3A_593, %broadcast_in_dim3A_3 : vector<16xi1>, vector<16xf32>
      %add3A_1918 = arith.addf %get3A_1916, %select_n3A_1917 : vector<16xf32>
      %eq3A_1919 = arith.constant 1 : i32
      %eq3A_1920 = vector.broadcast %eq3A_1919 : i32 to vector<16xi32>
      %eq3A_1921 = arith.cmpi eq, %get3A_295, %eq3A_1920 : vector<16xi32>
      %and3A_1922 = arith.andi %le3A_297, %eq3A_1921 : vector<16xi1>
      %get3A_1923 = arith.constant 1 : i32
      %get3A_1924 = arith.index_cast %get3A_1923 : i32 to index
      %get3A_1925 = arith.constant 0 : index
      %get3A_1926 = tpu.vector_load %arg9[%get3A_1924, %get3A_1925] {strides = array<i32>} : memref<11x16xf32, #tpu.memory_space<vmem>>, vector<16xf32>,
      %mul3A_1927 = arith.mulf %neg3A_593, %get3A_1926 : vector<16xf32>
      %select_n3A_1928 = arith.select %and3A_1922, %mul3A_1927, %broadcast_in_dim3A_3 : vector<16xi1>, vector<16xf32>
      %add3A_1929 = arith.addf %add3A_1906, %select_n3A_1928 : vector<16xf32>
      %select_n3A_1930 = arith.select %and3A_1922, %gather3A_317, %broadcast_in_dim3A_3 : vector<16xi1>, vector<16xf32>
      %add3A_1931 = arith.addf %add3A_1908, %select_n3A_1930 : vector<16xf32>
      %select_n3A_1932 = arith.select %not3A_1087, %neg3A_1393, %broadcast_in_dim3A_3 : vector<16xi1>, vector<16xf32>
      %add3A_1933 = arith.addf %add3A_1918, %select_n3A_1932 : vector<16xf32>
      %eq3A_1934 = arith.constant 1 : i32
      %eq3A_1935 = vector.broadcast %eq3A_1934 : i32 to vector<16xi32>
      %eq3A_1936 = arith.cmpi eq, %get3A_1082, %eq3A_1935 : vector<16xi32>
      %and3A_1937 = arith.andi %le3A_1085, %eq3A_1936 : vector<16xi1>
      %get3A_1938 = arith.constant 1 : i32
      %get3A_1939 = arith.index_cast %get3A_1938 : i32 to index
      %get3A_1940 = arith.constant 0 : index
      %get3A_1941 = tpu.vector_load %arg9[%get3A_1939, %get3A_1940] {strides = array<i32>} : memref<11x16xf32, #tpu.memory_space<vmem>>, vector<16xf32>,
      %mul3A_1942 = arith.mulf %neg3A_1393, %get3A_1941 : vector<16xf32>
      %select_n3A_1943 = arith.select %and3A_1937, %mul3A_1942, %broadcast_in_dim3A_3 : vector<16xi1>, vector<16xf32>
      %add3A_1944 = arith.addf %add3A_1929, %select_n3A_1943 : vector<16xf32>
      %select_n3A_1945 = arith.select %and3A_1937, %gather3A_1107, %broadcast_in_dim3A_3 : vector<16xi1>, vector<16xf32>
      %add3A_1946 = arith.addf %add3A_1931, %select_n3A_1945 : vector<16xf32>
      %swap3A_1947 = arith.constant 1 : i32
      %swap3A_1948 = arith.index_cast %swap3A_1947 : i32 to index
      %swap3A_1949 = arith.constant 0 : index
      %swap3A_1950 = tpu.vector_load %arg10[%swap3A_1948, %swap3A_1949] {strides = array<i32>} : memref<16x16xf32, #tpu.memory_space<vmem>>, vector<16xf32>,
      tpu.vector_store %arg10[%swap3A_1948, %swap3A_1949], %add3A_1933 {strides = array<i32>} : memref<16x16xf32, #tpu.memory_space<vmem>>, vector<16xf32>,
      %get3A_1951 = arith.constant 2 : i32
      %get3A_1952 = arith.index_cast %get3A_1951 : i32 to index
      %get3A_1953 = arith.constant 0 : index
      %get3A_1954 = tpu.vector_load %arg10[%get3A_1952, %get3A_1953] {strides = array<i32>} : memref<16x16xf32, #tpu.memory_space<vmem>>, vector<16xf32>,
      %select_n3A_1955 = arith.select %not3A_298, %neg3A_653, %broadcast_in_dim3A_3 : vector<16xi1>, vector<16xf32>
      %add3A_1956 = arith.addf %get3A_1954, %select_n3A_1955 : vector<16xf32>
      %eq3A_1957 = arith.constant 2 : i32
      %eq3A_1958 = vector.broadcast %eq3A_1957 : i32 to vector<16xi32>
      %eq3A_1959 = arith.cmpi eq, %get3A_295, %eq3A_1958 : vector<16xi32>
      %and3A_1960 = arith.andi %le3A_297, %eq3A_1959 : vector<16xi1>
      %get3A_1961 = arith.constant 2 : i32
      %get3A_1962 = arith.index_cast %get3A_1961 : i32 to index
      %get3A_1963 = arith.constant 0 : index
      %get3A_1964 = tpu.vector_load %arg9[%get3A_1962, %get3A_1963] {strides = array<i32>} : memref<11x16xf32, #tpu.memory_space<vmem>>, vector<16xf32>,
      %mul3A_1965 = arith.mulf %neg3A_653, %get3A_1964 : vector<16xf32>
      %select_n3A_1966 = arith.select %and3A_1960, %mul3A_1965, %broadcast_in_dim3A_3 : vector<16xi1>, vector<16xf32>
      %add3A_1967 = arith.addf %add3A_1944, %select_n3A_1966 : vector<16xf32>
      %select_n3A_1968 = arith.select %and3A_1960, %gather3A_326, %broadcast_in_dim3A_3 : vector<16xi1>, vector<16xf32>
      %add3A_1969 = arith.addf %add3A_1946, %select_n3A_1968 : vector<16xf32>
      %select_n3A_1970 = arith.select %not3A_1087, %neg3A_1453, %broadcast_in_dim3A_3 : vector<16xi1>, vector<16xf32>
      %add3A_1971 = arith.addf %add3A_1956, %select_n3A_1970 : vector<16xf32>
      %eq3A_1972 = arith.constant 2 : i32
      %eq3A_1973 = vector.broadcast %eq3A_1972 : i32 to vector<16xi32>
      %eq3A_1974 = arith.cmpi eq, %get3A_1082, %eq3A_1973 : vector<16xi32>
      %and3A_1975 = arith.andi %le3A_1085, %eq3A_1974 : vector<16xi1>
      %get3A_1976 = arith.constant 2 : i32
      %get3A_1977 = arith.index_cast %get3A_1976 : i32 to index
      %get3A_1978 = arith.constant 0 : index
      %get3A_1979 = tpu.vector_load %arg9[%get3A_1977, %get3A_1978] {strides = array<i32>} : memref<11x16xf32, #tpu.memory_space<vmem>>, vector<16xf32>,
      %mul3A_1980 = arith.mulf %neg3A_1453, %get3A_1979 : vector<16xf32>
      %select_n3A_1981 = arith.select %and3A_1975, %mul3A_1980, %broadcast_in_dim3A_3 : vector<16xi1>, vector<16xf32>
      %add3A_1982 = arith.addf %add3A_1967, %select_n3A_1981 : vector<16xf32>
      %select_n3A_1983 = arith.select %and3A_1975, %gather3A_1116, %broadcast_in_dim3A_3 : vector<16xi1>, vector<16xf32>
      %add3A_1984 = arith.addf %add3A_1969, %select_n3A_1983 : vector<16xf32>
      %swap3A_1985 = arith.constant 2 : i32
      %swap3A_1986 = arith.index_cast %swap3A_1985 : i32 to index
      %swap3A_1987 = arith.constant 0 : index
      %swap3A_1988 = tpu.vector_load %arg10[%swap3A_1986, %swap3A_1987] {strides = array<i32>} : memref<16x16xf32, #tpu.memory_space<vmem>>, vector<16xf32>,
      tpu.vector_store %arg10[%swap3A_1986, %swap3A_1987], %add3A_1971 {strides = array<i32>} : memref<16x16xf32, #tpu.memory_space<vmem>>, vector<16xf32>,
      %get3A_1989 = arith.constant 3 : i32
      %get3A_1990 = arith.index_cast %get3A_1989 : i32 to index
      %get3A_1991 = arith.constant 0 : index
      %get3A_1992 = tpu.vector_load %arg10[%get3A_1990, %get3A_1991] {strides = array<i32>} : memref<16x16xf32, #tpu.memory_space<vmem>>, vector<16xf32>,
      %select_n3A_1993 = arith.select %le3A_297, %neg3A_713, %broadcast_in_dim3A_3 : vector<16xi1>, vector<16xf32>
      %add3A_1994 = arith.addf %get3A_1992, %select_n3A_1993 : vector<16xf32>
      %eq3A_1995 = arith.constant 3 : i32
      %eq3A_1996 = vector.broadcast %eq3A_1995 : i32 to vector<16xi32>
      %eq3A_1997 = arith.cmpi eq, %get3A_295, %eq3A_1996 : vector<16xi32>
      %and3A_1998 = arith.andi %le3A_297, %eq3A_1997 : vector<16xi1>
      %get3A_1999 = arith.constant 3 : i32
      %get3A_2000 = arith.index_cast %get3A_1999 : i32 to index
      %get3A_2001 = arith.constant 0 : index
      %get3A_2002 = tpu.vector_load %arg9[%get3A_2000, %get3A_2001] {strides = array<i32>} : memref<11x16xf32, #tpu.memory_space<vmem>>, vector<16xf32>,
      %mul3A_2003 = arith.mulf %neg3A_713, %get3A_2002 : vector<16xf32>
      %select_n3A_2004 = arith.select %and3A_1998, %mul3A_2003, %broadcast_in_dim3A_3 : vector<16xi1>, vector<16xf32>
      %add3A_2005 = arith.addf %add3A_1982, %select_n3A_2004 : vector<16xf32>
      %select_n3A_2006 = arith.select %and3A_1998, %gather3A_335, %broadcast_in_dim3A_3 : vector<16xi1>, vector<16xf32>
      %add3A_2007 = arith.addf %add3A_1984, %select_n3A_2006 : vector<16xf32>
      %select_n3A_2008 = arith.select %le3A_1085, %neg3A_1513, %broadcast_in_dim3A_3 : vector<16xi1>, vector<16xf32>
      %add3A_2009 = arith.addf %add3A_1994, %select_n3A_2008 : vector<16xf32>
      %eq3A_2010 = arith.constant 3 : i32
      %eq3A_2011 = vector.broadcast %eq3A_2010 : i32 to vector<16xi32>
      %eq3A_2012 = arith.cmpi eq, %get3A_1082, %eq3A_2011 : vector<16xi32>
      %and3A_2013 = arith.andi %le3A_1085, %eq3A_2012 : vector<16xi1>
      %get3A_2014 = arith.constant 3 : i32
      %get3A_2015 = arith.index_cast %get3A_2014 : i32 to index
      %get3A_2016 = arith.constant 0 : index
      %get3A_2017 = tpu.vector_load %arg9[%get3A_2015, %get3A_2016] {strides = array<i32>} : memref<11x16xf32, #tpu.memory_space<vmem>>, vector<16xf32>,
      %mul3A_2018 = arith.mulf %neg3A_1513, %get3A_2017 : vector<16xf32>
      %select_n3A_2019 = arith.select %and3A_2013, %mul3A_2018, %broadcast_in_dim3A_3 : vector<16xi1>, vector<16xf32>
      %add3A_2020 = arith.addf %add3A_2005, %select_n3A_2019 : vector<16xf32>
      %select_n3A_2021 = arith.select %and3A_2013, %gather3A_1125, %broadcast_in_dim3A_3 : vector<16xi1>, vector<16xf32>
      %add3A_2022 = arith.addf %add3A_2007, %select_n3A_2021 : vector<16xf32>
      %swap3A_2023 = arith.constant 3 : i32
      %swap3A_2024 = arith.index_cast %swap3A_2023 : i32 to index
      %swap3A_2025 = arith.constant 0 : index
      %swap3A_2026 = tpu.vector_load %arg10[%swap3A_2024, %swap3A_2025] {strides = array<i32>} : memref<16x16xf32, #tpu.memory_space<vmem>>, vector<16xf32>,
      tpu.vector_store %arg10[%swap3A_2024, %swap3A_2025], %add3A_2009 {strides = array<i32>} : memref<16x16xf32, #tpu.memory_space<vmem>>, vector<16xf32>,
      %get3A_2027 = arith.constant 4 : i32
      %get3A_2028 = arith.index_cast %get3A_2027 : i32 to index
      %get3A_2029 = arith.constant 0 : index
      %get3A_2030 = tpu.vector_load %arg10[%get3A_2028, %get3A_2029] {strides = array<i32>} : memref<16x16xf32, #tpu.memory_space<vmem>>, vector<16xf32>,
      %select_n3A_2031 = arith.select %le3A_297, %neg3A_773, %broadcast_in_dim3A_3 : vector<16xi1>, vector<16xf32>
      %add3A_2032 = arith.addf %get3A_2030, %select_n3A_2031 : vector<16xf32>
      %eq3A_2033 = arith.constant 4 : i32
      %eq3A_2034 = vector.broadcast %eq3A_2033 : i32 to vector<16xi32>
      %eq3A_2035 = arith.cmpi eq, %get3A_295, %eq3A_2034 : vector<16xi32>
      %and3A_2036 = arith.andi %le3A_297, %eq3A_2035 : vector<16xi1>
      %get3A_2037 = arith.constant 4 : i32
      %get3A_2038 = arith.index_cast %get3A_2037 : i32 to index
      %get3A_2039 = arith.constant 0 : index
      %get3A_2040 = tpu.vector_load %arg9[%get3A_2038, %get3A_2039] {strides = array<i32>} : memref<11x16xf32, #tpu.memory_space<vmem>>, vector<16xf32>,
      %mul3A_2041 = arith.mulf %neg3A_773, %get3A_2040 : vector<16xf32>
      %select_n3A_2042 = arith.select %and3A_2036, %mul3A_2041, %broadcast_in_dim3A_3 : vector<16xi1>, vector<16xf32>
      %add3A_2043 = arith.addf %add3A_2020, %select_n3A_2042 : vector<16xf32>
      %select_n3A_2044 = arith.select %and3A_2036, %gather3A_344, %broadcast_in_dim3A_3 : vector<16xi1>, vector<16xf32>
      %add3A_2045 = arith.addf %add3A_2022, %select_n3A_2044 : vector<16xf32>
      %select_n3A_2046 = arith.select %le3A_1085, %neg3A_1573, %broadcast_in_dim3A_3 : vector<16xi1>, vector<16xf32>
      %add3A_2047 = arith.addf %add3A_2032, %select_n3A_2046 : vector<16xf32>
      %eq3A_2048 = arith.constant 4 : i32
      %eq3A_2049 = vector.broadcast %eq3A_2048 : i32 to vector<16xi32>
      %eq3A_2050 = arith.cmpi eq, %get3A_1082, %eq3A_2049 : vector<16xi32>
      %and3A_2051 = arith.andi %le3A_1085, %eq3A_2050 : vector<16xi1>
      %get3A_2052 = arith.constant 4 : i32
      %get3A_2053 = arith.index_cast %get3A_2052 : i32 to index
      %get3A_2054 = arith.constant 0 : index
      %get3A_2055 = tpu.vector_load %arg9[%get3A_2053, %get3A_2054] {strides = array<i32>} : memref<11x16xf32, #tpu.memory_space<vmem>>, vector<16xf32>,
      %mul3A_2056 = arith.mulf %neg3A_1573, %get3A_2055 : vector<16xf32>
      %select_n3A_2057 = arith.select %and3A_2051, %mul3A_2056, %broadcast_in_dim3A_3 : vector<16xi1>, vector<16xf32>
      %add3A_2058 = arith.addf %add3A_2043, %select_n3A_2057 : vector<16xf32>
      %select_n3A_2059 = arith.select %and3A_2051, %gather3A_1134, %broadcast_in_dim3A_3 : vector<16xi1>, vector<16xf32>
      %add3A_2060 = arith.addf %add3A_2045, %select_n3A_2059 : vector<16xf32>
      %swap3A_2061 = arith.constant 4 : i32
      %swap3A_2062 = arith.index_cast %swap3A_2061 : i32 to index
      %swap3A_2063 = arith.constant 0 : index
      %swap3A_2064 = tpu.vector_load %arg10[%swap3A_2062, %swap3A_2063] {strides = array<i32>} : memref<16x16xf32, #tpu.memory_space<vmem>>, vector<16xf32>,
      tpu.vector_store %arg10[%swap3A_2062, %swap3A_2063], %add3A_2047 {strides = array<i32>} : memref<16x16xf32, #tpu.memory_space<vmem>>, vector<16xf32>,
      %get3A_2065 = arith.constant 5 : i32
      %get3A_2066 = arith.index_cast %get3A_2065 : i32 to index
      %get3A_2067 = arith.constant 0 : index
      %get3A_2068 = tpu.vector_load %arg10[%get3A_2066, %get3A_2067] {strides = array<i32>} : memref<16x16xf32, #tpu.memory_space<vmem>>, vector<16xf32>,
      %select_n3A_2069 = arith.select %le3A_297, %neg3A_833, %broadcast_in_dim3A_3 : vector<16xi1>, vector<16xf32>
      %add3A_2070 = arith.addf %get3A_2068, %select_n3A_2069 : vector<16xf32>
      %eq3A_2071 = arith.constant 5 : i32
      %eq3A_2072 = vector.broadcast %eq3A_2071 : i32 to vector<16xi32>
      %eq3A_2073 = arith.cmpi eq, %get3A_295, %eq3A_2072 : vector<16xi32>
      %and3A_2074 = arith.andi %le3A_297, %eq3A_2073 : vector<16xi1>
      %get3A_2075 = arith.constant 5 : i32
      %get3A_2076 = arith.index_cast %get3A_2075 : i32 to index
      %get3A_2077 = arith.constant 0 : index
      %get3A_2078 = tpu.vector_load %arg9[%get3A_2076, %get3A_2077] {strides = array<i32>} : memref<11x16xf32, #tpu.memory_space<vmem>>, vector<16xf32>,
      %mul3A_2079 = arith.mulf %neg3A_833, %get3A_2078 : vector<16xf32>
      %select_n3A_2080 = arith.select %and3A_2074, %mul3A_2079, %broadcast_in_dim3A_3 : vector<16xi1>, vector<16xf32>
      %add3A_2081 = arith.addf %add3A_2058, %select_n3A_2080 : vector<16xf32>
      %select_n3A_2082 = arith.select %and3A_2074, %gather3A_353, %broadcast_in_dim3A_3 : vector<16xi1>, vector<16xf32>
      %add3A_2083 = arith.addf %add3A_2060, %select_n3A_2082 : vector<16xf32>
      %select_n3A_2084 = arith.select %le3A_1085, %neg3A_1633, %broadcast_in_dim3A_3 : vector<16xi1>, vector<16xf32>
      %add3A_2085 = arith.addf %add3A_2070, %select_n3A_2084 : vector<16xf32>
      %eq3A_2086 = arith.constant 5 : i32
      %eq3A_2087 = vector.broadcast %eq3A_2086 : i32 to vector<16xi32>
      %eq3A_2088 = arith.cmpi eq, %get3A_1082, %eq3A_2087 : vector<16xi32>
      %and3A_2089 = arith.andi %le3A_1085, %eq3A_2088 : vector<16xi1>
      %get3A_2090 = arith.constant 5 : i32
      %get3A_2091 = arith.index_cast %get3A_2090 : i32 to index
      %get3A_2092 = arith.constant 0 : index
      %get3A_2093 = tpu.vector_load %arg9[%get3A_2091, %get3A_2092] {strides = array<i32>} : memref<11x16xf32, #tpu.memory_space<vmem>>, vector<16xf32>,
      %mul3A_2094 = arith.mulf %neg3A_1633, %get3A_2093 : vector<16xf32>
      %select_n3A_2095 = arith.select %and3A_2089, %mul3A_2094, %broadcast_in_dim3A_3 : vector<16xi1>, vector<16xf32>
      %add3A_2096 = arith.addf %add3A_2081, %select_n3A_2095 : vector<16xf32>
      %select_n3A_2097 = arith.select %and3A_2089, %gather3A_1143, %broadcast_in_dim3A_3 : vector<16xi1>, vector<16xf32>
      %add3A_2098 = arith.addf %add3A_2083, %select_n3A_2097 : vector<16xf32>
      %swap3A_2099 = arith.constant 5 : i32
      %swap3A_2100 = arith.index_cast %swap3A_2099 : i32 to index
      %swap3A_2101 = arith.constant 0 : index
      %swap3A_2102 = tpu.vector_load %arg10[%swap3A_2100, %swap3A_2101] {strides = array<i32>} : memref<16x16xf32, #tpu.memory_space<vmem>>, vector<16xf32>,
      tpu.vector_store %arg10[%swap3A_2100, %swap3A_2101], %add3A_2085 {strides = array<i32>} : memref<16x16xf32, #tpu.memory_space<vmem>>, vector<16xf32>,
      %get3A_2103 = arith.constant 6 : i32
      %get3A_2104 = arith.index_cast %get3A_2103 : i32 to index
      %get3A_2105 = arith.constant 0 : index
      %get3A_2106 = tpu.vector_load %arg10[%get3A_2104, %get3A_2105] {strides = array<i32>} : memref<16x16xf32, #tpu.memory_space<vmem>>, vector<16xf32>,
      %select_n3A_2107 = arith.select %le3A_297, %neg3A_893, %broadcast_in_dim3A_3 : vector<16xi1>, vector<16xf32>
      %add3A_2108 = arith.addf %get3A_2106, %select_n3A_2107 : vector<16xf32>
      %eq3A_2109 = arith.constant 6 : i32
      %eq3A_2110 = vector.broadcast %eq3A_2109 : i32 to vector<16xi32>
      %eq3A_2111 = arith.cmpi eq, %get3A_295, %eq3A_2110 : vector<16xi32>
      %and3A_2112 = arith.andi %le3A_297, %eq3A_2111 : vector<16xi1>
      %get3A_2113 = arith.constant 6 : i32
      %get3A_2114 = arith.index_cast %get3A_2113 : i32 to index
      %get3A_2115 = arith.constant 0 : index
      %get3A_2116 = tpu.vector_load %arg9[%get3A_2114, %get3A_2115] {strides = array<i32>} : memref<11x16xf32, #tpu.memory_space<vmem>>, vector<16xf32>,
      %mul3A_2117 = arith.mulf %neg3A_893, %get3A_2116 : vector<16xf32>
      %select_n3A_2118 = arith.select %and3A_2112, %mul3A_2117, %broadcast_in_dim3A_3 : vector<16xi1>, vector<16xf32>
      %add3A_2119 = arith.addf %add3A_2096, %select_n3A_2118 : vector<16xf32>
      %select_n3A_2120 = arith.select %and3A_2112, %gather3A_362, %broadcast_in_dim3A_3 : vector<16xi1>, vector<16xf32>
      %add3A_2121 = arith.addf %add3A_2098, %select_n3A_2120 : vector<16xf32>
      %select_n3A_2122 = arith.select %le3A_1085, %neg3A_1693, %broadcast_in_dim3A_3 : vector<16xi1>, vector<16xf32>
      %add3A_2123 = arith.addf %add3A_2108, %select_n3A_2122 : vector<16xf32>
      %eq3A_2124 = arith.constant 6 : i32
      %eq3A_2125 = vector.broadcast %eq3A_2124 : i32 to vector<16xi32>
      %eq3A_2126 = arith.cmpi eq, %get3A_1082, %eq3A_2125 : vector<16xi32>
      %and3A_2127 = arith.andi %le3A_1085, %eq3A_2126 : vector<16xi1>
      %get3A_2128 = arith.constant 6 : i32
      %get3A_2129 = arith.index_cast %get3A_2128 : i32 to index
      %get3A_2130 = arith.constant 0 : index
      %get3A_2131 = tpu.vector_load %arg9[%get3A_2129, %get3A_2130] {strides = array<i32>} : memref<11x16xf32, #tpu.memory_space<vmem>>, vector<16xf32>,
      %mul3A_2132 = arith.mulf %neg3A_1693, %get3A_2131 : vector<16xf32>
      %select_n3A_2133 = arith.select %and3A_2127, %mul3A_2132, %broadcast_in_dim3A_3 : vector<16xi1>, vector<16xf32>
      %add3A_2134 = arith.addf %add3A_2119, %select_n3A_2133 : vector<16xf32>
      %select_n3A_2135 = arith.select %and3A_2127, %gather3A_1152, %broadcast_in_dim3A_3 : vector<16xi1>, vector<16xf32>
      %add3A_2136 = arith.addf %add3A_2121, %select_n3A_2135 : vector<16xf32>
      %swap3A_2137 = arith.constant 6 : i32
      %swap3A_2138 = arith.index_cast %swap3A_2137 : i32 to index
      %swap3A_2139 = arith.constant 0 : index
      %swap3A_2140 = tpu.vector_load %arg10[%swap3A_2138, %swap3A_2139] {strides = array<i32>} : memref<16x16xf32, #tpu.memory_space<vmem>>, vector<16xf32>,
      tpu.vector_store %arg10[%swap3A_2138, %swap3A_2139], %add3A_2123 {strides = array<i32>} : memref<16x16xf32, #tpu.memory_space<vmem>>, vector<16xf32>,
      %get3A_2141 = arith.constant 7 : i32
      %get3A_2142 = arith.index_cast %get3A_2141 : i32 to index
      %get3A_2143 = arith.constant 0 : index
      %get3A_2144 = tpu.vector_load %arg10[%get3A_2142, %get3A_2143] {strides = array<i32>} : memref<16x16xf32, #tpu.memory_space<vmem>>, vector<16xf32>,
      %select_n3A_2145 = arith.select %le3A_297, %neg3A_953, %broadcast_in_dim3A_3 : vector<16xi1>, vector<16xf32>
      %add3A_2146 = arith.addf %get3A_2144, %select_n3A_2145 : vector<16xf32>
      %eq3A_2147 = arith.constant 7 : i32
      %eq3A_2148 = vector.broadcast %eq3A_2147 : i32 to vector<16xi32>
      %eq3A_2149 = arith.cmpi eq, %get3A_295, %eq3A_2148 : vector<16xi32>
      %and3A_2150 = arith.andi %le3A_297, %eq3A_2149 : vector<16xi1>
      %get3A_2151 = arith.constant 7 : i32
      %get3A_2152 = arith.index_cast %get3A_2151 : i32 to index
      %get3A_2153 = arith.constant 0 : index
      %get3A_2154 = tpu.vector_load %arg9[%get3A_2152, %get3A_2153] {strides = array<i32>} : memref<11x16xf32, #tpu.memory_space<vmem>>, vector<16xf32>,
      %mul3A_2155 = arith.mulf %neg3A_953, %get3A_2154 : vector<16xf32>
      %select_n3A_2156 = arith.select %and3A_2150, %mul3A_2155, %broadcast_in_dim3A_3 : vector<16xi1>, vector<16xf32>
      %add3A_2157 = arith.addf %add3A_2134, %select_n3A_2156 : vector<16xf32>
      %select_n3A_2158 = arith.select %and3A_2150, %gather3A_371, %broadcast_in_dim3A_3 : vector<16xi1>, vector<16xf32>
      %add3A_2159 = arith.addf %add3A_2136, %select_n3A_2158 : vector<16xf32>
      %select_n3A_2160 = arith.select %le3A_1085, %neg3A_1753, %broadcast_in_dim3A_3 : vector<16xi1>, vector<16xf32>
      %add3A_2161 = arith.addf %add3A_2146, %select_n3A_2160 : vector<16xf32>
      %eq3A_2162 = arith.constant 7 : i32
      %eq3A_2163 = vector.broadcast %eq3A_2162 : i32 to vector<16xi32>
      %eq3A_2164 = arith.cmpi eq, %get3A_1082, %eq3A_2163 : vector<16xi32>
      %and3A_2165 = arith.andi %le3A_1085, %eq3A_2164 : vector<16xi1>
      %get3A_2166 = arith.constant 7 : i32
      %get3A_2167 = arith.index_cast %get3A_2166 : i32 to index
      %get3A_2168 = arith.constant 0 : index
      %get3A_2169 = tpu.vector_load %arg9[%get3A_2167, %get3A_2168] {strides = array<i32>} : memref<11x16xf32, #tpu.memory_space<vmem>>, vector<16xf32>,
      %mul3A_2170 = arith.mulf %neg3A_1753, %get3A_2169 : vector<16xf32>
      %select_n3A_2171 = arith.select %and3A_2165, %mul3A_2170, %broadcast_in_dim3A_3 : vector<16xi1>, vector<16xf32>
      %add3A_2172 = arith.addf %add3A_2157, %select_n3A_2171 : vector<16xf32>
      %select_n3A_2173 = arith.select %and3A_2165, %gather3A_1161, %broadcast_in_dim3A_3 : vector<16xi1>, vector<16xf32>
      %add3A_2174 = arith.addf %add3A_2159, %select_n3A_2173 : vector<16xf32>
      %swap3A_2175 = arith.constant 7 : i32
      %swap3A_2176 = arith.index_cast %swap3A_2175 : i32 to index
      %swap3A_2177 = arith.constant 0 : index
      %swap3A_2178 = tpu.vector_load %arg10[%swap3A_2176, %swap3A_2177] {strides = array<i32>} : memref<16x16xf32, #tpu.memory_space<vmem>>, vector<16xf32>,
      tpu.vector_store %arg10[%swap3A_2176, %swap3A_2177], %add3A_2161 {strides = array<i32>} : memref<16x16xf32, #tpu.memory_space<vmem>>, vector<16xf32>,
      %get3A_2179 = arith.constant 8 : i32
      %get3A_2180 = arith.index_cast %get3A_2179 : i32 to index
      %get3A_2181 = arith.constant 0 : index
      %get3A_2182 = tpu.vector_load %arg10[%get3A_2180, %get3A_2181] {strides = array<i32>} : memref<16x16xf32, #tpu.memory_space<vmem>>, vector<16xf32>,
      %select_n3A_2183 = arith.select %le3A_297, %neg3A_1013, %broadcast_in_dim3A_3 : vector<16xi1>, vector<16xf32>
      %add3A_2184 = arith.addf %get3A_2182, %select_n3A_2183 : vector<16xf32>
      %eq3A_2185 = arith.constant 8 : i32
      %eq3A_2186 = vector.broadcast %eq3A_2185 : i32 to vector<16xi32>
      %eq3A_2187 = arith.cmpi eq, %get3A_295, %eq3A_2186 : vector<16xi32>
      %and3A_2188 = arith.andi %le3A_297, %eq3A_2187 : vector<16xi1>
      %get3A_2189 = arith.constant 8 : i32
      %get3A_2190 = arith.index_cast %get3A_2189 : i32 to index
      %get3A_2191 = arith.constant 0 : index
      %get3A_2192 = tpu.vector_load %arg9[%get3A_2190, %get3A_2191] {strides = array<i32>} : memref<11x16xf32, #tpu.memory_space<vmem>>, vector<16xf32>,
      %mul3A_2193 = arith.mulf %neg3A_1013, %get3A_2192 : vector<16xf32>
      %select_n3A_2194 = arith.select %and3A_2188, %mul3A_2193, %broadcast_in_dim3A_3 : vector<16xi1>, vector<16xf32>
      %add3A_2195 = arith.addf %add3A_2172, %select_n3A_2194 : vector<16xf32>
      %select_n3A_2196 = arith.select %and3A_2188, %gather3A_380, %broadcast_in_dim3A_3 : vector<16xi1>, vector<16xf32>
      %add3A_2197 = arith.addf %add3A_2174, %select_n3A_2196 : vector<16xf32>
      %select_n3A_2198 = arith.select %le3A_1085, %neg3A_1813, %broadcast_in_dim3A_3 : vector<16xi1>, vector<16xf32>
      %add3A_2199 = arith.addf %add3A_2184, %select_n3A_2198 : vector<16xf32>
      %eq3A_2200 = arith.constant 8 : i32
      %eq3A_2201 = vector.broadcast %eq3A_2200 : i32 to vector<16xi32>
      %eq3A_2202 = arith.cmpi eq, %get3A_1082, %eq3A_2201 : vector<16xi32>
      %and3A_2203 = arith.andi %le3A_1085, %eq3A_2202 : vector<16xi1>
      %get3A_2204 = arith.constant 8 : i32
      %get3A_2205 = arith.index_cast %get3A_2204 : i32 to index
      %get3A_2206 = arith.constant 0 : index
      %get3A_2207 = tpu.vector_load %arg9[%get3A_2205, %get3A_2206] {strides = array<i32>} : memref<11x16xf32, #tpu.memory_space<vmem>>, vector<16xf32>,
      %mul3A_2208 = arith.mulf %neg3A_1813, %get3A_2207 : vector<16xf32>
      %select_n3A_2209 = arith.select %and3A_2203, %mul3A_2208, %broadcast_in_dim3A_3 : vector<16xi1>, vector<16xf32>
      %add3A_2210 = arith.addf %add3A_2195, %select_n3A_2209 : vector<16xf32>
      %select_n3A_2211 = arith.select %and3A_2203, %gather3A_1170, %broadcast_in_dim3A_3 : vector<16xi1>, vector<16xf32>
      %add3A_2212 = arith.addf %add3A_2197, %select_n3A_2211 : vector<16xf32>
      %swap3A_2213 = arith.constant 8 : i32
      %swap3A_2214 = arith.index_cast %swap3A_2213 : i32 to index
      %swap3A_2215 = arith.constant 0 : index
      %swap3A_2216 = tpu.vector_load %arg10[%swap3A_2214, %swap3A_2215] {strides = array<i32>} : memref<16x16xf32, #tpu.memory_space<vmem>>, vector<16xf32>,
      tpu.vector_store %arg10[%swap3A_2214, %swap3A_2215], %add3A_2199 {strides = array<i32>} : memref<16x16xf32, #tpu.memory_space<vmem>>, vector<16xf32>,
      %get3A_2217 = arith.constant 9 : i32
      %get3A_2218 = arith.index_cast %get3A_2217 : i32 to index
      %get3A_2219 = arith.constant 0 : index
      %get3A_2220 = tpu.vector_load %arg10[%get3A_2218, %get3A_2219] {strides = array<i32>} : memref<16x16xf32, #tpu.memory_space<vmem>>, vector<16xf32>,
      %select_n3A_2221 = arith.select %le3A_297, %neg3A_1073, %broadcast_in_dim3A_3 : vector<16xi1>, vector<16xf32>
      %add3A_2222 = arith.addf %get3A_2220, %select_n3A_2221 : vector<16xf32>
      %eq3A_2223 = arith.constant 9 : i32
      %eq3A_2224 = vector.broadcast %eq3A_2223 : i32 to vector<16xi32>
      %eq3A_2225 = arith.cmpi eq, %get3A_295, %eq3A_2224 : vector<16xi32>
      %and3A_2226 = arith.andi %le3A_297, %eq3A_2225 : vector<16xi1>
      %get3A_2227 = arith.constant 9 : i32
      %get3A_2228 = arith.index_cast %get3A_2227 : i32 to index
      %get3A_2229 = arith.constant 0 : index
      %get3A_2230 = tpu.vector_load %arg9[%get3A_2228, %get3A_2229] {strides = array<i32>} : memref<11x16xf32, #tpu.memory_space<vmem>>, vector<16xf32>,
      %mul3A_2231 = arith.mulf %neg3A_1073, %get3A_2230 : vector<16xf32>
      %select_n3A_2232 = arith.select %and3A_2226, %mul3A_2231, %broadcast_in_dim3A_3 : vector<16xi1>, vector<16xf32>
      %add3A_2233 = arith.addf %add3A_2210, %select_n3A_2232 : vector<16xf32>
      %select_n3A_2234 = arith.select %and3A_2226, %gather3A_389, %broadcast_in_dim3A_3 : vector<16xi1>, vector<16xf32>
      %add3A_2235 = arith.addf %add3A_2212, %select_n3A_2234 : vector<16xf32>
      %select_n3A_2236 = arith.select %le3A_1085, %neg3A_1873, %broadcast_in_dim3A_3 : vector<16xi1>, vector<16xf32>
      %add3A_2237 = arith.addf %add3A_2222, %select_n3A_2236 : vector<16xf32>
      %eq3A_2238 = arith.constant 9 : i32
      %eq3A_2239 = vector.broadcast %eq3A_2238 : i32 to vector<16xi32>
      %eq3A_2240 = arith.cmpi eq, %get3A_1082, %eq3A_2239 : vector<16xi32>
      %and3A_2241 = arith.andi %le3A_1085, %eq3A_2240 : vector<16xi1>
      %get3A_2242 = arith.constant 9 : i32
      %get3A_2243 = arith.index_cast %get3A_2242 : i32 to index
      %get3A_2244 = arith.constant 0 : index
      %get3A_2245 = tpu.vector_load %arg9[%get3A_2243, %get3A_2244] {strides = array<i32>} : memref<11x16xf32, #tpu.memory_space<vmem>>, vector<16xf32>,
      %mul3A_2246 = arith.mulf %neg3A_1873, %get3A_2245 : vector<16xf32>
      %select_n3A_2247 = arith.select %and3A_2241, %mul3A_2246, %broadcast_in_dim3A_3 : vector<16xi1>, vector<16xf32>
      %add3A_2248 = arith.addf %add3A_2233, %select_n3A_2247 : vector<16xf32>
      %select_n3A_2249 = arith.select %and3A_2241, %gather3A_1179, %broadcast_in_dim3A_3 : vector<16xi1>, vector<16xf32>
      %add3A_2250 = arith.addf %add3A_2235, %select_n3A_2249 : vector<16xf32>
      %swap3A_2251 = arith.constant 9 : i32
      %swap3A_2252 = arith.index_cast %swap3A_2251 : i32 to index
      %swap3A_2253 = arith.constant 0 : index
      %swap3A_2254 = tpu.vector_load %arg10[%swap3A_2252, %swap3A_2253] {strides = array<i32>} : memref<16x16xf32, #tpu.memory_space<vmem>>, vector<16xf32>,
      tpu.vector_store %arg10[%swap3A_2252, %swap3A_2253], %add3A_2237 {strides = array<i32>} : memref<16x16xf32, #tpu.memory_space<vmem>>, vector<16xf32>,
      %get3A_2255 = arith.constant 10 : i32
      %get3A_2256 = arith.index_cast %get3A_2255 : i32 to index
      %get3A_2257 = arith.constant 0 : index
      %get3A_2258 = tpu.vector_load %arg10[%get3A_2256, %get3A_2257] {strides = array<i32>} : memref<16x16xf32, #tpu.memory_space<vmem>>, vector<16xf32>,
      %add3A_2259 = arith.addf %get3A_2258, %add3A_2248 : vector<16xf32>
      %swap3A_2260 = arith.constant 10 : i32
      %swap3A_2261 = arith.index_cast %swap3A_2260 : i32 to index
      %swap3A_2262 = arith.constant 0 : index
      %swap3A_2263 = tpu.vector_load %arg10[%swap3A_2261, %swap3A_2262] {strides = array<i32>} : memref<16x16xf32, #tpu.memory_space<vmem>>, vector<16xf32>,
      tpu.vector_store %arg10[%swap3A_2261, %swap3A_2262], %add3A_2259 {strides = array<i32>} : memref<16x16xf32, #tpu.memory_space<vmem>>, vector<16xf32>,
      %get3A_2264 = arith.constant 11 : i32
      %get3A_2265 = arith.index_cast %get3A_2264 : i32 to index
      %get3A_2266 = arith.constant 0 : index
      %get3A_2267 = tpu.vector_load %arg10[%get3A_2265, %get3A_2266] {strides = array<i32>} : memref<16x16xf32, #tpu.memory_space<vmem>>, vector<16xf32>,
      %add3A_2268 = arith.addf %get3A_2267, %add3A_2250 : vector<16xf32>
      %swap3A_2269 = arith.constant 11 : i32
      %swap3A_2270 = arith.index_cast %swap3A_2269 : i32 to index
      %swap3A_2271 = arith.constant 0 : index
      %swap3A_2272 = tpu.vector_load %arg10[%swap3A_2270, %swap3A_2271] {strides = array<i32>} : memref<16x16xf32, #tpu.memory_space<vmem>>, vector<16xf32>,
      tpu.vector_store %arg10[%swap3A_2270, %swap3A_2271], %add3A_2268 {strides = array<i32>} : memref<16x16xf32, #tpu.memory_space<vmem>>, vector<16xf32>,
      %get3A_2273 = arith.constant 12 : i32
      %get3A_2274 = arith.index_cast %get3A_2273 : i32 to index
      %get3A_2275 = arith.constant 0 : index
      %get3A_2276 = tpu.vector_load %arg10[%get3A_2274, %get3A_2275] {strides = array<i32>} : memref<16x16xf32, #tpu.memory_space<vmem>>, vector<16xf32>,
      %select_n3A_2277 = arith.select %le3A_297, %add3A_1074, %broadcast_in_dim3A_3 : vector<16xi1>, vector<16xf32>
      %add3A_2278 = arith.addf %get3A_2276, %select_n3A_2277 : vector<16xf32>
      %select_n3A_2279 = arith.select %le3A_1085, %add3A_1874, %broadcast_in_dim3A_3 : vector<16xi1>, vector<16xf32>
      %add3A_2280 = arith.addf %add3A_2278, %select_n3A_2279 : vector<16xf32>
      %swap3A_2281 = arith.constant 12 : i32
      %swap3A_2282 = arith.index_cast %swap3A_2281 : i32 to index
      %swap3A_2283 = arith.constant 0 : index
      %swap3A_2284 = tpu.vector_load %arg10[%swap3A_2282, %swap3A_2283] {strides = array<i32>} : memref<16x16xf32, #tpu.memory_space<vmem>>, vector<16xf32>,
      tpu.vector_store %arg10[%swap3A_2282, %swap3A_2283], %add3A_2280 {strides = array<i32>} : memref<16x16xf32, #tpu.memory_space<vmem>>, vector<16xf32>,
      %get3A_2285 = arith.constant 13 : i32
      %get3A_2286 = arith.index_cast %get3A_2285 : i32 to index
      %get3A_2287 = arith.constant 0 : index
      %get3A_2288 = tpu.vector_load %arg10[%get3A_2286, %get3A_2287] {strides = array<i32>} : memref<16x16xf32, #tpu.memory_space<vmem>>, vector<16xf32>,
      %select_n3A_2289 = arith.select %le3A_297, %add3A_5, %broadcast_in_dim3A_3 : vector<16xi1>, vector<16xf32>
      %add3A_2290 = arith.addf %get3A_2288, %select_n3A_2289 : vector<16xf32>
      %select_n3A_2291 = arith.select %le3A_1085, %add3A_5, %broadcast_in_dim3A_3 : vector<16xi1>, vector<16xf32>
      %add3A_2292 = arith.addf %add3A_2290, %select_n3A_2291 : vector<16xf32>
      %swap3A_2293 = arith.constant 13 : i32
      %swap3A_2294 = arith.index_cast %swap3A_2293 : i32 to index
      %swap3A_2295 = arith.constant 0 : index
      %swap3A_2296 = tpu.vector_load %arg10[%swap3A_2294, %swap3A_2295] {strides = array<i32>} : memref<16x16xf32, #tpu.memory_space<vmem>>, vector<16xf32>,
      tpu.vector_store %arg10[%swap3A_2294, %swap3A_2295], %add3A_2292 {strides = array<i32>} : memref<16x16xf32, #tpu.memory_space<vmem>>, vector<16xf32>,
      %get3A_2297 = arith.constant 14 : i32
      %get3A_2298 = arith.index_cast %get3A_2297 : i32 to index
      %get3A_2299 = arith.constant 0 : index
      %get3A_2300 = tpu.vector_load %arg10[%get3A_2298, %get3A_2299] {strides = array<i32>} : memref<16x16xf32, #tpu.memory_space<vmem>>, vector<16xf32>,
      %select_n3A_2301 = arith.select %not3A_298, %add3A_5, %broadcast_in_dim3A_3 : vector<16xi1>, vector<16xf32>
      %add3A_2302 = arith.addf %get3A_2300, %select_n3A_2301 : vector<16xf32>
      %select_n3A_2303 = arith.select %not3A_1087, %add3A_5, %broadcast_in_dim3A_3 : vector<16xi1>, vector<16xf32>
      %add3A_2304 = arith.addf %add3A_2302, %select_n3A_2303 : vector<16xf32>
      %swap3A_2305 = arith.constant 14 : i32
      %swap3A_2306 = arith.index_cast %swap3A_2305 : i32 to index
      %swap3A_2307 = arith.constant 0 : index
      %swap3A_2308 = tpu.vector_load %arg10[%swap3A_2306, %swap3A_2307] {strides = array<i32>} : memref<16x16xf32, #tpu.memory_space<vmem>>, vector<16xf32>,
      tpu.vector_store %arg10[%swap3A_2306, %swap3A_2307], %add3A_2304 {strides = array<i32>} : memref<16x16xf32, #tpu.memory_space<vmem>>, vector<16xf32>,
    }
    %scan3A_73 = arith.constant 32 : i32
    %eq3A = arith.constant 1 : i32
    %eq3A_74 = vector.broadcast %eq3A : i32 to vector<16xi32>
    %eq3A_75 = arith.cmpi eq, %iota3A, %eq3A_74 : vector<16xi32>
    %get3A = arith.constant 0 : i32
    %get3A_76 = arith.index_cast %get3A : i32 to index
    %get3A_77 = arith.constant 0 : index
    %get3A_78 = tpu.vector_load %arg10[%get3A_76, %get3A_77] {strides = array<i32>} : memref<16x16xf32, #tpu.memory_space<vmem>>, vector<16xf32>,
    %reduce_sum3A = arith.constant true
    %reduce_sum3A_79 = vector.broadcast %reduce_sum3A : i1 to vector<16xi1>
    %reduce_sum3A_80 = tpu.scan <sum>, %get3A_78 masked %reduce_sum3A_79 : vector<16xf32>, vector<16xi1> -> vector<16xf32>
    %reduce_sum3A_81 = vector.extract %reduce_sum3A_80[15] : f32 from vector<16xf32>
    %add3A_82 = vector.broadcast %reduce_sum3A_81 : f32 to vector<16xf32>
    %add3A_83 = arith.addf %broadcast_in_dim3A_3, %add3A_82 : vector<16xf32>
    %select_n3A = arith.select %eq3A_75, %add3A_83, %broadcast_in_dim3A_3 : vector<16xi1>, vector<16xf32>
    %eq3A_84 = arith.constant 2 : i32
    %eq3A_85 = vector.broadcast %eq3A_84 : i32 to vector<16xi32>
    %eq3A_86 = arith.cmpi eq, %iota3A, %eq3A_85 : vector<16xi32>
    %get3A_87 = arith.constant 1 : i32
    %get3A_88 = arith.index_cast %get3A_87 : i32 to index
    %get3A_89 = arith.constant 0 : index
    %get3A_90 = tpu.vector_load %arg10[%get3A_88, %get3A_89] {strides = array<i32>} : memref<16x16xf32, #tpu.memory_space<vmem>>, vector<16xf32>,
    %reduce_sum3A_91 = arith.constant true
    %reduce_sum3A_92 = vector.broadcast %reduce_sum3A_91 : i1 to vector<16xi1>
    %reduce_sum3A_93 = tpu.scan <sum>, %get3A_90 masked %reduce_sum3A_92 : vector<16xf32>, vector<16xi1> -> vector<16xf32>
    %reduce_sum3A_94 = vector.extract %reduce_sum3A_93[15] : f32 from vector<16xf32>
    %add3A_95 = vector.broadcast %reduce_sum3A_94 : f32 to vector<16xf32>
    %add3A_96 = arith.addf %broadcast_in_dim3A_3, %add3A_95 : vector<16xf32>
    %select_n3A_97 = arith.select %eq3A_86, %add3A_96, %select_n3A : vector<16xi1>, vector<16xf32>
    %eq3A_98 = arith.constant 3 : i32
    %eq3A_99 = vector.broadcast %eq3A_98 : i32 to vector<16xi32>
    %eq3A_100 = arith.cmpi eq, %iota3A, %eq3A_99 : vector<16xi32>
    %get3A_101 = arith.constant 2 : i32
    %get3A_102 = arith.index_cast %get3A_101 : i32 to index
    %get3A_103 = arith.constant 0 : index
    %get3A_104 = tpu.vector_load %arg10[%get3A_102, %get3A_103] {strides = array<i32>} : memref<16x16xf32, #tpu.memory_space<vmem>>, vector<16xf32>,
    %reduce_sum3A_105 = arith.constant true
    %reduce_sum3A_106 = vector.broadcast %reduce_sum3A_105 : i1 to vector<16xi1>
    %reduce_sum3A_107 = tpu.scan <sum>, %get3A_104 masked %reduce_sum3A_106 : vector<16xf32>, vector<16xi1> -> vector<16xf32>
    %reduce_sum3A_108 = vector.extract %reduce_sum3A_107[15] : f32 from vector<16xf32>
    %add3A_109 = vector.broadcast %reduce_sum3A_108 : f32 to vector<16xf32>
    %add3A_110 = arith.addf %broadcast_in_dim3A_3, %add3A_109 : vector<16xf32>
    %select_n3A_111 = arith.select %eq3A_100, %add3A_110, %select_n3A_97 : vector<16xi1>, vector<16xf32>
    %eq3A_112 = arith.constant 4 : i32
    %eq3A_113 = vector.broadcast %eq3A_112 : i32 to vector<16xi32>
    %eq3A_114 = arith.cmpi eq, %iota3A, %eq3A_113 : vector<16xi32>
    %get3A_115 = arith.constant 3 : i32
    %get3A_116 = arith.index_cast %get3A_115 : i32 to index
    %get3A_117 = arith.constant 0 : index
    %get3A_118 = tpu.vector_load %arg10[%get3A_116, %get3A_117] {strides = array<i32>} : memref<16x16xf32, #tpu.memory_space<vmem>>, vector<16xf32>,
    %reduce_sum3A_119 = arith.constant true
    %reduce_sum3A_120 = vector.broadcast %reduce_sum3A_119 : i1 to vector<16xi1>
    %reduce_sum3A_121 = tpu.scan <sum>, %get3A_118 masked %reduce_sum3A_120 : vector<16xf32>, vector<16xi1> -> vector<16xf32>
    %reduce_sum3A_122 = vector.extract %reduce_sum3A_121[15] : f32 from vector<16xf32>
    %add3A_123 = vector.broadcast %reduce_sum3A_122 : f32 to vector<16xf32>
    %add3A_124 = arith.addf %broadcast_in_dim3A_3, %add3A_123 : vector<16xf32>
    %select_n3A_125 = arith.select %eq3A_114, %add3A_124, %select_n3A_111 : vector<16xi1>, vector<16xf32>
    %eq3A_126 = arith.constant 5 : i32
    %eq3A_127 = vector.broadcast %eq3A_126 : i32 to vector<16xi32>
    %eq3A_128 = arith.cmpi eq, %iota3A, %eq3A_127 : vector<16xi32>
    %get3A_129 = arith.constant 4 : i32
    %get3A_130 = arith.index_cast %get3A_129 : i32 to index
    %get3A_131 = arith.constant 0 : index
    %get3A_132 = tpu.vector_load %arg10[%get3A_130, %get3A_131] {strides = array<i32>} : memref<16x16xf32, #tpu.memory_space<vmem>>, vector<16xf32>,
    %reduce_sum3A_133 = arith.constant true
    %reduce_sum3A_134 = vector.broadcast %reduce_sum3A_133 : i1 to vector<16xi1>
    %reduce_sum3A_135 = tpu.scan <sum>, %get3A_132 masked %reduce_sum3A_134 : vector<16xf32>, vector<16xi1> -> vector<16xf32>
    %reduce_sum3A_136 = vector.extract %reduce_sum3A_135[15] : f32 from vector<16xf32>
    %add3A_137 = vector.broadcast %reduce_sum3A_136 : f32 to vector<16xf32>
    %add3A_138 = arith.addf %broadcast_in_dim3A_3, %add3A_137 : vector<16xf32>
    %select_n3A_139 = arith.select %eq3A_128, %add3A_138, %select_n3A_125 : vector<16xi1>, vector<16xf32>
    %eq3A_140 = arith.constant 6 : i32
    %eq3A_141 = vector.broadcast %eq3A_140 : i32 to vector<16xi32>
    %eq3A_142 = arith.cmpi eq, %iota3A, %eq3A_141 : vector<16xi32>
    %get3A_143 = arith.constant 5 : i32
    %get3A_144 = arith.index_cast %get3A_143 : i32 to index
    %get3A_145 = arith.constant 0 : index
    %get3A_146 = tpu.vector_load %arg10[%get3A_144, %get3A_145] {strides = array<i32>} : memref<16x16xf32, #tpu.memory_space<vmem>>, vector<16xf32>,
    %reduce_sum3A_147 = arith.constant true
    %reduce_sum3A_148 = vector.broadcast %reduce_sum3A_147 : i1 to vector<16xi1>
    %reduce_sum3A_149 = tpu.scan <sum>, %get3A_146 masked %reduce_sum3A_148 : vector<16xf32>, vector<16xi1> -> vector<16xf32>
    %reduce_sum3A_150 = vector.extract %reduce_sum3A_149[15] : f32 from vector<16xf32>
    %add3A_151 = vector.broadcast %reduce_sum3A_150 : f32 to vector<16xf32>
    %add3A_152 = arith.addf %broadcast_in_dim3A_3, %add3A_151 : vector<16xf32>
    %select_n3A_153 = arith.select %eq3A_142, %add3A_152, %select_n3A_139 : vector<16xi1>, vector<16xf32>
    %eq3A_154 = arith.constant 7 : i32
    %eq3A_155 = vector.broadcast %eq3A_154 : i32 to vector<16xi32>
    %eq3A_156 = arith.cmpi eq, %iota3A, %eq3A_155 : vector<16xi32>
    %get3A_157 = arith.constant 6 : i32
    %get3A_158 = arith.index_cast %get3A_157 : i32 to index
    %get3A_159 = arith.constant 0 : index
    %get3A_160 = tpu.vector_load %arg10[%get3A_158, %get3A_159] {strides = array<i32>} : memref<16x16xf32, #tpu.memory_space<vmem>>, vector<16xf32>,
    %reduce_sum3A_161 = arith.constant true
    %reduce_sum3A_162 = vector.broadcast %reduce_sum3A_161 : i1 to vector<16xi1>
    %reduce_sum3A_163 = tpu.scan <sum>, %get3A_160 masked %reduce_sum3A_162 : vector<16xf32>, vector<16xi1> -> vector<16xf32>
    %reduce_sum3A_164 = vector.extract %reduce_sum3A_163[15] : f32 from vector<16xf32>
    %add3A_165 = vector.broadcast %reduce_sum3A_164 : f32 to vector<16xf32>
    %add3A_166 = arith.addf %broadcast_in_dim3A_3, %add3A_165 : vector<16xf32>
    %select_n3A_167 = arith.select %eq3A_156, %add3A_166, %select_n3A_153 : vector<16xi1>, vector<16xf32>
    %eq3A_168 = arith.constant 8 : i32
    %eq3A_169 = vector.broadcast %eq3A_168 : i32 to vector<16xi32>
    %eq3A_170 = arith.cmpi eq, %iota3A, %eq3A_169 : vector<16xi32>
    %get3A_171 = arith.constant 7 : i32
    %get3A_172 = arith.index_cast %get3A_171 : i32 to index
    %get3A_173 = arith.constant 0 : index
    %get3A_174 = tpu.vector_load %arg10[%get3A_172, %get3A_173] {strides = array<i32>} : memref<16x16xf32, #tpu.memory_space<vmem>>, vector<16xf32>,
    %reduce_sum3A_175 = arith.constant true
    %reduce_sum3A_176 = vector.broadcast %reduce_sum3A_175 : i1 to vector<16xi1>
    %reduce_sum3A_177 = tpu.scan <sum>, %get3A_174 masked %reduce_sum3A_176 : vector<16xf32>, vector<16xi1> -> vector<16xf32>
    %reduce_sum3A_178 = vector.extract %reduce_sum3A_177[15] : f32 from vector<16xf32>
    %add3A_179 = vector.broadcast %reduce_sum3A_178 : f32 to vector<16xf32>
    %add3A_180 = arith.addf %broadcast_in_dim3A_3, %add3A_179 : vector<16xf32>
    %select_n3A_181 = arith.select %eq3A_170, %add3A_180, %select_n3A_167 : vector<16xi1>, vector<16xf32>
    %eq3A_182 = arith.constant 9 : i32
    %eq3A_183 = vector.broadcast %eq3A_182 : i32 to vector<16xi32>
    %eq3A_184 = arith.cmpi eq, %iota3A, %eq3A_183 : vector<16xi32>
    %get3A_185 = arith.constant 8 : i32
    %get3A_186 = arith.index_cast %get3A_185 : i32 to index
    %get3A_187 = arith.constant 0 : index
    %get3A_188 = tpu.vector_load %arg10[%get3A_186, %get3A_187] {strides = array<i32>} : memref<16x16xf32, #tpu.memory_space<vmem>>, vector<16xf32>,
    %reduce_sum3A_189 = arith.constant true
    %reduce_sum3A_190 = vector.broadcast %reduce_sum3A_189 : i1 to vector<16xi1>
    %reduce_sum3A_191 = tpu.scan <sum>, %get3A_188 masked %reduce_sum3A_190 : vector<16xf32>, vector<16xi1> -> vector<16xf32>
    %reduce_sum3A_192 = vector.extract %reduce_sum3A_191[15] : f32 from vector<16xf32>
    %add3A_193 = vector.broadcast %reduce_sum3A_192 : f32 to vector<16xf32>
    %add3A_194 = arith.addf %broadcast_in_dim3A_3, %add3A_193 : vector<16xf32>
    %select_n3A_195 = arith.select %eq3A_184, %add3A_194, %select_n3A_181 : vector<16xi1>, vector<16xf32>
    %eq3A_196 = arith.constant 10 : i32
    %eq3A_197 = vector.broadcast %eq3A_196 : i32 to vector<16xi32>
    %eq3A_198 = arith.cmpi eq, %iota3A, %eq3A_197 : vector<16xi32>
    %get3A_199 = arith.constant 9 : i32
    %get3A_200 = arith.index_cast %get3A_199 : i32 to index
    %get3A_201 = arith.constant 0 : index
    %get3A_202 = tpu.vector_load %arg10[%get3A_200, %get3A_201] {strides = array<i32>} : memref<16x16xf32, #tpu.memory_space<vmem>>, vector<16xf32>,
    %reduce_sum3A_203 = arith.constant true
    %reduce_sum3A_204 = vector.broadcast %reduce_sum3A_203 : i1 to vector<16xi1>
    %reduce_sum3A_205 = tpu.scan <sum>, %get3A_202 masked %reduce_sum3A_204 : vector<16xf32>, vector<16xi1> -> vector<16xf32>
    %reduce_sum3A_206 = vector.extract %reduce_sum3A_205[15] : f32 from vector<16xf32>
    %add3A_207 = vector.broadcast %reduce_sum3A_206 : f32 to vector<16xf32>
    %add3A_208 = arith.addf %broadcast_in_dim3A_3, %add3A_207 : vector<16xf32>
    %select_n3A_209 = arith.select %eq3A_198, %add3A_208, %select_n3A_195 : vector<16xi1>, vector<16xf32>
    %eq3A_210 = arith.constant 11 : i32
    %eq3A_211 = vector.broadcast %eq3A_210 : i32 to vector<16xi32>
    %eq3A_212 = arith.cmpi eq, %iota3A, %eq3A_211 : vector<16xi32>
    %get3A_213 = arith.constant 10 : i32
    %get3A_214 = arith.index_cast %get3A_213 : i32 to index
    %get3A_215 = arith.constant 0 : index
    %get3A_216 = tpu.vector_load %arg10[%get3A_214, %get3A_215] {strides = array<i32>} : memref<16x16xf32, #tpu.memory_space<vmem>>, vector<16xf32>,
    %reduce_sum3A_217 = arith.constant true
    %reduce_sum3A_218 = vector.broadcast %reduce_sum3A_217 : i1 to vector<16xi1>
    %reduce_sum3A_219 = tpu.scan <sum>, %get3A_216 masked %reduce_sum3A_218 : vector<16xf32>, vector<16xi1> -> vector<16xf32>
    %reduce_sum3A_220 = vector.extract %reduce_sum3A_219[15] : f32 from vector<16xf32>
    %add3A_221 = vector.broadcast %reduce_sum3A_220 : f32 to vector<16xf32>
    %add3A_222 = arith.addf %broadcast_in_dim3A_3, %add3A_221 : vector<16xf32>
    %select_n3A_223 = arith.select %eq3A_212, %add3A_222, %select_n3A_209 : vector<16xi1>, vector<16xf32>
    %eq3A_224 = arith.constant 12 : i32
    %eq3A_225 = vector.broadcast %eq3A_224 : i32 to vector<16xi32>
    %eq3A_226 = arith.cmpi eq, %iota3A, %eq3A_225 : vector<16xi32>
    %get3A_227 = arith.constant 11 : i32
    %get3A_228 = arith.index_cast %get3A_227 : i32 to index
    %get3A_229 = arith.constant 0 : index
    %get3A_230 = tpu.vector_load %arg10[%get3A_228, %get3A_229] {strides = array<i32>} : memref<16x16xf32, #tpu.memory_space<vmem>>, vector<16xf32>,
    %reduce_sum3A_231 = arith.constant true
    %reduce_sum3A_232 = vector.broadcast %reduce_sum3A_231 : i1 to vector<16xi1>
    %reduce_sum3A_233 = tpu.scan <sum>, %get3A_230 masked %reduce_sum3A_232 : vector<16xf32>, vector<16xi1> -> vector<16xf32>
    %reduce_sum3A_234 = vector.extract %reduce_sum3A_233[15] : f32 from vector<16xf32>
    %add3A_235 = vector.broadcast %reduce_sum3A_234 : f32 to vector<16xf32>
    %add3A_236 = arith.addf %broadcast_in_dim3A_3, %add3A_235 : vector<16xf32>
    %select_n3A_237 = arith.select %eq3A_226, %add3A_236, %select_n3A_223 : vector<16xi1>, vector<16xf32>
    %eq3A_238 = arith.constant 13 : i32
    %eq3A_239 = vector.broadcast %eq3A_238 : i32 to vector<16xi32>
    %eq3A_240 = arith.cmpi eq, %iota3A, %eq3A_239 : vector<16xi32>
    %get3A_241 = arith.constant 12 : i32
    %get3A_242 = arith.index_cast %get3A_241 : i32 to index
    %get3A_243 = arith.constant 0 : index
    %get3A_244 = tpu.vector_load %arg10[%get3A_242, %get3A_243] {strides = array<i32>} : memref<16x16xf32, #tpu.memory_space<vmem>>, vector<16xf32>,
    %reduce_sum3A_245 = arith.constant true
    %reduce_sum3A_246 = vector.broadcast %reduce_sum3A_245 : i1 to vector<16xi1>
    %reduce_sum3A_247 = tpu.scan <sum>, %get3A_244 masked %reduce_sum3A_246 : vector<16xf32>, vector<16xi1> -> vector<16xf32>
    %reduce_sum3A_248 = vector.extract %reduce_sum3A_247[15] : f32 from vector<16xf32>
    %add3A_249 = vector.broadcast %reduce_sum3A_248 : f32 to vector<16xf32>
    %add3A_250 = arith.addf %broadcast_in_dim3A_3, %add3A_249 : vector<16xf32>
    %select_n3A_251 = arith.select %eq3A_240, %add3A_250, %select_n3A_237 : vector<16xi1>, vector<16xf32>
    %eq3A_252 = arith.constant 14 : i32
    %eq3A_253 = vector.broadcast %eq3A_252 : i32 to vector<16xi32>
    %eq3A_254 = arith.cmpi eq, %iota3A, %eq3A_253 : vector<16xi32>
    %get3A_255 = arith.constant 13 : i32
    %get3A_256 = arith.index_cast %get3A_255 : i32 to index
    %get3A_257 = arith.constant 0 : index
    %get3A_258 = tpu.vector_load %arg10[%get3A_256, %get3A_257] {strides = array<i32>} : memref<16x16xf32, #tpu.memory_space<vmem>>, vector<16xf32>,
    %reduce_sum3A_259 = arith.constant true
    %reduce_sum3A_260 = vector.broadcast %reduce_sum3A_259 : i1 to vector<16xi1>
    %reduce_sum3A_261 = tpu.scan <sum>, %get3A_258 masked %reduce_sum3A_260 : vector<16xf32>, vector<16xi1> -> vector<16xf32>
    %reduce_sum3A_262 = vector.extract %reduce_sum3A_261[15] : f32 from vector<16xf32>
    %add3A_263 = vector.broadcast %reduce_sum3A_262 : f32 to vector<16xf32>
    %add3A_264 = arith.addf %broadcast_in_dim3A_3, %add3A_263 : vector<16xf32>
    %select_n3A_265 = arith.select %eq3A_254, %add3A_264, %select_n3A_251 : vector<16xi1>, vector<16xf32>
    %eq3A_266 = arith.constant 15 : i32
    %eq3A_267 = vector.broadcast %eq3A_266 : i32 to vector<16xi32>
    %eq3A_268 = arith.cmpi eq, %iota3A, %eq3A_267 : vector<16xi32>
    %get3A_269 = arith.constant 14 : i32
    %get3A_270 = arith.index_cast %get3A_269 : i32 to index
    %get3A_271 = arith.constant 0 : index
    %get3A_272 = tpu.vector_load %arg10[%get3A_270, %get3A_271] {strides = array<i32>} : memref<16x16xf32, #tpu.memory_space<vmem>>, vector<16xf32>,
    %reduce_sum3A_273 = arith.constant true
    %reduce_sum3A_274 = vector.broadcast %reduce_sum3A_273 : i1 to vector<16xi1>
    %reduce_sum3A_275 = tpu.scan <sum>, %get3A_272 masked %reduce_sum3A_274 : vector<16xf32>, vector<16xi1> -> vector<16xf32>
    %reduce_sum3A_276 = vector.extract %reduce_sum3A_275[15] : f32 from vector<16xf32>
    %add3A_277 = vector.broadcast %reduce_sum3A_276 : f32 to vector<16xf32>
    %add3A_278 = arith.addf %broadcast_in_dim3A_3, %add3A_277 : vector<16xf32>
    %select_n3A_279 = arith.select %eq3A_268, %add3A_278, %select_n3A_265 : vector<16xi1>, vector<16xf32>
    %swap3A_280 = arith.constant 0 : i32
    %swap3A_281 = arith.index_cast %swap3A_280 : i32 to index
    %swap3A_282 = arith.constant 0 : index
    %swap3A_283 = tpu.vector_load %arg10[%swap3A_281, %swap3A_282] {strides = array<i32>} : memref<16x16xf32, #tpu.memory_space<vmem>>, vector<16xf32>,
    tpu.vector_store %arg10[%swap3A_281, %swap3A_282], %select_n3A_279 {strides = array<i32>} : memref<16x16xf32, #tpu.memory_space<vmem>>, vector<16xf32>,
    %run_scoped3A = arith.constant 0 : i32
    "tpu.region"() ({
      %run_scoped3A_287 = tpu.sem_alloc : memref<!tpu.dma_semaphore, #tpu.memory_space<semaphore_mem>>
      %dma_start3A = arith.constant 0 : i32
      %dma_start3A_288 = tpu.memref_slice %arg10[%run_scoped3A, %dma_start3A] : memref<16x16xf32, #tpu.memory_space<vmem>> -> memref<1x16xf32, #tpu.memory_space<vmem>>
      %dma_start3A_289 = tpu.memref_squeeze %dma_start3A_288 : memref<1x16xf32, #tpu.memory_space<vmem>> -> memref<16xf32, #tpu.memory_space<vmem>>
      %dma_start3A_290 = arith.constant 0 : i32
      %dma_start3A_291 = tpu.memref_slice %arg6[%arg1, %dma_start3A_290] : memref<16x16xf32, #tpu.memory_space<hbm>> -> memref<1x16xf32, #tpu.memory_space<hbm>>
      %dma_start3A_292 = tpu.memref_squeeze %dma_start3A_291 : memref<1x16xf32, #tpu.memory_space<hbm>> -> memref<16xf32, #tpu.memory_space<hbm>>
      %dma_start3A_293 = arith.constant 0 : i32
      %dma_start3A_294 = tpu.memref_slice %arg6[%arg1, %dma_start3A_293] : memref<16x16xf32, #tpu.memory_space<hbm>> -> memref<1x16xf32, #tpu.memory_space<hbm>>
      %dma_start3A_295 = tpu.memref_squeeze %dma_start3A_294 : memref<1x16xf32, #tpu.memory_space<hbm>> -> memref<16xf32, #tpu.memory_space<hbm>>
      %dma_start3A_296 = arith.constant 0 : i32
      %dma_start3A_297 = tpu.memref_slice %arg10[%run_scoped3A, %dma_start3A_296] : memref<16x16xf32, #tpu.memory_space<vmem>> -> memref<1x16xf32, #tpu.memory_space<vmem>>
      %dma_start3A_298 = tpu.memref_squeeze %dma_start3A_297 : memref<1x16xf32, #tpu.memory_space<vmem>> -> memref<16xf32, #tpu.memory_space<vmem>>
      tpu.enqueue_dma source(%dma_start3A_298 : memref<16xf32, #tpu.memory_space<vmem>>) target(%dma_start3A_295 : memref<16xf32, #tpu.memory_space<hbm>>) target_semaphore(%run_scoped3A_287 : memref<!tpu.dma_semaphore, #tpu.memory_space<semaphore_mem>>)
      %dma_wait3A = arith.constant 0 : i32
      %dma_wait3A_299 = tpu.memref_slice %arg10[%run_scoped3A, %dma_wait3A] : memref<16x16xf32, #tpu.memory_space<vmem>> -> memref<1x16xf32, #tpu.memory_space<vmem>>
      %dma_wait3A_300 = tpu.memref_squeeze %dma_wait3A_299 : memref<1x16xf32, #tpu.memory_space<vmem>> -> memref<16xf32, #tpu.memory_space<vmem>>
      %dma_wait3A_301 = arith.constant 0 : i32
      %dma_wait3A_302 = tpu.memref_slice %arg6[%arg1, %dma_wait3A_301] : memref<16x16xf32, #tpu.memory_space<hbm>> -> memref<1x16xf32, #tpu.memory_space<hbm>>
      %dma_wait3A_303 = tpu.memref_squeeze %dma_wait3A_302 : memref<1x16xf32, #tpu.memory_space<hbm>> -> memref<16xf32, #tpu.memory_space<hbm>>
      %dma_wait3A_304 = arith.constant 0 : i32
      %dma_wait3A_305 = tpu.memref_slice %arg6[%arg1, %dma_wait3A_304] : memref<16x16xf32, #tpu.memory_space<hbm>> -> memref<1x16xf32, #tpu.memory_space<hbm>>
      %dma_wait3A_306 = tpu.memref_squeeze %dma_wait3A_305 : memref<1x16xf32, #tpu.memory_space<hbm>> -> memref<16xf32, #tpu.memory_space<hbm>>
      %dma_wait3A_307 = arith.constant 0 : i32
      %dma_wait3A_308 = tpu.memref_slice %arg10[%run_scoped3A, %dma_wait3A_307] : memref<16x16xf32, #tpu.memory_space<vmem>> -> memref<1x16xf32, #tpu.memory_space<vmem>>
      %dma_wait3A_309 = tpu.memref_squeeze %dma_wait3A_308 : memref<1x16xf32, #tpu.memory_space<vmem>> -> memref<16xf32, #tpu.memory_space<vmem>>
      tpu.wait_dma2 semaphore(%run_scoped3A_287 : memref<!tpu.dma_semaphore, #tpu.memory_space<semaphore_mem>>) src(%dma_wait3A_309 : memref<16xf32, #tpu.memory_space<vmem>>) dst(%dma_wait3A_306 : memref<16xf32, #tpu.memory_space<hbm>>)
      tpu.yield
    }) : () -> ()
    %barrier3A = arith.constant 0 : index
    tpu.barrier barrier_id(%barrier3A)
    %eq3A_284 = arith.constant 0 : i32
    %eq3A_285 = arith.cmpi eq, %arg1, %eq3A_284 : i32
    %convert_element_type3A = arith.extui %eq3A_285 : i1 to i32
    %cond3A = arith.constant 0 : i32
    %cond3A_286 = arith.cmpi ne, %convert_element_type3A, %cond3A : i32
    scf.if %cond3A_286 {
      "tpu.region"() ({
        %run_scoped3A_516 = tpu.sem_alloc : memref<!tpu.dma_semaphore, #tpu.memory_space<semaphore_mem>>
        tpu.enqueue_dma source(%arg6 : memref<16x16xf32, #tpu.memory_space<hbm>>) target(%arg11 : memref<16x16xf32, #tpu.memory_space<vmem>>) target_semaphore(%run_scoped3A_516 : memref<!tpu.dma_semaphore, #tpu.memory_space<semaphore_mem>>)
        tpu.wait_dma2 semaphore(%run_scoped3A_516 : memref<!tpu.dma_semaphore, #tpu.memory_space<semaphore_mem>>) src(%arg6 : memref<16x16xf32, #tpu.memory_space<hbm>>) dst(%arg11 : memref<16x16xf32, #tpu.memory_space<vmem>>)
        tpu.yield
      }) : () -> ()
      %get3A_287 = arith.constant 0 : i32
      %get3A_288 = arith.index_cast %get3A_287 : i32 to index
      %get3A_289 = arith.constant 0 : index
      %get3A_290 = tpu.vector_load %arg11[%get3A_288, %get3A_289] {strides = array<i32>} : memref<16x16xf32, #tpu.memory_space<vmem>>, vector<16xf32>,
      %get3A_291 = arith.constant 1 : i32
      %get3A_292 = arith.index_cast %get3A_291 : i32 to index
      %get3A_293 = arith.constant 0 : index
      %get3A_294 = tpu.vector_load %arg11[%get3A_292, %get3A_293] {strides = array<i32>} : memref<16x16xf32, #tpu.memory_space<vmem>>, vector<16xf32>,
      %add3A_295 = arith.addf %get3A_290, %get3A_294 : vector<16xf32>
      %get3A_296 = arith.constant 2 : i32
      %get3A_297 = arith.index_cast %get3A_296 : i32 to index
      %get3A_298 = arith.constant 0 : index
      %get3A_299 = tpu.vector_load %arg11[%get3A_297, %get3A_298] {strides = array<i32>} : memref<16x16xf32, #tpu.memory_space<vmem>>, vector<16xf32>,
      %add3A_300 = arith.addf %add3A_295, %get3A_299 : vector<16xf32>
      %get3A_301 = arith.constant 3 : i32
      %get3A_302 = arith.index_cast %get3A_301 : i32 to index
      %get3A_303 = arith.constant 0 : index
      %get3A_304 = tpu.vector_load %arg11[%get3A_302, %get3A_303] {strides = array<i32>} : memref<16x16xf32, #tpu.memory_space<vmem>>, vector<16xf32>,
      %add3A_305 = arith.addf %add3A_300, %get3A_304 : vector<16xf32>
      %get3A_306 = arith.constant 4 : i32
      %get3A_307 = arith.index_cast %get3A_306 : i32 to index
      %get3A_308 = arith.constant 0 : index
      %get3A_309 = tpu.vector_load %arg11[%get3A_307, %get3A_308] {strides = array<i32>} : memref<16x16xf32, #tpu.memory_space<vmem>>, vector<16xf32>,
      %add3A_310 = arith.addf %add3A_305, %get3A_309 : vector<16xf32>
      %get3A_311 = arith.constant 5 : i32
      %get3A_312 = arith.index_cast %get3A_311 : i32 to index
      %get3A_313 = arith.constant 0 : index
      %get3A_314 = tpu.vector_load %arg11[%get3A_312, %get3A_313] {strides = array<i32>} : memref<16x16xf32, #tpu.memory_space<vmem>>, vector<16xf32>,
      %add3A_315 = arith.addf %add3A_310, %get3A_314 : vector<16xf32>
      %get3A_316 = arith.constant 6 : i32
      %get3A_317 = arith.index_cast %get3A_316 : i32 to index
      %get3A_318 = arith.constant 0 : index
      %get3A_319 = tpu.vector_load %arg11[%get3A_317, %get3A_318] {strides = array<i32>} : memref<16x16xf32, #tpu.memory_space<vmem>>, vector<16xf32>,
      %add3A_320 = arith.addf %add3A_315, %get3A_319 : vector<16xf32>
      %get3A_321 = arith.constant 7 : i32
      %get3A_322 = arith.index_cast %get3A_321 : i32 to index
      %get3A_323 = arith.constant 0 : index
      %get3A_324 = tpu.vector_load %arg11[%get3A_322, %get3A_323] {strides = array<i32>} : memref<16x16xf32, #tpu.memory_space<vmem>>, vector<16xf32>,
      %add3A_325 = arith.addf %add3A_320, %get3A_324 : vector<16xf32>
      %get3A_326 = arith.constant 8 : i32
      %get3A_327 = arith.index_cast %get3A_326 : i32 to index
      %get3A_328 = arith.constant 0 : index
      %get3A_329 = tpu.vector_load %arg11[%get3A_327, %get3A_328] {strides = array<i32>} : memref<16x16xf32, #tpu.memory_space<vmem>>, vector<16xf32>,
      %add3A_330 = arith.addf %add3A_325, %get3A_329 : vector<16xf32>
      %get3A_331 = arith.constant 9 : i32
      %get3A_332 = arith.index_cast %get3A_331 : i32 to index
      %get3A_333 = arith.constant 0 : index
      %get3A_334 = tpu.vector_load %arg11[%get3A_332, %get3A_333] {strides = array<i32>} : memref<16x16xf32, #tpu.memory_space<vmem>>, vector<16xf32>,
      %add3A_335 = arith.addf %add3A_330, %get3A_334 : vector<16xf32>
      %get3A_336 = arith.constant 10 : i32
      %get3A_337 = arith.index_cast %get3A_336 : i32 to index
      %get3A_338 = arith.constant 0 : index
      %get3A_339 = tpu.vector_load %arg11[%get3A_337, %get3A_338] {strides = array<i32>} : memref<16x16xf32, #tpu.memory_space<vmem>>, vector<16xf32>,
      %add3A_340 = arith.addf %add3A_335, %get3A_339 : vector<16xf32>
      %get3A_341 = arith.constant 11 : i32
      %get3A_342 = arith.index_cast %get3A_341 : i32 to index
      %get3A_343 = arith.constant 0 : index
      %get3A_344 = tpu.vector_load %arg11[%get3A_342, %get3A_343] {strides = array<i32>} : memref<16x16xf32, #tpu.memory_space<vmem>>, vector<16xf32>,
      %add3A_345 = arith.addf %add3A_340, %get3A_344 : vector<16xf32>
      %get3A_346 = arith.constant 12 : i32
      %get3A_347 = arith.index_cast %get3A_346 : i32 to index
      %get3A_348 = arith.constant 0 : index
      %get3A_349 = tpu.vector_load %arg11[%get3A_347, %get3A_348] {strides = array<i32>} : memref<16x16xf32, #tpu.memory_space<vmem>>, vector<16xf32>,
      %add3A_350 = arith.addf %add3A_345, %get3A_349 : vector<16xf32>
      %get3A_351 = arith.constant 13 : i32
      %get3A_352 = arith.index_cast %get3A_351 : i32 to index
      %get3A_353 = arith.constant 0 : index
      %get3A_354 = tpu.vector_load %arg11[%get3A_352, %get3A_353] {strides = array<i32>} : memref<16x16xf32, #tpu.memory_space<vmem>>, vector<16xf32>,
      %add3A_355 = arith.addf %add3A_350, %get3A_354 : vector<16xf32>
      %get3A_356 = arith.constant 14 : i32
      %get3A_357 = arith.index_cast %get3A_356 : i32 to index
      %get3A_358 = arith.constant 0 : index
      %get3A_359 = tpu.vector_load %arg11[%get3A_357, %get3A_358] {strides = array<i32>} : memref<16x16xf32, #tpu.memory_space<vmem>>, vector<16xf32>,
      %add3A_360 = arith.addf %add3A_355, %get3A_359 : vector<16xf32>
      %get3A_361 = arith.constant 15 : i32
      %get3A_362 = arith.index_cast %get3A_361 : i32 to index
      %get3A_363 = arith.constant 0 : index
      %get3A_364 = tpu.vector_load %arg11[%get3A_362, %get3A_363] {strides = array<i32>} : memref<16x16xf32, #tpu.memory_space<vmem>>, vector<16xf32>,
      %add3A_365 = arith.addf %add3A_360, %get3A_364 : vector<16xf32>
      %swap3A_366 = arith.constant 0 : index
      %swap3A_367 = tpu.vector_load %arg12[%swap3A_366] {strides = array<i32>} : memref<16xf32, #tpu.memory_space<vmem>>, vector<16xf32>,
      tpu.vector_store %arg12[%swap3A_366], %add3A_365 {strides = array<i32>} : memref<16xf32, #tpu.memory_space<vmem>>, vector<16xf32>,
      %mul3A_368 = arith.constant 0 : i32
      %mul3A_369 = vector.broadcast %mul3A_368 : i32 to vector<16xi32>
      %mul3A_370 = arith.muli %iota3A, %mul3A_369 : vector<16xi32>
      %add3A_371 = arith.constant 1 : i32
      %add3A_372 = vector.broadcast %add3A_371 : i32 to vector<16xi32>
      %add3A_373 = arith.addi %mul3A_370, %add3A_372 : vector<16xi32>
      %gather3A = tpu.vector_load_idx %arg12[%add3A_373] : memref<16xf32, #tpu.memory_space<vmem>>[vector<16xi32>], vector<16xf32>,
      %mul3A_374 = arith.constant 0 : i32
      %mul3A_375 = vector.broadcast %mul3A_374 : i32 to vector<16xi32>
      %mul3A_376 = arith.muli %iota3A, %mul3A_375 : vector<16xi32>
      %add3A_377 = arith.constant 2 : i32
      %add3A_378 = vector.broadcast %add3A_377 : i32 to vector<16xi32>
      %add3A_379 = arith.addi %mul3A_376, %add3A_378 : vector<16xi32>
      %gather3A_380 = tpu.vector_load_idx %arg12[%add3A_379] : memref<16xf32, #tpu.memory_space<vmem>>[vector<16xi32>], vector<16xf32>,
      %mul3A_381 = arith.constant 0 : i32
      %mul3A_382 = vector.broadcast %mul3A_381 : i32 to vector<16xi32>
      %mul3A_383 = arith.muli %iota3A, %mul3A_382 : vector<16xi32>
      %add3A_384 = arith.constant 3 : i32
      %add3A_385 = vector.broadcast %add3A_384 : i32 to vector<16xi32>
      %add3A_386 = arith.addi %mul3A_383, %add3A_385 : vector<16xi32>
      %gather3A_387 = tpu.vector_load_idx %arg12[%add3A_386] : memref<16xf32, #tpu.memory_space<vmem>>[vector<16xi32>], vector<16xf32>,
      %mul3A_388 = arith.constant 0 : i32
      %mul3A_389 = vector.broadcast %mul3A_388 : i32 to vector<16xi32>
      %mul3A_390 = arith.muli %iota3A, %mul3A_389 : vector<16xi32>
      %add3A_391 = arith.constant 4 : i32
      %add3A_392 = vector.broadcast %add3A_391 : i32 to vector<16xi32>
      %add3A_393 = arith.addi %mul3A_390, %add3A_392 : vector<16xi32>
      %gather3A_394 = tpu.vector_load_idx %arg12[%add3A_393] : memref<16xf32, #tpu.memory_space<vmem>>[vector<16xi32>], vector<16xf32>,
      %mul3A_395 = arith.constant 0 : i32
      %mul3A_396 = vector.broadcast %mul3A_395 : i32 to vector<16xi32>
      %mul3A_397 = arith.muli %iota3A, %mul3A_396 : vector<16xi32>
      %add3A_398 = arith.constant 5 : i32
      %add3A_399 = vector.broadcast %add3A_398 : i32 to vector<16xi32>
      %add3A_400 = arith.addi %mul3A_397, %add3A_399 : vector<16xi32>
      %gather3A_401 = tpu.vector_load_idx %arg12[%add3A_400] : memref<16xf32, #tpu.memory_space<vmem>>[vector<16xi32>], vector<16xf32>,
      %mul3A_402 = arith.constant 0 : i32
      %mul3A_403 = vector.broadcast %mul3A_402 : i32 to vector<16xi32>
      %mul3A_404 = arith.muli %iota3A, %mul3A_403 : vector<16xi32>
      %add3A_405 = arith.constant 6 : i32
      %add3A_406 = vector.broadcast %add3A_405 : i32 to vector<16xi32>
      %add3A_407 = arith.addi %mul3A_404, %add3A_406 : vector<16xi32>
      %gather3A_408 = tpu.vector_load_idx %arg12[%add3A_407] : memref<16xf32, #tpu.memory_space<vmem>>[vector<16xi32>], vector<16xf32>,
      %mul3A_409 = arith.constant 0 : i32
      %mul3A_410 = vector.broadcast %mul3A_409 : i32 to vector<16xi32>
      %mul3A_411 = arith.muli %iota3A, %mul3A_410 : vector<16xi32>
      %add3A_412 = arith.constant 7 : i32
      %add3A_413 = vector.broadcast %add3A_412 : i32 to vector<16xi32>
      %add3A_414 = arith.addi %mul3A_411, %add3A_413 : vector<16xi32>
      %gather3A_415 = tpu.vector_load_idx %arg12[%add3A_414] : memref<16xf32, #tpu.memory_space<vmem>>[vector<16xi32>], vector<16xf32>,
      %mul3A_416 = arith.constant 0 : i32
      %mul3A_417 = vector.broadcast %mul3A_416 : i32 to vector<16xi32>
      %mul3A_418 = arith.muli %iota3A, %mul3A_417 : vector<16xi32>
      %add3A_419 = arith.constant 8 : i32
      %add3A_420 = vector.broadcast %add3A_419 : i32 to vector<16xi32>
      %add3A_421 = arith.addi %mul3A_418, %add3A_420 : vector<16xi32>
      %gather3A_422 = tpu.vector_load_idx %arg12[%add3A_421] : memref<16xf32, #tpu.memory_space<vmem>>[vector<16xi32>], vector<16xf32>,
      %mul3A_423 = arith.constant 0 : i32
      %mul3A_424 = vector.broadcast %mul3A_423 : i32 to vector<16xi32>
      %mul3A_425 = arith.muli %iota3A, %mul3A_424 : vector<16xi32>
      %add3A_426 = arith.constant 9 : i32
      %add3A_427 = vector.broadcast %add3A_426 : i32 to vector<16xi32>
      %add3A_428 = arith.addi %mul3A_425, %add3A_427 : vector<16xi32>
      %gather3A_429 = tpu.vector_load_idx %arg12[%add3A_428] : memref<16xf32, #tpu.memory_space<vmem>>[vector<16xi32>], vector<16xf32>,
      %mul3A_430 = arith.constant 0 : i32
      %mul3A_431 = vector.broadcast %mul3A_430 : i32 to vector<16xi32>
      %mul3A_432 = arith.muli %iota3A, %mul3A_431 : vector<16xi32>
      %add3A_433 = arith.constant 10 : i32
      %add3A_434 = vector.broadcast %add3A_433 : i32 to vector<16xi32>
      %add3A_435 = arith.addi %mul3A_432, %add3A_434 : vector<16xi32>
      %gather3A_436 = tpu.vector_load_idx %arg12[%add3A_435] : memref<16xf32, #tpu.memory_space<vmem>>[vector<16xi32>], vector<16xf32>,
      %mul3A_437 = arith.constant 0 : i32
      %mul3A_438 = vector.broadcast %mul3A_437 : i32 to vector<16xi32>
      %mul3A_439 = arith.muli %iota3A, %mul3A_438 : vector<16xi32>
      %add3A_440 = arith.constant 11 : i32
      %add3A_441 = vector.broadcast %add3A_440 : i32 to vector<16xi32>
      %add3A_442 = arith.addi %mul3A_439, %add3A_441 : vector<16xi32>
      %gather3A_443 = tpu.vector_load_idx %arg12[%add3A_442] : memref<16xf32, #tpu.memory_space<vmem>>[vector<16xi32>], vector<16xf32>,
      %mul3A_444 = arith.constant 0 : i32
      %mul3A_445 = vector.broadcast %mul3A_444 : i32 to vector<16xi32>
      %mul3A_446 = arith.muli %iota3A, %mul3A_445 : vector<16xi32>
      %add3A_447 = arith.constant 12 : i32
      %add3A_448 = vector.broadcast %add3A_447 : i32 to vector<16xi32>
      %add3A_449 = arith.addi %mul3A_446, %add3A_448 : vector<16xi32>
      %gather3A_450 = tpu.vector_load_idx %arg12[%add3A_449] : memref<16xf32, #tpu.memory_space<vmem>>[vector<16xi32>], vector<16xf32>,
      %mul3A_451 = arith.constant 0 : i32
      %mul3A_452 = vector.broadcast %mul3A_451 : i32 to vector<16xi32>
      %mul3A_453 = arith.muli %iota3A, %mul3A_452 : vector<16xi32>
      %add3A_454 = arith.constant 13 : i32
      %add3A_455 = vector.broadcast %add3A_454 : i32 to vector<16xi32>
      %add3A_456 = arith.addi %mul3A_453, %add3A_455 : vector<16xi32>
      %gather3A_457 = tpu.vector_load_idx %arg12[%add3A_456] : memref<16xf32, #tpu.memory_space<vmem>>[vector<16xi32>], vector<16xf32>,
      %mul3A_458 = arith.constant 0 : i32
      %mul3A_459 = vector.broadcast %mul3A_458 : i32 to vector<16xi32>
      %mul3A_460 = arith.muli %iota3A, %mul3A_459 : vector<16xi32>
      %add3A_461 = arith.constant 14 : i32
      %add3A_462 = vector.broadcast %add3A_461 : i32 to vector<16xi32>
      %add3A_463 = arith.addi %mul3A_460, %add3A_462 : vector<16xi32>
      %gather3A_464 = tpu.vector_load_idx %arg12[%add3A_463] : memref<16xf32, #tpu.memory_space<vmem>>[vector<16xi32>], vector<16xf32>,
      %mul3A_465 = arith.constant 0 : i32
      %mul3A_466 = vector.broadcast %mul3A_465 : i32 to vector<16xi32>
      %mul3A_467 = arith.muli %iota3A, %mul3A_466 : vector<16xi32>
      %add3A_468 = arith.constant 15 : i32
      %add3A_469 = vector.broadcast %add3A_468 : i32 to vector<16xi32>
      %add3A_470 = arith.addi %mul3A_467, %add3A_469 : vector<16xi32>
      %gather3A_471 = tpu.vector_load_idx %arg12[%add3A_470] : memref<16xf32, #tpu.memory_space<vmem>>[vector<16xi32>], vector<16xf32>,
      %get3A_472 = arith.constant 10 : i32
      %get3A_473 = arith.index_cast %get3A_472 : i32 to index
      %get3A_474 = arith.constant 0 : index
      %get3A_475 = tpu.vector_load %arg9[%get3A_473, %get3A_474] {strides = array<i32>} : memref<11x16xf32, #tpu.memory_space<vmem>>, vector<16xf32>,
      %max3A = arith.maximumf %gather3A_464, %add3A_5 : vector<16xf32>
      %max3A_476 = arith.maximumf %gather3A_471, %add3A_5 : vector<16xf32>
      %mul3A_477 = arith.constant 3.000000e+00 : f32
      %mul3A_478 = vector.broadcast %mul3A_477 : f32 to vector<16xf32>
      %mul3A_479 = arith.mulf %max3A_476, %mul3A_478 : vector<16xf32>
      %div3A = arith.divf %add3A_5, %mul3A_479 : vector<16xf32>
      %mul3A_480 = arith.constant 7.000000e+00 : f32
      %mul3A_481 = vector.broadcast %mul3A_480 : f32 to vector<16xf32>
      %mul3A_482 = arith.mulf %max3A, %mul3A_481 : vector<16xf32>
      %div3A_483 = arith.divf %get3A_475, %mul3A_482 : vector<16xf32>
      %mul3A_484 = arith.mulf %gather3A, %div3A : vector<16xf32>
      %add3A_485 = arith.addf %broadcast_in_dim3A_3, %mul3A_484 : vector<16xf32>
      %mul3A_486 = arith.mulf %gather3A_380, %div3A : vector<16xf32>
      %add3A_487 = arith.addf %add3A_485, %mul3A_486 : vector<16xf32>
      %mul3A_488 = arith.mulf %gather3A_387, %div3A : vector<16xf32>
      %add3A_489 = arith.addf %add3A_487, %mul3A_488 : vector<16xf32>
      %mul3A_490 = arith.mulf %gather3A_394, %div3A_483 : vector<16xf32>
      %add3A_491 = arith.addf %add3A_489, %mul3A_490 : vector<16xf32>
      %mul3A_492 = arith.mulf %gather3A_401, %div3A_483 : vector<16xf32>
      %add3A_493 = arith.addf %add3A_491, %mul3A_492 : vector<16xf32>
      %mul3A_494 = arith.mulf %gather3A_408, %div3A_483 : vector<16xf32>
      %add3A_495 = arith.addf %add3A_493, %mul3A_494 : vector<16xf32>
      %mul3A_496 = arith.mulf %gather3A_415, %div3A_483 : vector<16xf32>
      %add3A_497 = arith.addf %add3A_495, %mul3A_496 : vector<16xf32>
      %mul3A_498 = arith.mulf %gather3A_422, %div3A_483 : vector<16xf32>
      %add3A_499 = arith.addf %add3A_497, %mul3A_498 : vector<16xf32>
      %mul3A_500 = arith.mulf %gather3A_429, %div3A_483 : vector<16xf32>
      %add3A_501 = arith.addf %add3A_499, %mul3A_500 : vector<16xf32>
      %mul3A_502 = arith.mulf %gather3A_436, %div3A_483 : vector<16xf32>
      %add3A_503 = arith.addf %add3A_501, %mul3A_502 : vector<16xf32>
      %div3A_504 = arith.divf %gather3A_443, %max3A : vector<16xf32>
      %sub3A = arith.subf %add3A_503, %div3A_504 : vector<16xf32>
      %sub3A_505 = arith.subf %gather3A_457, %gather3A_450 : vector<16xf32>
      %div3A_506 = arith.divf %sub3A_505, %gather3A_464 : vector<16xf32>
      %eq3A_507 = arith.constant 1 : i32
      %eq3A_508 = vector.broadcast %eq3A_507 : i32 to vector<16xi32>
      %eq3A_509 = arith.cmpi eq, %iota3A, %eq3A_508 : vector<16xi32>
      %select_n3A_510 = arith.select %eq3A_509, %sub3A, %div3A_506 : vector<16xi1>, vector<16xf32>
      %ge3A = arith.constant 3 : i32
      %ge3A_511 = vector.broadcast %ge3A : i32 to vector<16xi32>
      %ge3A_512 = arith.cmpi sge, %iota3A, %ge3A_511 : vector<16xi32>
      %select_n3A_513 = arith.select %ge3A_512, %broadcast_in_dim3A_3, %select_n3A_510 : vector<16xi1>, vector<16xf32>
      %swap3A_514 = arith.constant 0 : index
      %swap3A_515 = tpu.vector_load %arg12[%swap3A_514] {strides = array<i32>} : memref<16xf32, #tpu.memory_space<vmem>>, vector<16xf32>,
      tpu.vector_store %arg12[%swap3A_514], %select_n3A_513 {strides = array<i32>} : memref<16xf32, #tpu.memory_space<vmem>>, vector<16xf32>,
      "tpu.region"() ({
        %run_scoped3A_516 = tpu.sem_alloc : memref<!tpu.dma_semaphore, #tpu.memory_space<semaphore_mem>>
        tpu.enqueue_dma source(%arg12 : memref<16xf32, #tpu.memory_space<vmem>>) target(%arg5 : memref<16xf32, #tpu.memory_space<hbm>>) target_semaphore(%run_scoped3A_516 : memref<!tpu.dma_semaphore, #tpu.memory_space<semaphore_mem>>)
        tpu.wait_dma2 semaphore(%run_scoped3A_516 : memref<!tpu.dma_semaphore, #tpu.memory_space<semaphore_mem>>) src(%arg12 : memref<16xf32, #tpu.memory_space<vmem>>) dst(%arg5 : memref<16xf32, #tpu.memory_space<hbm>>)
        tpu.yield
      }) : () -> ()
    } else {
    }
    return
  }
}

</mosaic_0001>

<sc_bundles>
// kernel: kernel.3.cloned.1.call-start
scs
__scs_entry_jumppad:
0x0: {  	(pc) =	sbr.rel $0x88, $3  }
0x1: {  	(tag) =	ssettag $0x0;
	lr =	simm.s32 $0x1  }
0x2: {  	[smem:$0x3F9D] =	sst lr;
	_ =	strace $0xD0000000  }
0x3: {  	_ = 	snop  }
0x4: {  	_ = 	snop  }
0x5: {  	_ = 	snop  }
0x6: {  	_ = 	snop  }
0x7: {  	_ = 	snop  }
__scs_overlays_trampoline_lowered:
0x8: {  	[smem:$0x3FAC] =	sst s0  }
0x9: {  	[smem:$0x3FAD] =	sst s1  }
0xa: {  	[smem:$0x3FAE] =	sst s2  }
0xb: {  	[smem:$0x3FAF] =	sst s3  }
0xc: {  	[smem:$0x3FB0] =	sst s4  }
0xd: {  	[smem:$0x3FB1] =	sst s5  }
0xe: {  	[smem:$0x3FB2] =	sst s6  }
0xf: {  	[smem:$0x3FB3] =	sst s7  }
0x10: {  	[smem:$0x3FB4] =	sst s8  }
0x11: {  	[smem:$0x3FB5] =	sst s9;
	s0 =	simm.s32 @!p0 $0x0  }
0x12: {  	s1 =	sld [smem:$0x3F9B];
	s0 =	simm.s32 @p0 $0x1  }
0x13: {  	[smem:$0x3FB6] =	sst s0;
	s0 =	simm.s32 @!p1 $0x0  }
0x14: {  	s2 =	sld [smem:$0x3F9A];
	s0 =	simm.s32 @p1 $0x1  }
0x15: {  	[smem:$0x3FB7] =	sst s0;
	s0 =	simm.s32 @!p2 $0x0  }
0x16: {  	s3 =	sld [smem:$0x3FDB];
	s0 =	simm.s32 @p2 $0x1  }
0x17: {  	s4 =	simm.s32 $0x1BF5;
	[smem:$0x3FB9] =	sst s0  }
0x18: {  	s0 =	sld [smem:$0x3F9C];
	_ =	swait.ge [sflag:s4], $0x0  }
0x19: {  	s7 =	sld [smem:$0x3F9D]  }
0x1a: {  	s8 =	sadd.s32 $0xFFFFE003, lr  }
0x1b: {  	s9 =	sadd.s32 $0xFFFFFEF7, lr;
	s5 =	simm.s32 $0xFFFFFFFF;
	p2 =	slt.u32 s8, $0xFFFFF086  }
0x1c: {  	p1 =	slt.u32 s9, $0xF7A;
	s5 =	simm.s32 @!p2 $0x0  }
0x1d: {  	s5 =	simm.s32 @p1 $0x1;
	p0 =	seq.s32 s7, s2  }
0x1e: {  	s7 =	smul.u32 @!p0 $0xF7A, s2;
	p2 =	seq.s32 @!p0 s5, $0x0  }
0x1f: {  	s9 =	smul.u32 $0xF7A, s1;
	s8 =	simm.s32 @!p0 $0x1BF5;
	p2 =	por !p2, p0  }
0x20: {  	[sflag:s8] =	ssyncset.s32 @!p0 $0xFFFFF086;
	s6 =	sadd.s32 @!p0 s3, s7;
	s7 =	simm.s32 @!p0 $0x108  }
0x21: {  	s3 =	sadd.s32 s3, s9;
	s6 =	sadd.s32 @!p0 $0x88, s6;
	s7 =	simm.s32 @p2 $0x1082  }
0x22: {  	[simem:s7], [sflag:s8] =	dma.local @!p0 [hbm:s6], $0xF7A  }
0x23: {  	s9 =	sor.u32 $0xD0000000, s2;
	s6 =	simm.s32 $0x108;
	_ =	swait.ge @!p0 [sflag:s8], $0x0  }
0x24: {  	s3 =	sadd.s32 $0x88, s3;
	s6 =	simm.s32 @!p1 $0x1082;
	[sflag:s4] =	ssyncset.s32 $0xFFFFF086  }
0x25: {  	[simem:s6], [sflag:s4] =	dma.local [hbm:s3], $0xF7A  }
0x26: {  	[smem:$0x3F9D] =	sst s1;
	(tag) =	ssettag s2;
	_ =	strace s9  }
0x27: {  	s1 =	sld [smem:$0x3FAD]  }
0x28: {  	s2 =	sld [smem:$0x3FAE]  }
0x29: {  	s4 =	sld [smem:$0x3FB0]  }
0x2a: {  	p0 =	seq.s32 s5, $0x0;
	s5 =	sld [smem:$0x3FB1]  }
0x2b: {  	s6 =	sld [smem:$0x3FB2]  }
0x2c: {  	s7 =	sld [smem:$0x3FB3]  }
0x2d: {  	s3 =	simm.s32 $0x108;
	s8 =	sld [smem:$0x3FB4]  }
0x2e: {  	s3 =	simm.s32 @!p0 $0x1082;
	s9 =	sld [smem:$0x3FB5]  }
0x2f: {  	lr =	sadd.s32 s0, s3;
	s0 =	sld [smem:$0x3FAC]  }
0x30: {  	s3 =	sld [smem:$0x3FAF]  }
0x31: {  	[smem:$0x3FB8] =	sst s10  }
0x32: {  	s10 =	sld [smem:$0x3FB6];
	_ =	sdelay $0x3  }
0x33: {  	p0 =	seq.s32 s10, $0x1;
	s10 =	sld [smem:$0x3FB8];
	_ =	sdelay $0x3  }
0x34: {  	[smem:$0x3FB8] =	sst s10  }
0x35: {  	s10 =	sld [smem:$0x3FB7];
	_ =	sdelay $0x3  }
0x36: {  	p1 =	seq.s32 s10, $0x1;
	s10 =	sld [smem:$0x3FB8];
	_ =	sdelay $0x3  }
0x37: {  	[smem:$0x3FB8] =	sst s10  }
0x38: {  	s10 =	sld [smem:$0x3FB9]  }
0x39: {  	_ = 	snop;
	(pc) =	sbr.ind lr, $3  }
0x3a: {  	_ = 	snop  }
0x3b: {  	_ = 	snop  }
0x3c: {  	p2 =	seq.s32 s10, $0x1;
	s10 =	sld [smem:$0x3FB8]  }
0x3d: {  	_ =	shalt  }
0x3e: {  	_ =	shalt  }
0x3f: {  	_ =	shalt  }
0x40: {  	_ =	shalt  }
0x41: {  	_ =	shalt  }
0x42: {  	_ =	shalt  }
0x43: {  	_ =	shalt  }
0x44: {  	_ =	shalt  }
0x45: {  	_ =	shalt  }
0x46: {  	_ =	shalt  }
0x47: {  	_ =	shalt  }
0x48: {  	_ =	shalt  }
0x49: {  	_ =	shalt  }
0x4a: {  	_ =	shalt  }
0x4b: {  	_ =	shalt  }
0x4c: {  	_ =	shalt  }
0x4d: {  	_ =	shalt  }
0x4e: {  	_ =	shalt  }
0x4f: {  	_ =	shalt  }
0x50: {  	_ =	shalt  }
0x51: {  	_ =	shalt  }
0x52: {  	_ =	shalt  }
0x53: {  	_ =	shalt  }
0x54: {  	_ =	shalt  }
0x55: {  	_ =	shalt  }
0x56: {  	_ =	shalt  }
0x57: {  	_ =	shalt  }
0x58: {  	_ =	shalt  }
0x59: {  	_ =	shalt  }
0x5a: {  	_ =	shalt  }
0x5b: {  	_ =	shalt  }
0x5c: {  	_ =	shalt  }
0x5d: {  	_ =	shalt  }
0x5e: {  	_ =	shalt  }
0x5f: {  	_ =	shalt  }
0x60: {  	_ =	shalt  }
0x61: {  	_ =	shalt  }
0x62: {  	_ =	shalt  }
0x63: {  	_ =	shalt  }
0x64: {  	_ =	shalt  }
0x65: {  	_ =	shalt  }
0x66: {  	_ =	shalt  }
0x67: {  	_ =	shalt  }
0x68: {  	_ =	shalt  }
0x69: {  	_ =	shalt  }
0x6a: {  	_ =	shalt  }
0x6b: {  	_ =	shalt  }
0x6c: {  	_ =	shalt  }
0x6d: {  	_ =	shalt  }
0x6e: {  	_ =	shalt  }
0x6f: {  	_ =	shalt  }
0x70: {  	_ =	shalt  }
0x71: {  	_ =	shalt  }
0x72: {  	_ =	shalt  }
0x73: {  	_ =	shalt  }
0x74: {  	_ =	shalt  }
0x75: {  	_ =	shalt  }
0x76: {  	_ =	shalt  }
0x77: {  	_ =	shalt  }
0x78: {  	_ =	shalt  }
0x79: {  	_ =	shalt  }
0x7a: {  	_ =	shalt  }
0x7b: {  	_ =	shalt  }
0x7c: {  	_ =	shalt  }
0x7d: {  	_ =	shalt  }
0x7e: {  	_ =	shalt  }
0x7f: {  	_ =	shalt  }
0x80: {  	_ =	shalt  }
0x81: {  	_ =	shalt  }
0x82: {  	_ =	shalt  }
0x83: {  	_ =	shalt  }
0x84: {  	_ =	shalt  }
0x85: {  	_ =	shalt  }
0x86: {  	_ =	shalt  }
0x87: {  	_ =	shalt  }
.Lfunc_end0:
.L_simem_size_0:
called_computation_lowered:
.L_overlay_start_0:
0x88: {  	s0 =	sld [smem:$0x3FD9]  }
0x89: {  	s1 =	sld [smem:$0x3FFE];
	_ =	sdelay $0x3  }
0x8a: {  	s0 =	sadd.s32 s1, s0  }
0x8b: {  	[smem:$0x3FC4] =	sst s0  }
0x8c: {  	_ = 	snop  }
0x8d: {  	s0 =	sld [smem:$0x3FC8];
	(tm) =	ssettm $0x1  }
0x8e: {  	s16 =	sld [smem:$0x3FFB];
	_ =	sdelay $0x3  }
0x8f: {  	_ =	strace s16  }
0x90: {  	s1 =	sld [smem:$0x3FFC];
	_ =	sdelay $0x3  }
0x91: {  	_ =	strace s1  }
0x92: {  	s1 =	sld [smem:$0x3FFD];
	_ =	sdelay $0x3  }
0x93: {  	_ =	strace s1  }
0x94: {  	_ =	strace $0x8FFFFFFF  }
0x95: {  	s17 =	sld [smem:$0x3FDB];
	_ =	sdelay $0x1  }
0x96: {  	s2 =	simm.s32 $_scs_section_size  }
0x97: {  	s3 =	simm.s32 $_size__tile_overlayer_lowered;
	s4 =	simm.s32 $_tile_overlayer_lowered  }
0x98: {  	s20 =	simm.s32 $0x1BFF;
	s19 =	sshll.u32 s4, $0x1;
	s1 =	sadd.s32 s2, s17  }
0x99: {  	s5 =	simm.s32 $0x0;
	s18 =	sshll.u32 s3, $0x1;
	s3 =	sadd.s32 s19, s1  }
0x9a: {  	[timem:s5], [sflag:s20] =	dma.local [hbm:s3], s18  }
0x9b: {  	_ =	swait.ge [sflag:s20], s18  }
0x9c: {  	s2 =	ssub.s32 $0x0, s18;
	[sflag:s20] =	ssyncset.done $0x0  }
0x9d: {  	[sflag:s20] =	ssyncadd.s32 s2;
	_ =	sdelay $0x1  }
0x9e: {  	s21 =	simm.s32 $0x1B8B  }
0x9f: {  	_ =	swait.ge [sflag:s21], $0x1  }
0xa0: {  	[sflag:s21] =	ssyncset.done $0x0  }
0xa1: {  	s23 =	simm.s32 $0x1B8E;
	s22 =	sld [smem:$0x3FFE];
	[sflag:s21] =	ssyncadd.s32 $0xFFFFFFFF  }
0xa2: {  	s24 =	simm.s32 $execute0_lowered;
	[smem:$0x3FD2] =	sst s23  }
0xa3: {  	s3 =	sshll.u32 s24, $0x1;
	_ =	strace $0x80000046;
	[dreg:$0x1] =	wrdreg $0xFFFFFFFF  }
0xa4: {  	s25 =	simm.s32 $_size_execute0_lowered;
	s1 =	sadd.s32 s1, s3;
	[dreg:$0x0] =	wrdreg $0x0  }
0xa5: {  	s3 =	sshll.u32 s25, $0x1;
	[dreg:$0x2] =	wrdreg s1  }
0xa6: {  	[dreg:$0x3] =	wrdreg s3  }
0xa7: {  	[dreg:$0x4] =	wrdreg $0xC0  }
0xa8: {  	_ =	task [dreg:s5], $0x5FFFF  }
0xa9: {  	[dreg:$0x1] =	wrdreg $0xFFFFFFFF  }
0xaa: {  	[dreg:$0x0] =	wrdreg $0x60  }
0xab: {  	[dreg:$0x2] =	wrdreg s22  }
0xac: {  	[dreg:$0x3] =	wrdreg s0  }
0xad: {  	[dreg:$0x4] =	wrdreg $0x9  }
0xae: {  	_ =	task.clear_ibuf [dreg:s5], $0x5FFFF;
	_ =	strace $0x90000046  }
0xaf: {  	s26 =	simm.s32 $0x9;
	_ =	strace $0x80000048  }
0xb0: {  	_ =	swait.ge [sflag:s26], $0x1  }
0xb1: {  	[sflag:s26] =	ssyncadd.s32 $0xFFFFFFFF  }
0xb2: {  	_ =	strace $0x90000048  }
0xb3: {  	_ =	sfence  }
0xb4: {  	s28 =	sld [smem:$0x0];
	_ =	sdelay $0x1  }
0xb5: {  	s29 =	srdreg.scid  }
0xb6: {  	s30 =	sshll.u32 s29, $0xD;
	s31 =	sshrl.u32 s29, $0x2  }
0xb7: {  	s2 =	sand.u32 $0x4000, s30;
	s1 =	sand.u32 $0x1, s29;
	s0 =	sadd.s32 s31, s28  }
0xb8: {  	s1 =	sor.u32 s2, s1;
	s0 =	sshll.u32 s0, $0x11  }
0xb9: {  	s0 =	sor.u32 s0, s1  }
0xba: {  	s0 =	sadd.s32 $0x8F2B, s0  }
0xbb: {  	[sflag:s0] =	ssyncadd.remote.s32 $0x1  }
0xbc: {  	_ =	sfence.sel $0xFFFF  }
0xbd: {  	[dreg:$0x0] =	wrdreg $0xFFFFFFFF;
	(pc) =	sbr.abs _section_cstart, $3  }
0xbe: {  	[dreg:$0x1] =	wrdreg $0xFFFFFFFF  }
0xbf: {  	_ =	task.clear_ibuf [dreg:s5], $0x2FFFF;
	_ =	strace $0x9FFFFFFF  }
0xc0: {  	(tm) =	ssettm $0x7FFFFFFF  }
0xc1: {  	_ =	shalt  }
tec
execute0_lowered:
.L_overlay_start_1:
0x0: {  	(tag) =	ssettag $0x1  }
0x1: {  	s3 =	rddreg [dreg:$0x0];
	s2 =	stileid.u32  }
0x2: {  	s1 =	rddreg [dreg:$0x1];
	s5 =	smul.u32 $0x500, s2  }
0x3: {  	s0 =	rddreg [dreg:$0x2];
	s4 =	simm.s32 $0x0  }
0x4: {  	[smem:$0x7FF] =	sst s4;
	s5 =	sadd.s32 s5, s3  }
0x5: {  	s28 =	simm.s32 $0x1;
	_ =	strace $0x80000047;
	s5 =	sadd.s32 $0xE00, s5  }
0x6: {  	[tilespmem:s4], [sflag:$0x1] =	stream.linear.gather [hbm4b:s5+s4], $0x2800, $0x38;
	[tilespmem:$0x4480] =	vst v63  }
0x7: {  	_ =	swait.ge [sflag:s28], $0x2800  }
0x8: {  	s6 =	sshll.u32 s2, $0x7;
	[sflag:s28] =	ssyncset.done $0x0  }
0x9: {  	s29 =	simm.s32 $0x2800;
	s1 =	sadd.s32 s1, s6;
	[sflag:s28] =	ssyncadd.s32 $0xFFFFD800  }
0xa: {  	[tilespmem:s29], [sflag:$0x1] =	stream.linear.gather [hbm4b:s1+s4], $0x400, $0x38;
	[tilespmem:$0x4480] =	vst v63  }
0xb: {  	_ =	swait.ge [sflag:s28], $0x400  }
0xc: {  	v1 =	vlaneseq.u32;
	[sflag:s28] =	ssyncset.done $0x0  }
0xd: {  	s31 =	simm.s32 $0x2C00;
	s30 =	sadd.s32 $0x5E00, s3;
	v1 =	vmul.u32 $0xA, v1;
	[sflag:s28] =	ssyncadd.s32 $0xFFFFFC00  }
0xe: {  	[tilespmem:s31], [sflag:$0x1] =	stream.linear.gather [hbm4b:s30+s4], $0x580, $0x38;
	[tilespmem:$0x4480] =	vst v63  }
0xf: {  	v2 =	vor.u32 $0x1, v1;
	_ =	swait.ge [sflag:s28], $0x580  }
0x10: {  	[sflag:s28] =	ssyncset.done $0x0;
	[tilespmem:$0x1FFD0] =	vst v2;
	v2 =	vadd.s32 $0x2, v1  }
0x11: {  	v0 =	vimm.f32 $0.0e+00;
	[sflag:s28] =	ssyncadd.s32 $0xFFFFFA80;
	[tilespmem:$0x1FFE0] =	vst v2  }
0x12: {  	[tilespmem:$0x3400] =	vst v0  }
0x13: {  	[tilespmem:$0x3480] =	vst v0  }
0x14: {  	[tilespmem:$0x3500] =	vst v0  }
0x15: {  	[tilespmem:$0x3580] =	vst v0  }
0x16: {  	[tilespmem:$0x3600] =	vst v0  }
0x17: {  	[tilespmem:$0x3680] =	vst v0  }
0x18: {  	[tilespmem:$0x3700] =	vst v0  }
0x19: {  	[tilespmem:$0x3780] =	vst v0  }
0x1a: {  	[tilespmem:$0x3800] =	vst v0  }
0x1b: {  	[tilespmem:$0x3880] =	vst v0  }
0x1c: {  	[tilespmem:$0x3900] =	vst v0  }
0x1d: {  	[tilespmem:$0x3980] =	vst v0  }
0x1e: {  	[tilespmem:$0x3A00] =	vst v0  }
0x1f: {  	v2 =	vadd.s32 $0x3, v1;
	[tilespmem:$0x3A80] =	vst v0  }
0x20: {  	[tilespmem:$0x1FFF0] =	vst v2  }
0x21: {  	s6 =	simm.s32 $0x2810;
	v5 =	vadd.s32 $0x4, v1;
	v6 =	vadd.s32 $0x5, v1;
	v7 =	vadd.s32 $0x6, v1;
	[tilespmem:$0x3B00] =	vst v0  }
0x22: {  	v8 =	vadd.s32 $0x7, v1;
	v9 =	vadd.s32 $0x8, v1;
	v10 =	vadd.s32 $0x9, v1;
	s5 =	simm.s32 $0xA0;
	s1 =	sadd.s32 $0x6200, s3;
	s3 =	sadd.s32 $0x6000, s3;
	[tilespmem:$0x3B80] =	vst v0  }
.LBB2_1:
0x23: {  	v0 =	vld [tilespmem:$0x1FFD0]  }
0x24: {  	v2 =	vld [tilespmem:$0x1FFE0]  }
0x25: {  	v3 =	vld [tilespmem:$0x1FFF0]  }
0x26: {  	s7 =	sadd.s32 $0xFFFFFF60, s5  }
0x27: {  	v12 =	vadd.s32 s7, v1  }
0x28: {  	v13 =	vadd.s32 s7, v0  }
0x29: {  	v14 =	vadd.s32 s7, v2  }
0x2a: {  	v15 =	vadd.s32 s7, v3  }
0x2b: {  	v16 =	vadd.s32 s7, v5  }
0x2c: {  	v21 =	vld.idx.msk [tilespmem:v12+s4+$0x0], $0xffff;
	v12 =	vadd.s32 s7, v6  }
0x2d: {  	v20 =	vld.idx.msk [tilespmem:v13+s4+$0x0], $0xffff;
	v13 =	vadd.s32 s7, v7  }
0x2e: {  	v19 =	vld.idx.msk [tilespmem:v14+s4+$0x0], $0xffff;
	v14 =	vadd.s32 s7, v8  }
0x2f: {  	v22 =	vadd.s32 s7, v9;
	v18 =	vld.idx.msk [tilespmem:v15+s4+$0x0], $0xffff  }
0x30: {  	v23 =	vadd.s32 s7, v10;
	v17 =	vld.idx.msk [tilespmem:v16+s4+$0x0], $0xffff  }
0x31: {  	v16 =	vld.idx.msk [tilespmem:v12+s4+$0x0], $0xffff  }
0x32: {  	v15 =	vld.idx.msk [tilespmem:v13+s4+$0x0], $0xffff;
	v12 =	vmax.f32 v21, v20  }
0x33: {  	v14 =	vld.idx.msk [tilespmem:v14+s4+$0x0], $0xffff;
	v12 =	vmax.f32 v12, v19  }
0x34: {  	v13 =	vld.idx.msk [tilespmem:v22+s4+$0x0], $0xffff;
	v22 =	vmax.f32 v12, v18  }
0x35: {  	v12 =	vld.idx.msk [tilespmem:v23+s4+$0x0], $0xffff;
	v22 =	vmax.f32 v22, v17  }
0x36: {  	v22 =	vmax.f32 v22, v16  }
0x37: {  	v22 =	vmax.f32 v22, v15  }
0x38: {  	v22 =	vmax.f32 v22, v14  }
0x39: {  	v22 =	vmax.f32 v22, v13  }
0x3a: {  	v33 =	vmax.f32 v22, v12  }
0x3b: {  	v22 =	vsub.f32 v21, v33  }
0x3c: {  	v23 =	vsub.f32 v20, v33  }
0x3d: {  	v22 =	vmul.f32 $1.442695020e+00, v22  }
0x3e: {  	v24 =	vsub.f32 v19, v33;
	v23 =	vmul.f32 $1.442695020e+00, v23  }
0x3f: {  	(erf) = vpow2.f32 v22  }
0x40: {  	v22 =	vmul.f32 $1.442695020e+00, v24;
	(erf) = vpow2.f32 v23;
	v23 =	vsub.f32 v18, v33;
	_ =	sdelay $0x1  }
0x41: {  	(erf) = vpow2.f32 v22;
	v22 =	vmul.f32 $1.442695020e+00, v23;
	v23 =	vsub.f32 v17, v33;
	_ =	sdelay $0x1  }
0x42: {  	(erf) = vpow2.f32 v22;
	v22 =	vmul.f32 $1.442695020e+00, v23;
	v23 =	vsub.f32 v16, v33;
	_ =	sdelay $0x1  }
0x43: {  	(erf) = vpow2.f32 v22;
	v22 =	vmul.f32 $1.442695020e+00, v23;
	v23 =	vsub.f32 v15, v33  }
0x44: {  	v47 =	vsub.f32 v14, v33  }
0x45: {  	v28 =	vpop (erf);
	(erf) = vpow2.f32 v22;
	v22 =	vmul.f32 $1.442695020e+00, v23  }
0x46: {  	v23 =	vmul.f32 $1.442695020e+00, v47;
	v29 =	vpop (erf)  }
0x47: {  	(erf) = vpow2.f32 v22;
	v22 =	vsub.f32 v13, v33;
	v48 =	vadd.f32 v29, v28  }
0x48: {  	v30 =	vpop (erf);
	(erf) = vpow2.f32 v23  }
0x49: {  	v23 =	vsub.f32 v12, v33;
	v22 =	vmul.f32 $1.442695020e+00, v22;
	v24 =	vadd.f32 v48, v30  }
0x4a: {  	v31 =	vpop (erf)  }
0x4b: {  	(erf) = vpow2.f32 v22;
	v22 =	vmul.f32 $1.442695020e+00, v23;
	v23 =	vadd.f32 v24, v31  }
0x4c: {  	v32 =	vpop (erf)  }
0x4d: {  	(erf) = vpow2.f32 v22;
	v22 =	vadd.f32 v23, v32  }
0x4e: {  	v27 =	vpop (erf)  }
0x4f: {  	v22 =	vadd.f32 v22, v27  }
0x50: {  	v26 =	vpop (erf)  }
0x51: {  	v22 =	vadd.f32 v22, v26  }
0x52: {  	v25 =	vpop (erf)  }
0x53: {  	v22 =	vadd.f32 v22, v25;
	_ =	sdelay $0x1  }
0x54: {  	v23 =	vpop (erf)  }
0x55: {  	v49 =	vadd.f32 v22, v23  }
0x56: {  	v22 =	vpop (erf)  }
0x57: {  	v34 =	vadd.f32 v49, v22;
	_ =	sdelay $0x1  }
0x58: {  	(erf) = vrcp.f32 v34;
	_ =	sdelay $0x8  }
0x59: {  	v24 =	vpop (erf)  }
0x5a: {  	v28 =	vmul.f32 v24, v28;
	_ =	sdelay $0x1  }
0x5b: {  	v35 =	vand.u32 $0x7FFFFF, v34;
	v28 =	vsub.f32 $1.009999990e+00, v28  }
0x5c: {  	v34 =	vshra.s32 v34, $0x17;
	v35 =	vor.u32 $0x3F800000, v35  }
0x5d: {  	v34 =	vadd.s32 $0xFFFFFF81, v34;
	v36 =	vmul.f32 $5.000000000e-01, v35;
	v37 =	vand.u32 $0x7FFFFF, v28  }
0x5e: {  	vm3 =	vge.f32 v35, $1.414213540e+00;
	v29 =	vmul.f32 v24, v29;
	v50 =	vor.u32 $0x3F800000, v37  }
0x5f: {  	v34 =	vcvt.s32.f32 v34;
	v35 =	vsel vm3, v36, v35;
	v38 =	vmul.f32 $5.000000000e-01, v50  }
0x60: {  	v51 =	vadd.f32 $1.000000000e+00, v35;
	v29 =	vsub.f32 $1.009999990e+00, v29;
	vm4 =	vge.f32 v50, $1.414213540e+00  }
0x61: {  	v61 =	vadd.f32 $1.000000000e+00, v34;
	v35 =	vadd.f32 $-1.000000000e+00, v35;
	v36 =	vsel vm4, v38, v50  }
0x62: {  	(erf) = vrcp.f32 v51;
	v53 =	vand.u32 $0x7FFFFF, v29;
	v52 =	vadd.f32 $1.000000000e+00, v36  }
0x63: {  	v30 =	vmul.f32 v24, v30;
	v31 =	vmul.f32 v24, v31;
	v38 =	vor.u32 $0x3F800000, v53  }
0x64: {  	v49 =	vsel vm3, v61, v34;
	v54 =	vmul.f32 $5.000000000e-01, v38;
	(erf) = vrcp.f32 v52  }
0x65: {  	v32 =	vmul.f32 v24, v32;
	v27 =	vmul.f32 v24, v27;
	vm0 =	vge.f32 v38, $1.414213540e+00  }
0x66: {  	v26 =	vmul.f32 v24, v26;
	v30 =	vsub.f32 $1.009999990e+00, v30;
	v37 =	vsel vm0, v54, v38  }
0x67: {  	v25 =	vmul.f32 v24, v25;
	v31 =	vsub.f32 $1.009999990e+00, v31;
	v38 =	vadd.f32 $1.000000000e+00, v37  }
0x68: {  	v23 =	vmul.f32 v24, v23;
	v22 =	vmul.f32 v24, v22;
	v40 =	vand.u32 $0x7FFFFF, v30  }
0x69: {  	v45 =	vand.u32 $0x7FFFFF, v31;
	v28 =	vshra.s32 v28, $0x17;
	(erf) = vrcp.f32 v38  }
0x6a: {  	v30 =	vshra.s32 v30, $0x17;
	v31 =	vshra.s32 v31, $0x17;
	v56 =	vor.u32 $0x3F800000, v40  }
0x6b: {  	v59 =	vor.u32 $0x3F800000, v45;
	v28 =	vadd.s32 $0xFFFFFF81, v28;
	v30 =	vadd.s32 $0xFFFFFF81, v30  }
0x6c: {  	v31 =	vadd.s32 $0xFFFFFF81, v31;
	v55 =	vpop (erf);
	v41 =	vmul.f32 $5.000000000e-01, v56;
	v36 =	vadd.f32 $-1.000000000e+00, v36  }
0x6d: {  	vm1 =	vge.f32 v56, $1.414213540e+00;
	v60 =	vmul.f32 $5.000000000e-01, v59;
	v35 =	vmul.f32 v55, v35;
	v39 =	vpop (erf)  }
0x6e: {  	v28 =	vcvt.s32.f32 v28;
	v36 =	vmul.f32 v39, v36;
	v39 =	vsel vm1, v41, v56  }
0x6f: {  	v30 =	vcvt.s32.f32 v30;
	v38 =	vmul.f32 v35, v35;
	v44 =	vadd.f32 $1.000000000e+00, v39  }
0x70: {  	vm2 =	vge.f32 v59, $1.414213540e+00;
	v31 =	vcvt.s32.f32 v31;
	v42 =	vmul.f32 v36, v36  }
0x71: {  	v37 =	vadd.f32 $-1.000000000e+00, v37;
	v57 =	vmul.f32 $2.857142980e-01, v38;
	(erf) = vrcp.f32 v44  }
0x72: {  	v50 =	vadd.f32 $1.000000000e+00, v28;
	v53 =	vshra.s32 v29, $0x17;
	v43 =	vpop (erf);
	v58 =	vmul.f32 $2.857142980e-01, v42  }
0x73: {  	v29 =	vsub.f32 $1.009999990e+00, v32;
	v40 =	vadd.f32 $4.000000060e-01, v57;
	v37 =	vmul.f32 v43, v37  }
0x74: {  	v28 =	vsel vm4, v50, v28;
	v50 =	vadd.f32 $1.000000000e+00, v30;
	v41 =	vadd.f32 $4.000000060e-01, v58  }
0x75: {  	v40 =	vmul.f32 v40, v38;
	v44 =	vsel vm2, v60, v59;
	v46 =	vmul.f32 v37, v37  }
0x76: {  	v57 =	vand.u32 $0x7FFFFF, v29;
	v62 =	vadd.f32 $1.000000000e+00, v44;
	v41 =	vmul.f32 v41, v42  }
0x77: {  	v29 =	vshra.s32 v29, $0x17;
	v40 =	vadd.f32 $6.666666860e-01, v40;
	v63 =	vmul.f32 $2.857142980e-01, v46  }
0x78: {  	v29 =	vadd.s32 $0xFFFFFF81, v29;
	(erf) = vrcp.f32 v62;
	v41 =	vadd.f32 $6.666666860e-01, v41  }
0x79: {  	v39 =	vadd.f32 $-1.000000000e+00, v39;
	v38 =	vmul.f32 v40, v38;
	v48 =	vadd.f32 $4.000000060e-01, v63  }
0x7a: {  	v43 =	vmul.f32 $6.931471820e-01, v28;
	v28 =	vadd.s32 $0xFFFFFF81, v53;
	v47 =	vmul.f32 v41, v42;
	v51 =	vpop (erf)  }
0x7b: {  	v38 =	vadd.f32 $2.000000000e+00, v38;
	v41 =	vmul.f32 v48, v46;
	v39 =	vmul.f32 v51, v39  }
0x7c: {  	v53 =	vadd.f32 $1.000000000e+00, v31;
	v28 =	vcvt.s32.f32 v28;
	v56 =	vadd.f32 $-1.000000000e+00, v44  }
0x7d: {  	v34 =	vmul.f32 v38, v35;
	v52 =	vadd.f32 $6.666666860e-01, v41;
	v55 =	vmul.f32 v39, v39  }
0x7e: {  	v38 =	vmul.f32 $6.931471820e-01, v49;
	v48 =	vadd.f32 $1.000000000e+00, v28;
	v42 =	vadd.s32 s5, v3  }
0x7f: {  	v40 =	vadd.f32 $2.000000000e+00, v47;
	v54 =	vmul.f32 v52, v46;
	v58 =	vmul.f32 $2.857142980e-01, v55  }
0x80: {  	v41 =	vor.u32 $0x3F800000, v57;
	v28 =	vsel vm0, v48, v28;
	v48 =	vsel vm1, v50, v30  }
0x81: {  	v59 =	vpop (erf);
	v60 =	vmul.f32 $5.000000000e-01, v41;
	v32 =	vadd.f32 $2.000000000e+00, v54;
	v61 =	vadd.f32 $4.000000060e-01, v58  }
0x82: {  	v57 =	vadd.s32 s5, v0;
	vm9 =	vge.f32 v41, $1.414213540e+00;
	v44 =	vmul.f32 v59, v56  }
0x83: {  	v41 =	vsel vm9, v60, v41;
	v35 =	vmul.f32 v32, v37;
	v32 =	vmul.f32 v61, v55  }
0x84: {  	v48 =	vmul.f32 $6.931471820e-01, v48;
	v62 =	vmul.f32 v44, v44;
	v63 =	vadd.f32 $1.000000000e+00, v41  }
0x85: {  	v36 =	vmul.f32 v40, v36;
	v46 =	vmul.f32 $6.931471820e-01, v28;
	v32 =	vadd.f32 $6.666666860e-01, v32  }
0x86: {  	v40 =	vsub.f32 $1.009999990e+00, v22;
	v49 =	vmul.f32 $2.857142980e-01, v62;
	(erf) = vrcp.f32 v63  }
0x87: {  	v54 =	vadd.f32 $-1.000000000e+00, v41;
	v41 =	vsub.f32 $1.009999990e+00, v25;
	v32 =	vmul.f32 v32, v55  }
0x88: {  	v59 =	vadd.s32 s5, v2;
	v37 =	vsub.f32 $1.009999990e+00, v27;
	v47 =	vadd.f32 $4.000000060e-01, v49  }
0x89: {  	v30 =	vld.idx.msk [tilespmem:v57+s4+$0x0], $0xffff;
	v57 =	vadd.s32 s5, v9;
	v63 =	vadd.s32 s5, v5;
	v52 =	vadd.f32 $2.000000000e+00, v32  }
0x8a: {  	v56 =	vand.u32 $0x7FFFFF, v37;
	v51 =	vmul.f32 v47, v62;
	v32 =	vcvt.s32.f32 v29  }
0x8b: {  	v29 =	vadd.s32 s5, v1;
	v47 =	vmul.f32 v52, v39;
	v39 =	vsub.f32 $1.009999990e+00, v26  }
0x8c: {  	v49 =	vsel vm2, v53, v31;
	v58 =	vor.u32 $0x3F800000, v56;
	v28 =	vadd.f32 $6.666666860e-01, v51  }
0x8d: {  	v53 =	vadd.s32 s5, v6;
	v60 =	vmul.f32 $5.000000000e-01, v58;
	v61 =	vand.u32 $0x7FFFFF, v39  }
0x8e: {  	vm10 =	vge.f32 v58, $1.414213540e+00;
	v50 =	vmul.f32 v28, v62;
	v62 =	vor.u32 $0x3F800000, v61  }
0x8f: {  	v28 =	vld.idx.msk [tilespmem:v42+s4+$0x0], $0xffff;
	v42 =	vsub.f32 $1.009999990e+00, v23;
	v55 =	vpop (erf);
	v52 =	vsel vm10, v60, v58;
	v60 =	vmul.f32 $5.000000000e-01, v62  }
0x90: {  	v51 =	vmul.f32 v55, v54;
	v54 =	vadd.s32 s5, v7;
	v31 =	vld.idx.msk [tilespmem:v29+s4+$0x0], $0xffff;
	vm11 =	vge.f32 v62, $1.414213540e+00  }
0x91: {  	v27 =	vadd.f32 $1.000000000e+00, v32;
	v29 =	vld.idx.msk [tilespmem:v59+s4+$0x0], $0xffff;
	v55 =	vsel vm11, v60, v62;
	v62 =	vadd.s32 s5, v8  }
0x92: {  	v25 =	vand.u32 $0x7FFFFF, v41;
	v23 =	vld.idx.msk [tilespmem:v57+s4+$0x0], $0xffff;
	v57 =	vand.u32 $0x7FFFFF, v42;
	v61 =	vadd.f32 $1.000000000e+00, v52  }
0x93: {  	v58 =	vsel vm9, v27, v32;
	v27 =	vld.idx.msk [tilespmem:v63+s4+$0x0], $0xffff;
	v32 =	vadd.s32 s5, v10;
	v56 =	vadd.f32 $1.000000000e+00, v55  }
0x94: {  	v26 =	vld.idx.msk [tilespmem:v53+s4+$0x0], $0xffff;
	v50 =	vadd.f32 $2.000000000e+00, v50;
	v63 =	vor.u32 $0x3F800000, v25;
	(erf) = vrcp.f32 v61  }
0x95: {  	v59 =	vmul.f32 v51, v51;
	v25 =	vld.idx.msk [tilespmem:v54+s4+$0x0], $0xffff;
	(erf) = vrcp.f32 v56;
	v56 =	vmax.f32 v31, v30  }
0x96: {  	v60 =	vmul.f32 $5.000000000e-01, v63;
	v54 =	vor.u32 $0x3F800000, v57;
	v61 =	vmax.f32 v56, v29;
	v24 =	vld.idx.msk [tilespmem:v62+s4+$0x0], $0xffff  }
0x97: {  	vm12 =	vge.f32 v63, $1.414213540e+00;
	v57 =	vmul.f32 $5.000000000e-01, v54;
	v62 =	vmax.f32 v61, v28  }
0x98: {  	v22 =	vld.idx.msk [tilespmem:v32+s4+$0x0], $0xffff;
	v53 =	vsel vm12, v60, v63;
	v60 =	vand.u32 $0x7FFFFF, v40;
	v63 =	vmax.f32 v62, v27  }
0x99: {  	vm13 =	vge.f32 v54, $1.414213540e+00;
	v56 =	vor.u32 $0x3F800000, v60;
	v32 =	vmax.f32 v63, v26  }
0x9a: {  	v45 =	vadd.f32 $1.000000000e+00, v53;
	v60 =	vmul.f32 $5.000000000e-01, v56;
	v32 =	vmax.f32 v32, v25  }
0x9b: {  	v54 =	vsel vm13, v57, v54;
	vm14 =	vge.f32 v56, $1.414213540e+00;
	v32 =	vmax.f32 v32, v24  }
0x9c: {  	v57 =	vadd.f32 $1.000000000e+00, v54;
	v56 =	vsel vm14, v60, v56;
	v32 =	vmax.f32 v32, v23  }
0x9d: {  	(erf) = vrcp.f32 v45;
	v61 =	vadd.f32 $1.000000000e+00, v56;
	v32 =	vmax.f32 v32, v22  }
0x9e: {  	v44 =	vmul.f32 v50, v44;
	(erf) = vrcp.f32 v57;
	v60 =	vsub.f32 v31, v32  }
0x9f: {  	v45 =	vadd.f32 v34, v38;
	(erf) = vrcp.f32 v61;
	v62 =	vsub.f32 v30, v32  }
0xa0: {  	v61 =	vmul.f32 $2.857142980e-01, v59;
	v38 =	vmul.f32 $1.442695020e+00, v60;
	v60 =	vsub.f32 v29, v32  }
0xa1: {  	v34 =	vadd.f32 v36, v43;
	v63 =	vsub.f32 v28, v32;
	v57 =	vmul.f32 $1.442695020e+00, v62  }
0xa2: {  	v36 =	vadd.f32 $4.000000060e-01, v61;
	(erf) = vpow2.f32 v38;
	v62 =	vmul.f32 $1.442695020e+00, v60  }
0xa3: {  	v43 =	vsub.f32 v27, v32;
	v38 =	vmul.f32 $1.442695020e+00, v63;
	(erf) = vpow2.f32 v57  }
0xa4: {  	v50 =	vadd.f32 $-1.000000000e+00, v52;
	v36 =	vmul.f32 v36, v59;
	(erf) = vpow2.f32 v62  }
0xa5: {  	v52 =	vsub.f32 v26, v32;
	v57 =	vpop (erf);
	(erf) = vpow2.f32 v38;
	v38 =	vmul.f32 $1.442695020e+00, v43  }
0xa6: {  	v41 =	vshra.s32 v41, $0x17;
	v36 =	vadd.f32 $6.666666860e-01, v36;
	v57 =	vmul.f32 v57, v50  }
0xa7: {  	v41 =	vadd.s32 $0xFFFFFF81, v41;
	v60 =	vpop (erf);
	(erf) = vpow2.f32 v38;
	v38 =	vmul.f32 $1.442695020e+00, v52  }
0xa8: {  	v43 =	vsub.f32 v25, v32;
	v50 =	vmul.f32 v36, v59;
	v61 =	vpop (erf);
	v59 =	vmul.f32 v57, v57  }
0xa9: {  	v41 =	vcvt.s32.f32 v41;
	v62 =	vpop (erf);
	(erf) = vpow2.f32 v38  }
0xaa: {  	v52 =	vsub.f32 v24, v32;
	v63 =	vpop (erf);
	v38 =	vmul.f32 $1.442695020e+00, v43;
	v43 =	vmul.f32 $2.857142980e-01, v59  }
0xab: {  	v49 =	vmul.f32 $6.931471820e-01, v49;
	v36 =	vadd.f32 v35, v46;
	v35 =	vadd.f32 v47, v48;
	v11 =	vpop (erf)  }
0xac: {  	v48 =	vadd.f32 $2.000000000e+00, v50;
	v46 =	vmul.f32 $1.442695020e+00, v52;
	v52 =	vadd.f32 $4.000000060e-01, v43;
	v0 =	vpop (erf)  }
0xad: {  	(erf) = vpow2.f32 v38;
	v38 =	vsub.f32 v23, v32;
	v47 =	vadd.f32 v0, v11  }
0xae: {  	v50 =	vadd.f32 $-1.000000000e+00, v55;
	v2 =	vmul.f32 v48, v51;
	(erf) = vpow2.f32 v46;
	v43 =	vpop (erf)  }
0xaf: {  	v46 =	vsub.f32 v22, v32;
	v38 =	vmul.f32 $1.442695020e+00, v38;
	v47 =	vadd.f32 v47, v43  }
0xb0: {  	v37 =	vshra.s32 v37, $0x17;
	v55 =	vmul.f32 v60, v50;
	v48 =	vmul.f32 v52, v59;
	v52 =	vpop (erf)  }
0xb1: {  	(erf) = vpow2.f32 v38;
	v38 =	vmul.f32 $1.442695020e+00, v46;
	v46 =	vadd.f32 v47, v52  }
0xb2: {  	v60 =	vadd.f32 $-1.000000000e+00, v53;
	v53 =	vmul.f32 v55, v55;
	v48 =	vadd.f32 $6.666666860e-01, v48;
	v51 =	vpop (erf)  }
0xb3: {  	v37 =	vadd.s32 $0xFFFFFF81, v37;
	(erf) = vpow2.f32 v38;
	v38 =	vadd.f32 v46, v51  }
0xb4: {  	v50 =	vpop (erf);
	v46 =	vcvt.s32.f32 v37;
	v37 =	vadd.f32 v44, v49;
	v44 =	vmul.f32 $2.857142980e-01, v53  }
0xb5: {  	v42 =	vshra.s32 v42, $0x17;
	v60 =	vmul.f32 v61, v60;
	v38 =	vadd.f32 v38, v50  }
0xb6: {  	v39 =	vshra.s32 v39, $0x17;
	v59 =	vmul.f32 v48, v59;
	v48 =	vpop (erf);
	v44 =	vadd.f32 $4.000000060e-01, v44  }
0xb7: {  	v58 =	vmul.f32 $6.931471820e-01, v58;
	v49 =	vmul.f32 v60, v60;
	v3 =	vadd.f32 v38, v48  }
0xb8: {  	v54 =	vadd.f32 $-1.000000000e+00, v54;
	v61 =	vadd.f32 $1.000000000e+00, v46;
	v47 =	vpop (erf);
	v44 =	vmul.f32 v44, v53  }
0xb9: {  	v4 =	vmul.f32 $2.857142980e-01, v49;
	v38 =	vadd.f32 v2, v58;
	v2 =	vadd.f32 v3, v47  }
0xba: {  	v42 =	vadd.s32 $0xFFFFFF81, v42;
	v59 =	vadd.f32 $2.000000000e+00, v59;
	v61 =	vsel vm10, v61, v46;
	v46 =	vpop (erf)  }
0xbb: {  	v54 =	vmul.f32 v62, v54;
	v4 =	vadd.f32 $4.000000060e-01, v4;
	v2 =	vadd.f32 v2, v46  }
0xbc: {  	v3 =	vmul.f32 v59, v57;
	v57 =	vmul.f32 $6.931471820e-01, v61;
	v61 =	vadd.f32 $6.666666860e-01, v44;
	v44 =	vpop (erf)  }
0xbd: {  	v58 =	vadd.s32 $0xFFFFFF81, v39;
	v4 =	vmul.f32 v4, v49;
	v2 =	vadd.f32 v2, v44  }
0xbe: {  	v39 =	vadd.f32 v3, v57;
	v3 =	vcvt.s32.f32 v58;
	v57 =	vmul.f32 v54, v54  }
0xbf: {  	v53 =	vmul.f32 v61, v53;
	v4 =	vadd.f32 $6.666666860e-01, v4;
	(erf) = vrcp.f32 v2  }
0xc0: {  	v56 =	vadd.f32 $-1.000000000e+00, v56;
	v58 =	vadd.f32 $1.000000000e+00, v3;
	v61 =	vmul.f32 $2.857142980e-01, v57  }
0xc1: {  	v40 =	vshra.s32 v40, $0x17;
	v53 =	vadd.f32 $2.000000000e+00, v53;
	v4 =	vmul.f32 v4, v49  }
0xc2: {  	v56 =	vmul.f32 v63, v56;
	v3 =	vsel vm11, v58, v3;
	v49 =	vadd.f32 $4.000000060e-01, v61  }
0xc3: {  	v53 =	vmul.f32 v53, v55;
	v4 =	vadd.f32 $2.000000000e+00, v4;
	v55 =	vadd.f32 $1.000000000e+00, v41  }
0xc4: {  	v58 =	vmul.f32 v56, v56;
	v59 =	vand.u32 $0x7FFFFF, v2;
	v49 =	vmul.f32 v49, v57  }
0xc5: {  	v59 =	vor.u32 $0x3F800000, v59;
	v4 =	vmul.f32 v4, v60;
	v41 =	vsel vm12, v55, v41  }
0xc6: {  	v55 =	vmul.f32 $2.857142980e-01, v58;
	v61 =	vmul.f32 $5.000000000e-01, v59;
	v60 =	vadd.f32 $6.666666860e-01, v49  }
0xc7: {  	v42 =	vcvt.s32.f32 v42;
	v40 =	vadd.s32 $0xFFFFFF81, v40;
	vm15 =	vge.f32 v59, $1.414213540e+00  }
0xc8: {  	v55 =	vadd.f32 $4.000000060e-01, v55;
	v59 =	vsel vm15, v61, v59;
	v57 =	vmul.f32 v60, v57;
	v49 =	vpop (erf)  }
0xc9: {  	v61 =	vadd.f32 $1.000000000e+00, v59;
	v11 =	vmul.f32 v49, v11;
	v0 =	vmul.f32 v49, v0  }
0xca: {  	v60 =	vadd.f32 $1.000000000e+00, v42;
	v55 =	vmul.f32 v55, v58;
	v57 =	vadd.f32 $2.000000000e+00, v57  }
0xcb: {  	v40 =	vcvt.s32.f32 v40;
	v11 =	vsub.f32 $1.009999990e+00, v11;
	v0 =	vsub.f32 $1.009999990e+00, v0  }
0xcc: {  	(erf) = vrcp.f32 v61;
	v42 =	vsel vm13, v60, v42;
	v55 =	vadd.f32 $6.666666860e-01, v55  }
0xcd: {  	v54 =	vmul.f32 v57, v54;
	v60 =	vand.u32 $0x7FFFFF, v11;
	v61 =	vand.u32 $0x7FFFFF, v0  }
0xce: {  	v55 =	vmul.f32 v55, v58;
	v57 =	vor.u32 $0x3F800000, v60;
	v61 =	vor.u32 $0x3F800000, v61  }
0xcf: {  	v60 =	vmul.f32 $5.000000000e-01, v57;
	v58 =	vmul.f32 $5.000000000e-01, v61  }
0xd0: {  	vm8 =	vge.f32 v57, $1.414213540e+00;
	vm9 =	vge.f32 v61, $1.414213540e+00  }
0xd1: {  	v57 =	vsel vm8, v60, v57;
	v58 =	vsel vm9, v58, v61;
	v61 =	vadd.f32 $1.000000000e+00, v40  }
0xd2: {  	v55 =	vadd.f32 $2.000000000e+00, v55;
	v60 =	vadd.f32 $1.000000000e+00, v57  }
0xd3: {  	v3 =	vmul.f32 $6.931471820e-01, v3;
	v41 =	vmul.f32 $6.931471820e-01, v41  }
0xd4: {  	v55 =	vmul.f32 v55, v56;
	v56 =	vadd.f32 $-1.000000000e+00, v59;
	(erf) = vrcp.f32 v60  }
0xd5: {  	v43 =	vmul.f32 v49, v43;
	v59 =	vsel vm14, v61, v40;
	v60 =	vadd.f32 $1.000000000e+00, v58;
	v61 =	vpop (erf)  }
0xd6: {  	v40 =	vadd.f32 v53, v3;
	v3 =	vmul.f32 $6.931471820e-01, v59;
	v53 =	vmul.f32 v61, v56  }
0xd7: {  	v2 =	vshra.s32 v2, $0x17;
	v41 =	vadd.f32 v4, v41;
	(erf) = vrcp.f32 v60  }
0xd8: {  	v4 =	vsub.f32 $1.009999990e+00, v43;
	v43 =	vadd.f32 v55, v3;
	v3 =	vmul.f32 v53, v53  }
0xd9: {  	v33 =	vadd.f32 v45, v33;
	v2 =	vadd.s32 $0xFFFFFF81, v2;
	v42 =	vmul.f32 $6.931471820e-01, v42  }
0xda: {  	v2 =	vcvt.s32.f32 v2;
	v62 =	vand.u32 $0x7FFFFF, v4;
	v63 =	vmul.f32 $2.857142980e-01, v3  }
0xdb: {  	v52 =	vmul.f32 v49, v52;
	v51 =	vmul.f32 v49, v51;
	v42 =	vadd.f32 v54, v42  }
0xdc: {  	v45 =	vor.u32 $0x3F800000, v62;
	v60 =	vadd.f32 $-1.000000000e+00, v57;
	v54 =	vadd.f32 $4.000000060e-01, v63  }
0xdd: {  	v48 =	vmul.f32 v49, v48;
	v61 =	vmul.f32 $5.000000000e-01, v45;
	v62 =	vpop (erf)  }
0xde: {  	v47 =	vmul.f32 v49, v47;
	vm10 =	vge.f32 v45, $1.414213540e+00;
	v55 =	vmul.f32 v62, v60  }
0xdf: {  	v57 =	vadd.f32 $-1.000000000e+00, v58;
	v56 =	vsel vm10, v61, v45;
	v45 =	vmul.f32 v54, v3  }
0xe0: {  	v52 =	vsub.f32 $1.009999990e+00, v52;
	v58 =	vadd.f32 $1.000000000e+00, v56;
	v54 =	vpop (erf);
	v60 =	vmul.f32 v55, v55  }
0xe1: {  	v46 =	vmul.f32 v49, v46;
	v45 =	vadd.f32 $6.666666860e-01, v45;
	v54 =	vmul.f32 v54, v57  }
0xe2: {  	(erf) = vrcp.f32 v58;
	v57 =	vand.u32 $0x7FFFFF, v52;
	v58 =	vmul.f32 $2.857142980e-01, v60  }
0xe3: {  	v59 =	vadd.f32 $1.000000000e+00, v2;
	v57 =	vor.u32 $0x3F800000, v57;
	v61 =	vmul.f32 v54, v54  }
0xe4: {  	v3 =	vmul.f32 v45, v3;
	v63 =	vmul.f32 $5.000000000e-01, v57;
	v58 =	vadd.f32 $4.000000060e-01, v58  }
0xe5: {  	v2 =	vsel vm15, v59, v2;
	vm11 =	vge.f32 v57, $1.414213540e+00;
	v62 =	vmul.f32 $2.857142980e-01, v61  }
0xe6: {  	v3 =	vadd.f32 $2.000000000e+00, v3;
	v57 =	vsel vm11, v63, v57;
	v63 =	vmul.f32 v58, v60  }
0xe7: {  	v44 =	vmul.f32 v49, v44;
	v2 =	vmul.f32 $6.931471820e-01, v2;
	v58 =	vadd.f32 $4.000000060e-01, v62  }
0xe8: {  	v3 =	vmul.f32 v3, v53;
	v62 =	vadd.f32 $1.000000000e+00, v57;
	v63 =	vadd.f32 $6.666666860e-01, v63  }
0xe9: {  	v11 =	vshra.s32 v11, $0x17;
	v0 =	vshra.s32 v0, $0x17;
	v4 =	vshra.s32 v4, $0x17  }
0xea: {  	v11 =	vadd.s32 $0xFFFFFF81, v11;
	v45 =	vadd.f32 v3, v2;
	(erf) = vrcp.f32 v62  }
0xeb: {  	v2 =	vcvt.s32.f32 v11;
	v3 =	vadd.f32 $-1.000000000e+00, v56;
	v58 =	vmul.f32 v58, v61  }
0xec: {  	v0 =	vadd.s32 $0xFFFFFF81, v0;
	v4 =	vadd.s32 $0xFFFFFF81, v4;
	v11 =	vmul.f32 v63, v60;
	v63 =	vpop (erf)  }
0xed: {  	v60 =	vadd.f32 $1.000000000e+00, v2;
	v62 =	vadd.f32 $6.666666860e-01, v58;
	v3 =	vmul.f32 v63, v3  }
0xee: {  	v0 =	vcvt.s32.f32 v0;
	v4 =	vcvt.s32.f32 v4;
	v11 =	vadd.f32 $2.000000000e+00, v11  }
0xef: {  	v2 =	vsel vm8, v60, v2;
	v53 =	vmul.f32 v62, v61;
	v56 =	vmul.f32 v3, v3  }
0xf0: {  	v59 =	vsub.f32 $1.009999990e+00, v51;
	v2 =	vmul.f32 $6.931471820e-01, v2;
	v11 =	vmul.f32 v11, v55  }
0xf1: {  	v62 =	vadd.f32 $1.000000000e+00, v0;
	v53 =	vadd.f32 $2.000000000e+00, v53;
	v63 =	vmul.f32 $2.857142980e-01, v56  }
0xf2: {  	v61 =	vand.u32 $0x7FFFFF, v59;
	v51 =	vadd.f32 v11, v2;
	v2 =	vadd.f32 $-1.000000000e+00, v57  }
0xf3: {  	v0 =	vsel vm9, v62, v0;
	v62 =	vor.u32 $0x3F800000, v61;
	v60 =	vpop (erf);
	v58 =	vadd.f32 $4.000000060e-01, v63  }
0xf4: {  	v21 =	vadd.f32 $0.0e+00, v21;
	v55 =	vmul.f32 $5.000000000e-01, v62;
	v2 =	vmul.f32 v60, v2  }
0xf5: {  	v40 =	vsub.f32 $0.0e+00, v40;
	v11 =	vmul.f32 v53, v54;
	v53 =	vmul.f32 v58, v56  }
0xf6: {  	v0 =	vmul.f32 $6.931471820e-01, v0;
	vm12 =	vge.f32 v62, $1.414213540e+00;
	v57 =	vmul.f32 v2, v2  }
0xf7: {  	v54 =	vsel vm12, v55, v62;
	v60 =	vmul.f32 v49, v50;
	v53 =	vadd.f32 $6.666666860e-01, v53  }
0xf8: {  	v50 =	vadd.f32 v11, v0;
	v0 =	vadd.f32 $1.000000000e+00, v4;
	v55 =	vmul.f32 $2.857142980e-01, v57  }
0xf9: {  	v32 =	vadd.f32 v45, v32;
	v58 =	vadd.f32 $1.000000000e+00, v54;
	v11 =	vmul.f32 v53, v56  }
0xfa: {  	v0 =	vsel vm10, v0, v4;
	v63 =	vadd.f32 $4.000000060e-01, v55;
	v55 =	vsub.f32 $1.009999990e+00, v60  }
0xfb: {  	v54 =	vadd.f32 $-1.000000000e+00, v54;
	(erf) = vrcp.f32 v58;
	v4 =	vadd.f32 $2.000000000e+00, v11  }
0xfc: {  	v11 =	vshra.s32 v52, $0x17;
	v60 =	vmul.f32 v63, v57;
	v61 =	vand.u32 $0x7FFFFF, v55  }
0xfd: {  	v58 =	vsub.f32 $1.009999990e+00, v48;
	v11 =	vadd.s32 $0xFFFFFF81, v11;
	v53 =	vor.u32 $0x3F800000, v61  }
0xfe: {  	v11 =	vcvt.s32.f32 v11;
	v3 =	vmul.f32 v4, v3;
	v4 =	vadd.f32 $6.666666860e-01, v60  }
0xff: {  	v0 =	vmul.f32 $6.931471820e-01, v0;
	v61 =	vand.u32 $0x7FFFFF, v58;
	v62 =	vmul.f32 $5.000000000e-01, v53  }
0x100: {  	vm13 =	vge.f32 v53, $1.414213540e+00;
	v63 =	vadd.f32 $1.000000000e+00, v11;
	v4 =	vmul.f32 v4, v57  }
0x101: {  	v52 =	vsel vm13, v62, v53;
	v53 =	vor.u32 $0x3F800000, v61;
	v62 =	vshra.s32 v59, $0x17  }
0x102: {  	v48 =	vadd.f32 v3, v0;
	v60 =	vadd.f32 $1.000000000e+00, v52;
	v59 =	vmul.f32 $5.000000000e-01, v53  }
0x103: {  	vm14 =	vge.f32 v53, $1.414213540e+00;
	v11 =	vsel vm11, v63, v11;
	v4 =	vadd.f32 $2.000000000e+00, v4  }
0x104: {  	v48 =	vsub.f32 $0.0e+00, v48;
	(erf) = vrcp.f32 v60;
	v53 =	vsel vm14, v59, v53  }
0x105: {  	v59 =	vsub.f32 $1.009999990e+00, v47;
	v0 =	vmul.f32 $6.931471820e-01, v11;
	v63 =	vpop (erf);
	v60 =	vadd.f32 $1.000000000e+00, v53  }
0x106: {  	v2 =	vmul.f32 v4, v2;
	v4 =	vadd.s32 $0xFFFFFF81, v62;
	v54 =	vmul.f32 v63, v54  }
0x107: {  	v3 =	vcvt.s32.f32 v4;
	v11 =	vand.u32 $0x7FFFFF, v59;
	(erf) = vrcp.f32 v60  }
0x108: {  	v47 =	vadd.f32 v2, v0;
	v2 =	vor.u32 $0x3F800000, v11;
	v56 =	vmul.f32 v54, v54  }
0x109: {  	v62 =	vshra.s32 v55, $0x17;
	v0 =	vadd.f32 $1.000000000e+00, v3;
	v11 =	vmul.f32 $5.000000000e-01, v2  }
0x10a: {  	v53 =	vadd.f32 $-1.000000000e+00, v53;
	vm15 =	vge.f32 v2, $1.414213540e+00;
	v4 =	vmul.f32 $2.857142980e-01, v56  }
0x10b: {  	v0 =	vsel vm12, v0, v3;
	v2 =	vsel vm15, v11, v2;
	v11 =	vsub.f32 $1.009999990e+00, v46  }
0x10c: {  	v3 =	vadd.f32 $-1.000000000e+00, v52;
	v46 =	vadd.s32 $0xFFFFFF81, v62;
	v63 =	vadd.f32 $1.000000000e+00, v2  }
0x10d: {  	v46 =	vcvt.s32.f32 v46;
	v4 =	vadd.f32 $4.000000060e-01, v4;
	v60 =	vand.u32 $0x7FFFFF, v11;
	v61 =	vpop (erf)  }
0x10e: {  	v47 =	vsub.f32 $0.0e+00, v47;
	v0 =	vmul.f32 $6.931471820e-01, v0;
	v3 =	vmul.f32 v61, v3  }
0x10f: {  	(erf) = vrcp.f32 v63;
	v52 =	vor.u32 $0x3F800000, v60;
	v4 =	vmul.f32 v4, v56  }
0x110: {  	v2 =	vadd.f32 $-1.000000000e+00, v2;
	v55 =	vmul.f32 $5.000000000e-01, v52;
	v57 =	vmul.f32 v3, v3;
	v60 =	vpop (erf)  }
0x111: {  	vm6 =	vge.f32 v52, $1.414213540e+00;
	v4 =	vadd.f32 $6.666666860e-01, v4;
	v53 =	vmul.f32 v60, v53  }
0x112: {  	v52 =	vsel vm6, v55, v52;
	v55 =	vsub.f32 $1.009999990e+00, v44;
	v49 =	vmul.f32 $2.857142980e-01, v57  }
0x113: {  	v4 =	vmul.f32 v4, v56;
	v56 =	vadd.f32 $1.000000000e+00, v46;
	v60 =	vmul.f32 v53, v53  }
0x114: {  	v61 =	vand.u32 $0x7FFFFF, v55;
	v44 =	vadd.f32 $4.000000060e-01, v49;
	v49 =	vadd.f32 $1.000000000e+00, v52  }
0x115: {  	v46 =	vsel vm13, v56, v46;
	v4 =	vadd.f32 $2.000000000e+00, v4;
	v56 =	vmul.f32 $2.857142980e-01, v60  }
0x116: {  	v44 =	vmul.f32 v44, v57;
	(erf) = vrcp.f32 v49;
	v49 =	vor.u32 $0x3F800000, v61  }
0x117: {  	v11 =	vshra.s32 v11, $0x17;
	v4 =	vmul.f32 v4, v54;
	v61 =	vmul.f32 $5.000000000e-01, v49  }
0x118: {  	v11 =	vadd.s32 $0xFFFFFF81, v11;
	v52 =	vadd.f32 $-1.000000000e+00, v52;
	v56 =	vadd.f32 $4.000000060e-01, v56  }
0x119: {  	vm7 =	vge.f32 v49, $1.414213540e+00;
	v44 =	vadd.f32 $6.666666860e-01, v44;
	v0 =	vadd.f32 v4, v0  }
0x11a: {  	v54 =	vsub.f32 $0.0e+00, v34;
	v49 =	vsel vm7, v61, v49;
	v63 =	vmul.f32 v56, v60  }
0x11b: {  	v44 =	vmul.f32 v44, v57;
	v62 =	vadd.f32 $1.000000000e+00, v49;
	v0 =	vsub.f32 $0.0e+00, v0;
	v61 =	vpop (erf)  }
0x11c: {  	v34 =	vadd.f32 $6.666666860e-01, v63;
	v63 =	vmul.f32 $6.931471820e-01, v46;
	v2 =	vmul.f32 v61, v2  }
0x11d: {  	v44 =	vadd.f32 $2.000000000e+00, v44;
	v61 =	vshra.s32 v58, $0x17;
	(erf) = vrcp.f32 v62  }
0x11e: {  	v56 =	vadd.s32 $0xFFFFFF81, v61;
	v34 =	vmul.f32 v34, v60;
	v57 =	vmul.f32 v2, v2  }
0x11f: {  	v58 =	vsub.f32 $0.0e+00, v36;
	v3 =	vmul.f32 v44, v3;
	v44 =	vcvt.s32.f32 v56  }
0x120: {  	v60 =	vsub.f32 $0.0e+00, v35;
	v62 =	vpop (erf);
	v4 =	vadd.f32 $2.000000000e+00, v34;
	v36 =	vmul.f32 $2.857142980e-01, v57  }
0x121: {  	v52 =	vmul.f32 v62, v52;
	v56 =	vadd.f32 $1.000000000e+00, v44;
	v3 =	vadd.f32 v3, v63  }
0x122: {  	v62 =	vshra.s32 v59, $0x17;
	v63 =	vadd.f32 $-1.000000000e+00, v49;
	v36 =	vadd.f32 $4.000000060e-01, v36  }
0x123: {  	v4 =	vmul.f32 v4, v53;
	v46 =	vsel vm14, v56, v44;
	v35 =	vmul.f32 v52, v52  }
0x124: {  	v44 =	vsub.f32 $0.0e+00, v39;
	v46 =	vmul.f32 $6.931471820e-01, v46;
	v61 =	vmul.f32 v36, v57  }
0x125: {  	v3 =	vsub.f32 $0.0e+00, v3;
	v36 =	vadd.s32 $0xFFFFFF81, v62;
	v56 =	vmul.f32 $2.857142980e-01, v35  }
0x126: {  	v59 =	vpop (erf);
	v36 =	vcvt.s32.f32 v36;
	v4 =	vadd.f32 v4, v46;
	v34 =	vadd.f32 $6.666666860e-01, v61  }
0x127: {  	v53 =	vmul.f32 v59, v63;
	v61 =	vadd.f32 $4.000000060e-01, v56;
	v59 =	vsub.f32 $0.0e+00, v38  }
0x128: {  	v11 =	vcvt.s32.f32 v11;
	v38 =	vsub.f32 $0.0e+00, v41;
	v62 =	vadd.f32 $1.000000000e+00, v36  }
0x129: {  	v4 =	vsub.f32 $0.0e+00, v4;
	v34 =	vmul.f32 v34, v57;
	v56 =	vmul.f32 v53, v53  }
0x12a: {  	v57 =	vsub.f32 $0.0e+00, v37;
	v63 =	vmul.f32 v61, v35;
	v61 =	vadd.f32 $1.000000000e+00, v11  }
0x12b: {  	v37 =	vsub.f32 $0.0e+00, v42;
	v36 =	vsel vm15, v62, v36;
	v62 =	vmul.f32 $2.857142980e-01, v56  }
0x12c: {  	v63 =	vadd.f32 $6.666666860e-01, v63;
	v11 =	vsel vm6, v61, v11;
	v61 =	vshra.s32 v55, $0x17  }
0x12d: {  	v34 =	vadd.f32 $2.000000000e+00, v34;
	v41 =	vadd.s32 $0xFFFFFF81, v61;
	v61 =	vld [tilespmem:$0x2C80];
	v49 =	vadd.f32 $4.000000060e-01, v62  }
0x12e: {  	v42 =	vsub.f32 $0.0e+00, v51;
	v35 =	vmul.f32 v63, v35;
	v62 =	vmul.f32 $6.931471820e-01, v36;
	v36 =	vld [tilespmem:s6+$0xFFFFFFF0]  }
0x12f: {  	v2 =	vmul.f32 v34, v2;
	v34 =	vsub.f32 $0.0e+00, v43;
	v39 =	vmul.f32 v49, v56  }
0x130: {  	v43 =	vsub.f32 $0.0e+00, v50;
	v41 =	vcvt.s32.f32 v41;
	v35 =	vadd.f32 $2.000000000e+00, v35  }
0x131: {  	v11 =	vmul.f32 $6.931471820e-01, v11;
	v2 =	vadd.f32 v2, v62;
	v39 =	vadd.f32 $6.666666860e-01, v39  }
0x132: {  	v63 =	vmul.f32 v35, v52;
	v52 =	vadd.f32 $1.000000000e+00, v41;
	v45 =	vmul.f32 v43, v61  }
0x133: {  	v46 =	vld [tilespmem:$0x2C00];
	vm1 =	vgt.s32 v36, $0x9;
	vm8 =	veq.s32 v36, $0x0;
	vm10 =	veq.s32 v36, $0x1  }
0x134: {  	vm12 =	veq.s32 v36, $0x2;
	vm14 =	veq.s32 v36, $0x3;
	vm4 =	veq.s32 v36, $0x4  }
0x135: {  	vm6 =	veq.s32 v36, $0x5;
	v39 =	vmul.f32 v39, v56;
	v41 =	vsel vm7, v52, v41  }
0x136: {  	v35 =	vld [tilespmem:s6+$0x0];
	v11 =	vadd.f32 v63, v11;
	v62 =	vnsel vm1, $0x0, v54;
	v20 =	vnsel vm10, $0x0, v20  }
0x137: {  	v51 =	vnsel vm1, $0x0, v60;
	v19 =	vnsel vm12, $0x0, v19;
	v39 =	vadd.f32 $2.000000000e+00, v39  }
0x138: {  	v50 =	vmul.f32 $6.931471820e-01, v41;
	v41 =	vsub.f32 $0.0e+00, v2;
	v2 =	vmul.f32 v54, v46  }
0x139: {  	v56 =	vld [tilespmem:$0x3400];
	v18 =	vnsel vm14, $0x0, v18;
	v17 =	vnsel vm4, $0x0, v17;
	v55 =	vmul.f32 v39, v53  }
0x13a: {  	v16 =	vnsel vm6, $0x0, v16;
	v46 =	vmul.f32 v42, v46;
	v2 =	vadd.f32 $0.0e+00, v2  }
0x13b: {  	v63 =	vld [tilespmem:$0x3480];
	vm0 =	vgt.s32 v35, $0x9;
	v39 =	vsub.f32 $0.0e+00, v11;
	v11 =	vadd.f32 v55, v50  }
0x13c: {  	v54 =	vnsel vm8, $0x0, v21;
	vm9 =	veq.s32 v35, $0x0;
	v42 =	vnsel vm0, $0x0, v42  }
0x13d: {  	v2 =	vnsel vm8, $0x0, v2;
	v21 =	vsub.f32 $0.0e+00, v11;
	v11 =	vnsel vm9, $0x0, v46  }
0x13e: {  	v49 =	vadd.f32 v62, v56;
	v56 =	vld [tilespmem:$0x2D00];
	v2 =	vadd.f32 v11, v2;
	v11 =	vnsel vm9, $0x0, v31  }
0x13f: {  	v55 =	vmul.f32 v58, v61;
	v58 =	vnsel vm1, $0x0, v58;
	v11 =	vadd.f32 v11, v54  }
0x140: {  	vm11 =	veq.s32 v35, $0x1;
	v42 =	vadd.f32 v42, v49;
	v49 =	vadd.f32 v58, v63  }
0x141: {  	v31 =	vnsel vm10, $0x0, v55;
	v11 =	vadd.f32 v11, v20;
	v20 =	vnsel vm0, $0x0, v43  }
0x142: {  	vm13 =	veq.s32 v35, $0x2;
	v2 =	vadd.f32 v2, v31;
	v20 =	vadd.f32 v20, v49;
	v49 =	vld [tilespmem:$0x2D80]  }
0x143: {  	vm15 =	veq.s32 v35, $0x3;
	v62 =	vnsel vm11, $0x0, v45;
	v61 =	vld [tilespmem:$0x3500];
	v63 =	vmul.f32 v60, v56  }
0x144: {  	vm5 =	veq.s32 v35, $0x4;
	v30 =	vnsel vm11, $0x0, v30;
	v2 =	vadd.f32 v2, v62  }
0x145: {  	v58 =	vld [tilespmem:$0x2E00];
	v53 =	vmul.f32 v48, v56;
	v31 =	vnsel vm12, $0x0, v63;
	v11 =	vadd.f32 v11, v30  }
0x146: {  	vm7 =	veq.s32 v35, $0x5;
	v29 =	vnsel vm13, $0x0, v29;
	v54 =	vld [tilespmem:$0x3580];
	v2 =	vadd.f32 v2, v31  }
0x147: {  	v55 =	vnsel vm13, $0x0, v53;
	v11 =	vadd.f32 v11, v19;
	v56 =	vmul.f32 v57, v49  }
0x148: {  	v60 =	vsel vm1, $0x0, v57;
	v52 =	vadd.f32 v51, v61;
	v2 =	vadd.f32 v2, v55  }
0x149: {  	v11 =	vadd.f32 v11, v29;
	v61 =	vmul.f32 v47, v49;
	v31 =	vnsel vm14, $0x0, v56  }
0x14a: {  	v63 =	vsel vm0, $0x0, v47;
	v46 =	vmul.f32 v59, v58;
	v2 =	vadd.f32 v2, v31  }
0x14b: {  	v29 =	vadd.f32 v60, v54;
	v47 =	vld [tilespmem:$0x2E80];
	v11 =	vadd.f32 v11, v18;
	v45 =	vnsel vm15, $0x0, v61  }
0x14c: {  	v28 =	vnsel vm15, $0x0, v28;
	v30 =	vmul.f32 v0, v58;
	v2 =	vadd.f32 v2, v45  }
0x14d: {  	v18 =	vadd.f32 v63, v29;
	v29 =	vnsel vm4, $0x0, v46;
	v11 =	vadd.f32 v11, v28  }
0x14e: {  	v27 =	vnsel vm5, $0x0, v27;
	vm8 =	veq.s32 v36, $0x6;
	v2 =	vadd.f32 v2, v29  }
0x14f: {  	vm11 =	veq.s32 v35, $0x7;
	v11 =	vadd.f32 v11, v17;
	v17 =	vnsel vm5, $0x0, v30  }
0x150: {  	v50 =	vld [tilespmem:$0x2F00];
	vm10 =	veq.s32 v36, $0x7;
	v2 =	vadd.f32 v2, v17;
	v17 =	vmul.f32 v44, v47  }
0x151: {  	v15 =	vnsel vm8, $0x0, v15;
	vm9 =	veq.s32 v35, $0x6;
	v14 =	vnsel vm10, $0x0, v14  }
0x152: {  	v51 =	vsel vm1, $0x0, v44;
	vm12 =	veq.s32 v36, $0x8;
	v17 =	vnsel vm6, $0x0, v17  }
0x153: {  	v53 =	vld [tilespmem:$0x3700];
	v11 =	vadd.f32 v11, v27;
	v2 =	vadd.f32 v2, v17;
	v17 =	vmul.f32 v3, v47  }
0x154: {  	vm13 =	veq.s32 v35, $0x8;
	v13 =	vnsel vm12, $0x0, v13;
	v0 =	vsel vm0, $0x0, v0  }
0x155: {  	v11 =	vadd.f32 v11, v16;
	v16 =	vnsel vm7, $0x0, v17;
	v17 =	vmul.f32 v40, v50  }
0x156: {  	v58 =	vsel vm1, $0x0, v37;
	v2 =	vadd.f32 v2, v16;
	v16 =	vnsel vm7, $0x0, v26  }
0x157: {  	v54 =	vld [tilespmem:$0x2F80];
	v11 =	vadd.f32 v11, v16;
	v16 =	vsel vm1, $0x0, v40;
	v17 =	vnsel vm8, $0x0, v17  }
0x158: {  	v55 =	vld [tilespmem:$0x3780];
	v16 =	vadd.f32 v16, v53;
	v2 =	vadd.f32 v2, v17;
	v17 =	vmul.f32 v4, v50  }
0x159: {  	v19 =	vnsel vm0, $0x0, v48;
	v48 =	vsel vm1, $0x0, v59;
	v4 =	vsel vm0, $0x0, v4  }
0x15a: {  	v11 =	vadd.f32 v11, v15;
	v15 =	vadd.f32 v4, v16;
	v4 =	vnsel vm9, $0x0, v17  }
0x15b: {  	v19 =	vadd.f32 v19, v52;
	v17 =	vld [tilespmem:$0x3000];
	v2 =	vadd.f32 v2, v4;
	v4 =	vnsel vm9, $0x0, v25  }
0x15c: {  	v62 =	vld [tilespmem:$0x3600];
	v16 =	vmul.f32 v38, v54;
	v4 =	vadd.f32 v11, v4;
	v11 =	vsel vm1, $0x0, v38  }
0x15d: {  	vm14 =	veq.s32 v36, $0x9;
	v56 =	vmul.f32 v41, v54;
	v11 =	vadd.f32 v11, v55  }
0x15e: {  	v49 =	vld [tilespmem:$0x3680];
	v16 =	vnsel vm10, $0x0, v16;
	v4 =	vadd.f32 v4, v14;
	v14 =	vsel vm0, $0x0, v41  }
0x15f: {  	vm15 =	veq.s32 v35, $0x9;
	v2 =	vadd.f32 v2, v16;
	v14 =	vadd.f32 v14, v11;
	v11 =	vld [tilespmem:$0x3080]  }
0x160: {  	v12 =	vnsel vm14, $0x0, v12;
	v16 =	vnsel vm11, $0x0, v56;
	v59 =	vmul.f32 v17, v37  }
0x161: {  	v28 =	vadd.f32 v48, v62;
	v2 =	vadd.f32 v2, v16;
	v16 =	vnsel vm11, $0x0, v24  }
0x162: {  	v17 =	vmul.f32 v39, v17;
	v4 =	vadd.f32 v4, v16;
	v60 =	vnsel vm12, $0x0, v59  }
0x163: {  	v57 =	vld [tilespmem:$0x3800];
	[tilespmem:$0x3580] =	vst v18;
	v18 =	vimm.f32 $1.000000000e+00;
	v52 =	vadd.f32 v51, v49;
	v2 =	vadd.f32 v2, v60  }
0x164: {  	v61 =	vld [tilespmem:$0x3880];
	v17 =	vnsel vm13, $0x0, v17;
	v4 =	vadd.f32 v4, v13;
	v62 =	vmul.f32 v11, v34  }
0x165: {  	v0 =	vadd.f32 v0, v28;
	v2 =	vadd.f32 v2, v17;
	v17 =	vnsel vm13, $0x0, v23  }
0x166: {  	[tilespmem:$0x3400] =	vst v42;
	v3 =	vsel vm0, $0x0, v3;
	v23 =	vld [tilespmem:$0x3900];
	v4 =	vadd.f32 v4, v17;
	v17 =	vnsel vm14, $0x0, v62  }
0x167: {  	[tilespmem:$0x3480] =	vst v20;
	v3 =	vadd.f32 v3, v52;
	v11 =	vmul.f32 v21, v11;
	v2 =	vadd.f32 v2, v17;
	v17 =	vld [tilespmem:$0x3A00]  }
0x168: {  	[tilespmem:$0x3600] =	vst v0;
	v0 =	vsel vm1, $0x0, v34;
	v16 =	vadd.f32 v58, v57;
	v4 =	vadd.f32 v4, v12;
	v12 =	vld [tilespmem:$0x3A80]  }
0x169: {  	[tilespmem:$0x3500] =	vst v19;
	v63 =	vld [tilespmem:$0x3980];
	v0 =	vadd.f32 v61, v0;
	v13 =	vsel vm0, $0x0, v39;
	v11 =	vnsel vm15, $0x0, v11  }
0x16a: {  	[tilespmem:$0x3680] =	vst v3;
	v19 =	vadd.f32 v13, v16;
	v13 =	vsel vm0, $0x0, v21;
	v2 =	vadd.f32 v2, v11;
	v11 =	vld [tilespmem:$0x3B00]  }
0x16b: {  	v3 =	vnsel vm15, $0x0, v22;
	[tilespmem:$0x3700] =	vst v15;
	v20 =	vadd.f32 v13, v0;
	v0 =	vsel vm1, $0x0, v33  }
0x16c: {  	[tilespmem:$0x3780] =	vst v14;
	v3 =	vadd.f32 v4, v3;
	v16 =	vadd.f32 v2, v23;
	v2 =	vsel vm1, $0x0, v18  }
0x16d: {  	[tilespmem:$0x3800] =	vst v19;
	v0 =	vadd.f32 v17, v0;
	v2 =	vadd.f32 v12, v2;
	v12 =	vimm.f32 $0.0e+00  }
0x16e: {  	p0 =	sne.s32 s5, $0x2760;
	[tilespmem:$0x3880] =	vst v20;
	v13 =	vadd.f32 v63, v3;
	v3 =	vsel vm0, $0x0, v32;
	v4 =	vsel vm1, $0x3F800000, v12  }
.Ltmp0:
0x16f: {  	[tilespmem:$0x3900] =	vst v16;
	v17 =	vadd.f32 v0, v3;
	v0 =	vsel vm0, $0x0, v18;
	v3 =	vadd.f32 v11, v4;
	(pc) =	sbr.rel @p0 .LBB2_1-.Ltmp0, $4  }
0x170: {  	[tilespmem:$0x3980] =	vst v13;
	v18 =	vadd.f32 v2, v0;
	v0 =	vsel vm0, $0x3F800000, v12  }
0x171: {  	[tilespmem:$0x3A00] =	vst v17;
	v12 =	vadd.f32 v3, v0  }
0x172: {  	[tilespmem:$0x3A80] =	vst v18  }
0x173: {  	s5 =	sadd.s32 $0x140, s5;
	s6 =	sadd.s32 $0x20, s6;
	[tilespmem:$0x3B00] =	vst v12  }
0x174: {  	v0 =	vld [tilespmem:$0x3400]  }
0x175: {  	v1 =	vld [tilespmem:$0x3480]  }
0x176: {  	v2 =	vld [tilespmem:$0x3500]  }
0x177: {  	v3 =	vld [tilespmem:$0x3580];
	_ =	sdelay $0x1  }
0x178: {  	v34 =	vld [tilespmem:$0x3600];
	(xrf2) =	vadd.scan.msk.f32 $0xffff, v0  }
0x179: {  	v35 =	vld [tilespmem:$0x3680];
	(xrf2) =	vadd.scan.msk.f32 $0xffff, v1  }
0x17a: {  	(xrf2) =	vadd.scan.msk.f32 $0xffff, v2  }
0x17b: {  	(xrf2) =	vadd.scan.msk.f32 $0xffff, v3;
	_ =	sdelay $0x1  }
0x17c: {  	(xrf2) =	vadd.scan.msk.f32 $0xffff, v34  }
0x17d: {  	(xrf2) =	vadd.scan.msk.f32 $0xffff, v35;
	_ =	sdelay $0x1  }
0x17e: {  	(xrf2) =	vadd.scan.msk.f32 $0xffff, v15;
	_ =	sdelay $0x1  }
0x17f: {  	v36, _, _ =	vpop (xrf2);
	(xrf2) =	vadd.scan.msk.f32 $0xffff, v14  }
0x180: {  	v0 =	vadd.f32 $0.0e+00, v36;
	v37, _, _ =	vpop (xrf2);
	(xrf2) =	vadd.scan.msk.f32 $0xffff, v19  }
0x181: {  	v39, _, _ =	vpop (xrf2);
	(xrf2) =	vadd.scan.msk.f32 $0xffff, v20  }
0x182: {  	v38 =	vlaneseq.u32;
	v1 =	vadd.f32 $0.0e+00, v37;
	v0 =	vbroadcast v0, $0xF;
	v41, _, _ =	vpop (xrf2);
	(xrf2) =	vadd.scan.msk.f32 $0xffff, v16  }
0x183: {  	vm1 =	vmmov $0x7;
	vm0 =	veq.s32 v38, $0x0;
	v40 =	vadd.f32 $0.0e+00, v39  }
0x184: {  	v1 =	vbroadcast v1, $0xF;
	v3 =	vadd.f32 $0.0e+00, v41;
	v43, _, _ =	vpop (xrf2);
	(xrf2) =	vadd.scan.msk.f32 $0xffff, v13;
	v0 =	vsel vm0, $0x0, v0  }
0x185: {  	vm0 =	vcmask $0xB08;
	v42 =	vbroadcast v40, $0xF;
	v2 =	vadd.f32 $0.0e+00, v43;
	v4, _, _ =	vpop (xrf2);
	(xrf2) =	vadd.scan.msk.f32 $0xffff, v17  }
0x186: {  	vm2 =	vmmov $0xf;
	v0 =	vsel vm0, v1, v0;
	v3 =	vbroadcast v3, $0xF;
	(xrf2) =	vadd.scan.msk.f32 $0xffff, v18  }
0x187: {  	v44 =	vadd.f32 $0.0e+00, v4;
	v45, _, _ =	vpop (xrf2);
	v0 =	vsel vm1, v0, v42;
	v2 =	vbroadcast v2, $0xF  }
0x188: {  	v46 =	vadd.f32 $0.0e+00, v45;
	v0 =	vsel vm2, v0, v3;
	vm2 =	vmmov $0x1f  }
0x189: {  	v1 =	vbroadcast v44, $0xF;
	v0 =	vsel vm2, v0, v2;
	v47, _, _ =	vpop (xrf2);
	(xrf2) =	vadd.scan.msk.f32 $0xffff, v12  }
0x18a: {  	vm2 =	vmmov $0x3f;
	v50 =	vbroadcast v46, $0xF;
	v48 =	vadd.f32 $0.0e+00, v47;
	v49, _, _ =	vpop (xrf2)  }
0x18b: {  	v0 =	vsel vm2, v0, v1;
	vm2 =	vmmov $0x7f;
	v51, _, _ =	vpop (xrf2);
	v4 =	vadd.f32 $0.0e+00, v49  }
0x18c: {  	v0 =	vsel vm2, v0, v50;
	v2 =	vbroadcast v48, $0xF;
	v52 =	vadd.f32 $0.0e+00, v51;
	v53, _, _ =	vpop (xrf2)  }
0x18d: {  	vm2 =	vmmov $0xff;
	v54 =	vbroadcast v4, $0xF;
	v3 =	vadd.f32 $0.0e+00, v53  }
0x18e: {  	v55, _, _ =	vpop (xrf2);
	v0 =	vsel vm2, v0, v2;
	vm2 =	vmmov $0x1ff;
	v1 =	vbroadcast v52, $0xF  }
0x18f: {  	v5, _, _ =	vpop (xrf2);
	v56 =	vadd.f32 $0.0e+00, v55;
	v0 =	vsel vm2, v0, v54;
	vm2 =	vmmov $0x3ff  }
0x190: {  	v57, _, _ =	vpop (xrf2);
	v58 =	vbroadcast v3, $0xF;
	v59 =	vadd.f32 $0.0e+00, v5;
	v0 =	vsel vm2, v0, v1  }
0x191: {  	vm2 =	vmmov $0x7ff;
	v2 =	vbroadcast v56, $0xF;
	v4 =	vadd.f32 $0.0e+00, v57  }
0x192: {  	v0 =	vsel vm2, v0, v58;
	vm2 =	vmmov $0xfff;
	v60 =	vbroadcast v59, $0xF  }
0x193: {  	v0 =	vsel vm2, v0, v2;
	vm2 =	vmmov $0x1fff;
	v61 =	vbroadcast v4, $0xF;
	v62, _, _ =	vpop (xrf2)  }
0x194: {  	v0 =	vsel vm2, v0, v60;
	vm2 =	vmmov $0x3fff;
	v63 =	vadd.f32 $0.0e+00, v62  }
0x195: {  	v0 =	vsel vm2, v0, v61;
	vm2 =	vmmov $0x7fff  }
0x196: {  	s4 =	sshll.u32 s2, $0x4;
	v0 =	vsel vm2, v0, v63  }
0x197: {  	s6 =	simm.s32 $0x3400;
	s5 =	sadd.s32 s3, s4;
	s4 =	simm.s32 $0x0;
	[tilespmem:$0x3400] =	vst v0  }
0x198: {  	[hbm4b:s5+s4] =	stream.linear.scatter [tilespmem:s6], [sflag:$0x1], $0x80, $0x38;
	[tilespmem:$0x4480] =	vst v63  }
0x199: {  	s5 =	simm.s32 $0x1  }
0x19a: {  	_ =	swait.ge [sflag:s5], $0x80  }
0x19b: {  	[sflag:s5] =	ssyncset.done $0x0  }
0x19c: {  	[sflag:s5] =	ssyncadd.s32 $0xFFFFFF80  }
0x19d: {  	p0 =	sne.s32 s2, $0x0;
	[bflag:$0x0] =	sbarrier.arrive $0xFFFF  }
0x19e: {  	_ =	sfence.sel @p0 $0x180000  }
0x19f: {  	[bflag:$0x0] =	sbarrier.arrive @p0 $0xFFFF  }
0x1a0: {  	_ =	strace @p0 $0x90000047  }
0x1a1: {  	[bflag:$0x2] =	sbarrier.arrive @p0 $0xFFFF  }
0x1a2: {  	_ =	shalt @p0  }
.LBB2_3:
0x1a3: {  	s2 =	simm.s32 $0x3C00  }
0x1a4: {  	[tilespmem:s2], [sflag:$0x1] =	stream.linear.gather [hbm4b:s3+s4], $0x800, $0x38;
	[tilespmem:$0x4480] =	vst v63  }
0x1a5: {  	_ =	swait.ge [sflag:s5], $0x800  }
0x1a6: {  	[sflag:s5] =	ssyncset.done $0x0  }
0x1a7: {  	[sflag:s5] =	ssyncadd.s32 $0xFFFFF800  }
0x1a8: {  	v0 =	vld [tilespmem:$0x3C00]  }
0x1a9: {  	v1 =	vld [tilespmem:$0x3C80];
	_ =	sdelay $0x1  }
0x1aa: {  	v2 =	vld [tilespmem:$0x3D00];
	_ =	sdelay $0x1  }
0x1ab: {  	v3 =	vld [tilespmem:$0x3D80]  }
0x1ac: {  	v0 =	vadd.f32 v1, v0  }
0x1ad: {  	v22 =	vld [tilespmem:$0x3E00]  }
0x1ae: {  	v0 =	vadd.f32 v2, v0  }
0x1af: {  	v23 =	vld [tilespmem:$0x3E80]  }
0x1b0: {  	v0 =	vadd.f32 v3, v0  }
0x1b1: {  	v24 =	vld [tilespmem:$0x3F00]  }
0x1b2: {  	v0 =	vadd.f32 v22, v0  }
0x1b3: {  	v25 =	vld [tilespmem:$0x3F80]  }
0x1b4: {  	v0 =	vadd.f32 v23, v0  }
0x1b5: {  	v26 =	vld [tilespmem:$0x4000]  }
0x1b6: {  	v0 =	vadd.f32 v24, v0  }
0x1b7: {  	v27 =	vld [tilespmem:$0x4080]  }
0x1b8: {  	v0 =	vadd.f32 v25, v0  }
0x1b9: {  	v28 =	vld [tilespmem:$0x4100]  }
0x1ba: {  	v0 =	vadd.f32 v26, v0  }
0x1bb: {  	v29 =	vld [tilespmem:$0x4180]  }
0x1bc: {  	v0 =	vadd.f32 v27, v0  }
0x1bd: {  	v30 =	vld [tilespmem:$0x4200]  }
0x1be: {  	v0 =	vadd.f32 v28, v0  }
0x1bf: {  	v31 =	vld [tilespmem:$0x4280]  }
0x1c0: {  	v0 =	vadd.f32 v29, v0  }
0x1c1: {  	v32 =	vld [tilespmem:$0x4300]  }
0x1c2: {  	v0 =	vadd.f32 v30, v0  }
0x1c3: {  	v33 =	vld [tilespmem:$0x4380]  }
0x1c4: {  	v0 =	vadd.f32 v31, v0;
	_ =	sdelay $0x1  }
0x1c5: {  	v34 =	vimm.s32 $0xF;
	v0 =	vadd.f32 v32, v0;
	_ =	sdelay $0x1  }
0x1c6: {  	v0 =	vadd.f32 v33, v0;
	_ =	sdelay $0x1  }
0x1c7: {  	s31 =	simm.s32 $0x4400;
	v35 =	vimm.s32 $0xE;
	[tilespmem:$0x4400] =	vst v0  }
0x1c8: {  	v1 =	vld.idx.msk [tilespmem:v34+s31+$0x0], $0xffff;
	_ =	sdelay $0x3  }
0x1c9: {  	v0 =	vld.idx.msk [tilespmem:v35+s31+$0x0], $0xffff  }
0x1ca: {  	v1 =	vmax.f32 v1, $1.000000000e+00  }
0x1cb: {  	v1 =	vmul.f32 $3.000000000e+00, v1;
	_ =	sdelay $0x1  }
0x1cc: {  	v36 =	vimm.s32 $0x1;
	(erf) = vrcp.f32 v1  }
0x1cd: {  	v37 =	vmax.f32 v0, $1.000000000e+00  }
0x1ce: {  	v38 =	vimm.s32 $0x2;
	v4 =	vmul.f32 $7.000000000e+00, v37;
	_ =	sdelay $0x1  }
0x1cf: {  	v5 =	vimm.s32 $0x3;
	(erf) = vrcp.f32 v4  }
0x1d0: {  	v2 =	vld.idx.msk [tilespmem:v36+s31+$0x0], $0xffff  }
0x1d1: {  	v39 =	vimm.s32 $0x4  }
0x1d2: {  	v3 =	vld.idx.msk [tilespmem:v38+s31+$0x0], $0xffff  }
0x1d3: {  	v6 =	vimm.s32 $0x5;
	v7 =	vld [tilespmem:$0x3100]  }
0x1d4: {  	v5 =	vld.idx.msk [tilespmem:v5+s31+$0x0], $0xffff;
	v8 =	vpop (erf)  }
0x1d5: {  	v9 =	vimm.s32 $0x6;
	v2 =	vmul.f32 v8, v2  }
0x1d6: {  	v4 =	vld.idx.msk [tilespmem:v39+s31+$0x0], $0xffff  }
0x1d7: {  	v10 =	vimm.s32 $0x7;
	v3 =	vmul.f32 v8, v3;
	v2 =	vadd.f32 $0.0e+00, v2  }
0x1d8: {  	v11 =	vimm.s32 $0x8;
	v6 =	vld.idx.msk [tilespmem:v6+s31+$0x0], $0xffff;
	v12 =	vpop (erf)  }
0x1d9: {  	v40 =	vmul.f32 v8, v5;
	v7 =	vmul.f32 v12, v7;
	v2 =	vadd.f32 v2, v3  }
0x1da: {  	v41 =	vld.idx.msk [tilespmem:v9+s31+$0x0], $0xffff  }
0x1db: {  	v42 =	vimm.s32 $0x9;
	v43 =	vmul.f32 v7, v4;
	v2 =	vadd.f32 v2, v40  }
0x1dc: {  	v45 =	vimm.s32 $0xA;
	v44 =	vld.idx.msk [tilespmem:v10+s31+$0x0], $0xffff  }
0x1dd: {  	v46 =	vimm.s32 $0xB;
	v47 =	vmul.f32 v7, v6;
	v2 =	vadd.f32 v2, v43  }
0x1de: {  	v49 =	vimm.s32 $0xC;
	v50 =	vimm.s32 $0xD;
	v48 =	vld.idx.msk [tilespmem:v11+s31+$0x0], $0xffff  }
0x1df: {  	(erf) = vrcp.f32 v37;
	v51 =	vmul.f32 v7, v41;
	v2 =	vadd.f32 v2, v47  }
0x1e0: {  	v52 =	vld.idx.msk [tilespmem:v42+s31+$0x0], $0xffff  }
0x1e1: {  	v53 =	vld.idx.msk [tilespmem:v45+s31+$0x0], $0xffff;
	(erf) = vrcp.f32 v0;
	v54 =	vmul.f32 v7, v44;
	v2 =	vadd.f32 v2, v51  }
0x1e2: {  	v55 =	vld.idx.msk [tilespmem:v46+s31+$0x0], $0xffff  }
0x1e3: {  	v56 =	vld.idx.msk [tilespmem:v49+s31+$0x0], $0xffff;
	v57 =	vmul.f32 v7, v48;
	v2 =	vadd.f32 v2, v54  }
0x1e4: {  	v58 =	vld.idx.msk [tilespmem:v50+s31+$0x0], $0xffff  }
0x1e5: {  	v1 =	vmul.f32 v7, v52;
	v2 =	vadd.f32 v2, v57;
	_ =	sdelay $0x1  }
0x1e6: {  	v59 =	vmul.f32 v7, v53;
	v1 =	vadd.f32 v2, v1  }
0x1e7: {  	v60 =	vpop (erf)  }
0x1e8: {  	v61 =	vsub.f32 v58, v56;
	v0 =	vmul.f32 v60, v55;
	v1 =	vadd.f32 v1, v59  }
0x1e9: {  	v62 =	vpop (erf)  }
0x1ea: {  	vm2 =	vcmask $0x300;
	v63 =	vmul.f32 v62, v61;
	v0 =	vsub.f32 v1, v0  }
0x1eb: {  	vm0 =	vmor vm2, vm0  }
0x1ec: {  	v0 =	vsel vm0, v63, v0  }
0x1ed: {  	v0 =	vnsel vm1, $0x0, v0  }
0x1ee: {  	[tilespmem:$0x4400] =	vst v0  }
0x1ef: {  	[hbm4b:s1+s4] =	stream.linear.scatter [tilespmem:s31], [sflag:$0x1], $0x80, $0x38;
	[tilespmem:$0x4480] =	vst v63  }
0x1f0: {  	_ =	swait.ge [sflag:s5], $0x80  }
0x1f1: {  	[sflag:s5] =	ssyncset.done $0x0  }
0x1f2: {  	[sflag:s5] =	ssyncadd.s32 $0xFFFFFF80  }
0x1f3: {  	_ =	sfence.sel $0x180000  }
0x1f4: {  	[bflag:$0x0] =	sbarrier.arrive $0xFFFF  }
0x1f5: {  	_ =	strace $0x90000047  }
0x1f6: {  	s0 =	sadd.s32 $0x100000, s0;
	[bflag:$0x2] =	sbarrier.arrive $0xFFFF  }
0x1f7: {  	[sflag:s0] =	ssyncadd.tile.s32 $0x1;
	_ =	shalt  }
.Lfunc_end2:
_tile_overlayer_lowered:
.L_overlay_start_2:
0x1f8: {  	(tag) =	ssettag $0x2  }
0x1f9: {  	s0 =	rddreg [dreg:$0x0];
	s2 =	stileid.u32  }
0x1fa: {  	s1 =	rddreg [dreg:$0x1];
	p0 =	sne.s32 s2, $0x0  }
0x1fb: {  	s3 =	rddreg [dreg:$0x2];
	[bflag:$0x3] =	sbarrier.arrive $0xFFFF;
	s2 =	simm.s32 @!p0 $0x1C01  }
0x1fc: {  	[timem:s3], [sflag:s2] =	dma.local @!p0 [hbm:s0], s1  }
0x1fd: {  	s0 =	simm.s32 @!p0 $0x1  }
0x1fe: {  	_ =	swait.ge @!p0 [sflag:s0], s1  }
0x1ff: {  	s1 =	ssub.s32 @!p0 $0x0, s1;
	[sflag:s0] =	ssyncset.done @!p0 $0x0  }
0x200: {  	[sflag:s0] =	ssyncadd.s32 @!p0 s1  }
0x201: {  	[bflag:$0x3] =	sbarrier.arrive $0xFFFF  }
0x202: {  	_ =	shalt  }

</sc_bundles>
